<compile_context>
chip_gen: v7x
topology: tpu7x:2x2x1
jax: 0.10.2.dev20260603
libtpu: 0.0.44.dev20260713+nightly
codegen_flags: <defaults>
</compile_context>

<pallas_src>
import math

import jax
import jax.numpy as jnp
from jax import lax
from jax.experimental import pallas as pl
from jax.experimental.pallas import tpu as pltpu
from jax.experimental.pallas import tpu_sc as plsc

S = 65536
T = 65536
BR = 32
B = 16
L = 16
BH = 8

LN_SMOOTH = math.log(0.9)

NC, NS = 2, 16
SRC_PER_TILE = S // NS
CHUNK = 128
N_CHUNKS = SRC_PER_TILE // CHUNK
WROWS = CHUNK * BR // 128
CROWS = CHUNK * BR
T_PER_TILE = T // NS
TB = 1024


def _pre_body(att_ref, dly_ref, w_ref):
    att = jnp.clip(att_ref[...], 0.0, 1.0)
    decay = jnp.exp(dly_ref[...].astype(jnp.float32) * LN_SMOOTH)
    w_ref[...] = att * decay


def _pre(att, dly):
    blk = 4096
    return pl.pallas_call(
        _pre_body,
        grid=(S // blk,),
        in_specs=[pl.BlockSpec((blk, BR), lambda i: (i, 0)),
                  pl.BlockSpec((blk, BR), lambda i: (i, 0))],
        out_specs=pl.BlockSpec((blk, BR), lambda i: (i, 0)),
        out_shape=jax.ShapeDtypeStruct((S, BR), jnp.float32),
    )(att, dly)


def _sc_body(spikes, w2, tgt2, zrows, out, sp_buf, w_buf, tgt_buf, contrib,
             tb, acc, sem_in, sem_sc):
    cid = lax.axis_index("c")
    sid = lax.axis_index("s")

    pltpu.sync_copy(zrows, acc.at[pl.ds(sid * T_PER_TILE, T_PER_TILE)])
    plsc.subcore_barrier()

    iota16 = lax.iota(jnp.int32, L)
    half8 = jnp.bitwise_and(iota16, 7)
    hi = jnp.right_shift(iota16, 3)
    pair = [2 * q + hi for q in range(16)]
    pair2d = [p[:, None] for p in pair[:8]]
    dnums = lax.GatherDimensionNumbers(
        offset_dims=(), collapsed_slice_dims=(0,), start_index_map=(0,))

    def bcast_pair(vec, q):
        return lax.gather(vec, pair2d[q], dnums, (1,),
                          mode=lax.GatherScatterMode.PROMISE_IN_BOUNDS)

    def in_slices(i):
        p2 = jnp.bitwise_and(i, 1)
        p3 = lax.rem(i, 3)
        src0 = pl.multiple_of(sid * SRC_PER_TILE + i * CHUNK, CHUNK)
        row0 = pl.multiple_of(src0 // 4, CHUNK // 4)
        return ((spikes.at[pl.ds(cid * BH, BH), src0 // CHUNK,
                           pl.ds(0, CHUNK)],
                 sp_buf.at[p2, :, pl.ds(0, CHUNK)]),
                (w2.at[pl.ds(row0, WROWS)], w_buf.at[p2]),
                (tgt2.at[pl.ds(row0, WROWS)], tgt_buf.at[p3]))

    def fire_inputs(i):
        for src, dst in in_slices(i):
            pltpu.async_copy(src, dst, sem_in)

    def wait_inputs(i):
        for src, dst in in_slices(i):
            pltpu.make_async_copy(src, dst, sem_in).wait()

    def scat_desc(p2, p3, j):
        j128 = pl.multiple_of(j * 128, 128)
        return pltpu.make_async_copy(contrib.at[p2, pl.ds(j128, 128)],
                                     acc.at[tgt_buf.at[p3, j]], sem_sc)

    fire_inputs(0)

    def chunk_body(i, _):
        p2 = jnp.bitwise_and(i, 1)
        p3 = lax.rem(i, 3)
        wait_inputs(i)

        @pl.when(i >= 2)
        def _():
            p3d = lax.rem(i + 1, 3)

            def drain_body(j, _):
                scat_desc(p2, p3d, j).wait()
                return 0

            lax.fori_loop(0, WROWS, drain_body, 0)

        @pl.when(i + 1 < N_CHUNKS)
        def _():
            fire_inputs(i + 1)

        spb = sp_buf.at[p2]
        wb = w_buf.at[p2]
        ctb = contrib.at[p2]

        def grp_body(j, _):
            for cc in range(4):
                c = j * 4 + cc
                spk = plsc.load_gather(spb, [half8,
                                             jnp.full((L,), c, jnp.int32)])
                w_lo = wb[j, pl.ds(cc * 32, 16)]
                w_hi = wb[j, pl.ds(cc * 32 + 16, 16)]
                cs = ctb.at[pl.ds(pl.multiple_of(c * 32, 32), 32)]
                for q in range(8):
                    plsc.store_scatter(cs, [pair[q], half8],
                                       spk * bcast_pair(w_lo, q))
                for q in range(8):
                    plsc.store_scatter(cs, [pair[8 + q], half8],
                                       spk * bcast_pair(w_hi, q))
            return 0

        def grp_scat(j, _):
            grp_body(j, 0)
            j128 = pl.multiple_of(j * 128, 128)
            pltpu.async_copy(contrib.at[p2, pl.ds(j128, 128)],
                             acc.at[tgt_buf.at[p3, j]], sem_sc, add=True)
            return 0

        lax.fori_loop(0, WROWS, grp_scat, 0)
        return 0

    lax.fori_loop(0, N_CHUNKS, chunk_body, 0)

    for k in (N_CHUNKS - 2, N_CHUNKS - 1):

        def tail_drain(j, _, k=k):
            scat_desc(k & 1, k % 3, j).wait()
            return 0

        lax.fori_loop(0, WROWS, tail_drain, 0)

    plsc.subcore_barrier()
    va = contrib.at[0]
    pltpu.sync_copy(acc.at[pl.ds(sid * T_PER_TILE, T_PER_TILE)], va)
    for p in range(T_PER_TILE // TB):

        def tp_body(t2, _, p=p):
            row = jnp.full((L,), p * TB + 2 * t2, jnp.int32) + hi
            v = plsc.load_gather(va, [row, half8])
            plsc.store_scatter(tb, [half8,
                                    jnp.full((L,), 2 * t2, jnp.int32) + hi],
                               v)
            return 0

        lax.fori_loop(0, TB // 2, tp_body, 0)
        pltpu.sync_copy(
            tb.at[:, pl.ds(0, TB)],
            out.at[cid, :, pl.ds(sid * T_PER_TILE + p * TB, TB)])


_sc_scatter = pl.kernel(
    _sc_body,
    out_type=jax.ShapeDtypeStruct((NC, BH, T), jnp.float32),
    mesh=plsc.VectorSubcoreMesh(core_axis_name="c", subcore_axis_name="s",
                                num_cores=NC, num_subcores=NS),
    scratch_types=[
        pltpu.VMEM((2, BH, 137), jnp.float32),
        pltpu.VMEM((2, WROWS, 128), jnp.float32),
        pltpu.VMEM((3, WROWS, 128), jnp.int32),
        pltpu.VMEM((2, CROWS, BH), jnp.float32),
        pltpu.VMEM((BH, TB + 3), jnp.float32),
        pltpu.VMEM_SHARED((T, BH), jnp.float32),
        pltpu.SemaphoreType.DMA,
        pltpu.SemaphoreType.DMA,
    ],
    compiler_params=pltpu.CompilerParams(needs_layout_passes=False,
                                         use_tc_tiling_on_sc=False),
)


def kernel(spikes, attenuation, target_indices, delays):
    sp3 = spikes.reshape(B, S // CHUNK, CHUNK)
    w2 = _pre(attenuation, delays).reshape(S * BR // 128, 128)
    tgt2 = target_indices.astype(jnp.int32).reshape(S * BR // 128, 128)
    zrows = jnp.zeros((T_PER_TILE, BH), jnp.float32)
    return _sc_scatter(sp3, w2, tgt2, zrows).reshape(B, T)

# --- scband reference (transcript-rebuilt; emitter-appended) ---
"""Pipeline reference for scband-axon-53489522704543 (READ-ONLY COPY).

The authoritative reference and input builder live on the scoring server;
editing this copy changes nothing except your own understanding.
"""

import jax, jax.numpy as jnp
import numpy as np

# Constants standing in for the original config globals
SMOOTHING = 0.9            # NEURON_CONFIG['signal_smoothing']
DELAY_MIN, DELAY_MAX = 1, 10  # AXON_CONFIG delay range
ATT_MIN, ATT_MAX = 0.1, 1.0   # AXON_CONFIG attenuation range
NUM_SOURCE = 65536
NUM_TARGET = 65536
NUM_BRANCHES = 32
BATCH = 16


def setup_inputs(seed: int = 0) -> dict:
    key = jax.random.key(seed)
    k1, k2, k3, k4 = jax.random.split(key, 4)
    spikes = jax.random.uniform(k1, (BATCH, NUM_SOURCE), dtype=jnp.float32)
    # learned parameter: per-branch attenuation
    attenuation = jax.random.uniform(
        k2, (NUM_SOURCE, NUM_BRANCHES), dtype=jnp.float32,
        minval=ATT_MIN, maxval=ATT_MAX)
    # buffers: target indices and integer delays (constants)
    target_indices = jax.random.randint(
        k3, (NUM_SOURCE, NUM_BRANCHES), 0, NUM_TARGET, dtype=jnp.int64
        if jax.config.jax_enable_x64 else jnp.int32)
    delays = jax.random.randint(
        k4, (NUM_SOURCE, NUM_BRANCHES), DELAY_MIN, DELAY_MAX + 1,
        dtype=jnp.int32)
    return {
        "spikes": spikes,
        "attenuation": attenuation,
        "target_indices": target_indices,
        "delays": delays,
    }


def reference(spikes, attenuation, target_indices, delays):
    B = spikes.shape[0]
    S, Br = attenuation.shape
    # signal attenuation per branch (clamped to [0, 1])
    att = jnp.clip(attenuation, 0.0, 1.0)
    attenuated = spikes[:, :, None] * att[None, :, :]          # [B, S, Br]
    # delay-dependent exponential decay
    decay_factors = SMOOTHING ** delays.astype(jnp.float32)    # [S, Br]
    delayed_signals = attenuated * decay_factors[None, :, :]   # [B, S, Br]
    # scatter-add into target neurons
    flat_targets = jnp.broadcast_to(
        target_indices[None, :, :], (B, S, Br)).reshape(B, S * Br)
    flat_signals = delayed_signals.reshape(B, S * Br)
    target_input = jnp.zeros((B, NUM_TARGET), dtype=jnp.float32)
    batch_idx = jnp.arange(B)[:, None]
    target_input = target_input.at[batch_idx, flat_targets].add(flat_signals)
    return target_input

if __name__ == "__main__":
    import jax
    _d = setup_inputs()
    print(jax.jit(kernel)(*tuple(_d.values())))

</pallas_src>

<mosaic_0001>
#map = affine_map<(d0, d1) -> (0, 0, 0)>
#map1 = affine_map<(d0, d1) -> (0, 0)>
module attributes {stable_mosaic.version = 14 : i64} {
  func.func @_sc_body(%arg0: i32, %arg1: i32, %arg2: memref<16x512x128xf32, #tpu.memory_space<hbm>>, %arg3: memref<16384x128xf32, #tpu.memory_space<hbm>>, %arg4: memref<16384x128xi32, #tpu.memory_space<hbm>>, %arg5: memref<4096x8xf32, #tpu.memory_space<hbm>>, %arg6: memref<2x8x65536xf32, #tpu.memory_space<hbm>>, %arg7: memref<2x8x137xf32, #tpu.memory_space<vmem>>, %arg8: memref<2x32x128xf32, #tpu.memory_space<vmem>>, %arg9: memref<3x32x128xi32, #tpu.memory_space<vmem>>, %arg10: memref<2x4096x8xf32, #tpu.memory_space<vmem>>, %arg11: memref<8x1027xf32, #tpu.memory_space<vmem>>, %arg12: memref<65536x8xf32, #tpu.memory_space<vmem_shared>>, %arg13: memref<!tpu.dma_semaphore, #tpu.memory_space<semaphore_mem>>, %arg14: memref<!tpu.dma_semaphore, #tpu.memory_space<semaphore_mem>>) attributes {dimension_semantics = [#tpu.dimension_semantics<core_parallel>, #tpu.dimension_semantics<subcore_parallel>], iteration_bounds = array<i64: 2, 16>, scalar_prefetch = 0 : i64, scratch_operands = 8 : i64, tpu.core_type = #tpu.core_type<sc_vector_subcore>, window_params = [{transform_indices = #map}, {transform_indices = #map1}, {transform_indices = #map1}, {transform_indices = #map1}, {transform_indices = #map}]} {
    %mul3A = arith.constant 4096 : i32
    %mul3A_0 = arith.muli %arg1, %mul3A : i32
    "tpu.region"() ({
      %run_scoped3A_221 = tpu.sem_alloc : memref<!tpu.dma_semaphore, #tpu.memory_space<semaphore_mem>>
      %dma_start3A_222 = arith.constant 0 : i32
      %dma_start3A_223 = tpu.memref_slice %arg12[%mul3A_0, %dma_start3A_222] : memref<65536x8xf32, #tpu.memory_space<vmem_shared>> -> memref<4096x8xf32, #tpu.memory_space<vmem_shared>>
      tpu.enqueue_dma source(%arg5 : memref<4096x8xf32, #tpu.memory_space<hbm>>) target(%dma_start3A_223 : memref<4096x8xf32, #tpu.memory_space<vmem_shared>>) target_semaphore(%run_scoped3A_221 : memref<!tpu.dma_semaphore, #tpu.memory_space<semaphore_mem>>)
      %dma_wait3A = arith.constant 0 : i32
      %dma_wait3A_224 = tpu.memref_slice %arg12[%mul3A_0, %dma_wait3A] : memref<65536x8xf32, #tpu.memory_space<vmem_shared>> -> memref<4096x8xf32, #tpu.memory_space<vmem_shared>>
      tpu.wait_dma2 semaphore(%run_scoped3A_221 : memref<!tpu.dma_semaphore, #tpu.memory_space<semaphore_mem>>) src(%arg5 : memref<4096x8xf32, #tpu.memory_space<hbm>>) dst(%dma_wait3A_224 : memref<4096x8xf32, #tpu.memory_space<vmem_shared>>)
      tpu.yield
    }) : () -> ()
    %barrier3A = arith.constant 0 : index
    tpu.barrier barrier_id(%barrier3A)
    %iota3A = tpu.iota {dimensions = array<i32: 0>} : vector<16xi32>
    %and3A = arith.constant 7 : i32
    %and3A_1 = vector.broadcast %and3A : i32 to vector<16xi32>
    %and3A_2 = arith.andi %iota3A, %and3A_1 : vector<16xi32>
    %shift_right_arithmetic3A = arith.constant 3 : i32
    %shift_right_arithmetic3A_3 = vector.broadcast %shift_right_arithmetic3A : i32 to vector<16xi32>
    %shift_right_arithmetic3A_4 = arith.shrsi %iota3A, %shift_right_arithmetic3A_3 : vector<16xi32>
    %add3A = arith.constant 0 : i32
    %add3A_5 = vector.broadcast %add3A : i32 to vector<16xi32>
    %add3A_6 = arith.addi %add3A_5, %shift_right_arithmetic3A_4 : vector<16xi32>
    %add3A_7 = arith.constant 2 : i32
    %add3A_8 = vector.broadcast %add3A_7 : i32 to vector<16xi32>
    %add3A_9 = arith.addi %add3A_8, %shift_right_arithmetic3A_4 : vector<16xi32>
    %add3A_10 = arith.constant 4 : i32
    %add3A_11 = vector.broadcast %add3A_10 : i32 to vector<16xi32>
    %add3A_12 = arith.addi %add3A_11, %shift_right_arithmetic3A_4 : vector<16xi32>
    %add3A_13 = arith.constant 6 : i32
    %add3A_14 = vector.broadcast %add3A_13 : i32 to vector<16xi32>
    %add3A_15 = arith.addi %add3A_14, %shift_right_arithmetic3A_4 : vector<16xi32>
    %add3A_16 = arith.constant 8 : i32
    %add3A_17 = vector.broadcast %add3A_16 : i32 to vector<16xi32>
    %add3A_18 = arith.addi %add3A_17, %shift_right_arithmetic3A_4 : vector<16xi32>
    %add3A_19 = arith.constant 10 : i32
    %add3A_20 = vector.broadcast %add3A_19 : i32 to vector<16xi32>
    %add3A_21 = arith.addi %add3A_20, %shift_right_arithmetic3A_4 : vector<16xi32>
    %add3A_22 = arith.constant 12 : i32
    %add3A_23 = vector.broadcast %add3A_22 : i32 to vector<16xi32>
    %add3A_24 = arith.addi %add3A_23, %shift_right_arithmetic3A_4 : vector<16xi32>
    %add3A_25 = arith.constant 14 : i32
    %add3A_26 = vector.broadcast %add3A_25 : i32 to vector<16xi32>
    %add3A_27 = arith.addi %add3A_26, %shift_right_arithmetic3A_4 : vector<16xi32>
    %add3A_28 = arith.constant 16 : i32
    %add3A_29 = vector.broadcast %add3A_28 : i32 to vector<16xi32>
    %add3A_30 = arith.addi %add3A_29, %shift_right_arithmetic3A_4 : vector<16xi32>
    %add3A_31 = arith.constant 18 : i32
    %add3A_32 = vector.broadcast %add3A_31 : i32 to vector<16xi32>
    %add3A_33 = arith.addi %add3A_32, %shift_right_arithmetic3A_4 : vector<16xi32>
    %add3A_34 = arith.constant 20 : i32
    %add3A_35 = vector.broadcast %add3A_34 : i32 to vector<16xi32>
    %add3A_36 = arith.addi %add3A_35, %shift_right_arithmetic3A_4 : vector<16xi32>
    %add3A_37 = arith.constant 22 : i32
    %add3A_38 = vector.broadcast %add3A_37 : i32 to vector<16xi32>
    %add3A_39 = arith.addi %add3A_38, %shift_right_arithmetic3A_4 : vector<16xi32>
    %add3A_40 = arith.constant 24 : i32
    %add3A_41 = vector.broadcast %add3A_40 : i32 to vector<16xi32>
    %add3A_42 = arith.addi %add3A_41, %shift_right_arithmetic3A_4 : vector<16xi32>
    %add3A_43 = arith.constant 26 : i32
    %add3A_44 = vector.broadcast %add3A_43 : i32 to vector<16xi32>
    %add3A_45 = arith.addi %add3A_44, %shift_right_arithmetic3A_4 : vector<16xi32>
    %add3A_46 = arith.constant 28 : i32
    %add3A_47 = vector.broadcast %add3A_46 : i32 to vector<16xi32>
    %add3A_48 = arith.addi %add3A_47, %shift_right_arithmetic3A_4 : vector<16xi32>
    %add3A_49 = arith.constant 30 : i32
    %add3A_50 = vector.broadcast %add3A_49 : i32 to vector<16xi32>
    %add3A_51 = arith.addi %add3A_50, %shift_right_arithmetic3A_4 : vector<16xi32>
    %broadcast_in_dim3A = vector.shape_cast %add3A_6 : vector<16xi32> to vector<16x1xi32>
    %broadcast_in_dim3A_52 = vector.shape_cast %add3A_9 : vector<16xi32> to vector<16x1xi32>
    %broadcast_in_dim3A_53 = vector.shape_cast %add3A_12 : vector<16xi32> to vector<16x1xi32>
    %broadcast_in_dim3A_54 = vector.shape_cast %add3A_15 : vector<16xi32> to vector<16x1xi32>
    %broadcast_in_dim3A_55 = vector.shape_cast %add3A_18 : vector<16xi32> to vector<16x1xi32>
    %broadcast_in_dim3A_56 = vector.shape_cast %add3A_21 : vector<16xi32> to vector<16x1xi32>
    %broadcast_in_dim3A_57 = vector.shape_cast %add3A_24 : vector<16xi32> to vector<16x1xi32>
    %broadcast_in_dim3A_58 = vector.shape_cast %add3A_27 : vector<16xi32> to vector<16x1xi32>
    %and3A_59 = arith.constant 0 : i32
    %and3A_60 = arith.constant 1 : i32
    %and3A_61 = arith.andi %and3A_59, %and3A_60 : i32
    %rem3A = arith.constant 0 : i32
    %rem3A_62 = arith.constant 3 : i32
    %rem3A_63 = arith.remsi %rem3A, %rem3A_62 : i32
    %mul3A_64 = arith.constant 4096 : i32
    %mul3A_65 = arith.muli %arg1, %mul3A_64 : i32
    %add3A_66 = arith.constant 0 : i32
    %add3A_67 = arith.addi %mul3A_65, %add3A_66 : i32
    %multiple_of3A = tpu.assume_multiple %add3A_67, 128 : i32
    %jit3A = arith.constant 4 : i32
    %div3A = arith.divsi %multiple_of3A, %jit3A : i32
    %sign3A = arith.constant 0 : i32
    %sign3A_68 = arith.cmpi sgt, %multiple_of3A, %sign3A : i32
    %sign3A_69 = arith.extui %sign3A_68 : i1 to i32
    %sign3A_70 = arith.constant 0 : i32
    %sign3A_71 = arith.cmpi slt, %multiple_of3A, %sign3A_70 : i32
    %sign3A_72 = arith.extui %sign3A_71 : i1 to i32
    %sign3A_73 = arith.subi %sign3A_69, %sign3A_72 : i32
    %sign3A_74 = arith.constant 0 : i32
    %sign3A_75 = arith.cmpi sgt, %jit3A, %sign3A_74 : i32
    %sign3A_76 = arith.extui %sign3A_75 : i1 to i32
    %sign3A_77 = arith.constant 0 : i32
    %sign3A_78 = arith.cmpi slt, %jit3A, %sign3A_77 : i32
    %sign3A_79 = arith.extui %sign3A_78 : i1 to i32
    %sign3A_80 = arith.subi %sign3A_76, %sign3A_79 : i32
    %ne3A = arith.cmpi ne, %sign3A_73, %sign3A_80 : i32
    %rem3A_81 = arith.remsi %multiple_of3A, %jit3A : i32
    %ne3A_82 = arith.constant 0 : i32
    %ne3A_83 = arith.cmpi ne, %rem3A_81, %ne3A_82 : i32
    %and3A_84 = arith.andi %ne3A, %ne3A_83 : i1
    %sub3A = arith.constant 1 : i32
    %sub3A_85 = arith.subi %div3A, %sub3A : i32
    %select_n3A = arith.select %and3A_84, %sub3A_85, %div3A : i32
    %multiple_of3A_86 = tpu.assume_multiple %select_n3A, 32 : i32
    %mul3A_87 = arith.constant 8 : i32
    %mul3A_88 = arith.muli %arg0, %mul3A_87 : i32
    %jit3A_89 = arith.constant 128 : i32
    %div3A_90 = arith.divsi %multiple_of3A, %jit3A_89 : i32
    %sign3A_91 = arith.constant 0 : i32
    %sign3A_92 = arith.cmpi sgt, %multiple_of3A, %sign3A_91 : i32
    %sign3A_93 = arith.extui %sign3A_92 : i1 to i32
    %sign3A_94 = arith.constant 0 : i32
    %sign3A_95 = arith.cmpi slt, %multiple_of3A, %sign3A_94 : i32
    %sign3A_96 = arith.extui %sign3A_95 : i1 to i32
    %sign3A_97 = arith.subi %sign3A_93, %sign3A_96 : i32
    %sign3A_98 = arith.constant 0 : i32
    %sign3A_99 = arith.cmpi sgt, %jit3A_89, %sign3A_98 : i32
    %sign3A_100 = arith.extui %sign3A_99 : i1 to i32
    %sign3A_101 = arith.constant 0 : i32
    %sign3A_102 = arith.cmpi slt, %jit3A_89, %sign3A_101 : i32
    %sign3A_103 = arith.extui %sign3A_102 : i1 to i32
    %sign3A_104 = arith.subi %sign3A_100, %sign3A_103 : i32
    %ne3A_105 = arith.cmpi ne, %sign3A_97, %sign3A_104 : i32
    %rem3A_106 = arith.remsi %multiple_of3A, %jit3A_89 : i32
    %ne3A_107 = arith.constant 0 : i32
    %ne3A_108 = arith.cmpi ne, %rem3A_106, %ne3A_107 : i32
    %and3A_109 = arith.andi %ne3A_105, %ne3A_108 : i1
    %sub3A_110 = arith.constant 1 : i32
    %sub3A_111 = arith.subi %div3A_90, %sub3A_110 : i32
    %select_n3A_112 = arith.select %and3A_109, %sub3A_111, %div3A_90 : i32
    %dma_start3A = arith.constant 0 : i32
    %dma_start3A_113 = arith.constant 0 : i32
    %dma_start3A_114 = tpu.memref_slice %arg7[%and3A_61, %dma_start3A, %dma_start3A_113] : memref<2x8x137xf32, #tpu.memory_space<vmem>> -> memref<1x8x128xf32, #tpu.memory_space<vmem>>
    %dma_start3A_115 = tpu.memref_squeeze %dma_start3A_114 : memref<1x8x128xf32, #tpu.memory_space<vmem>> -> memref<8x128xf32, #tpu.memory_space<vmem>>
    %dma_start3A_116 = arith.constant 0 : i32
    %dma_start3A_117 = tpu.memref_slice %arg2[%mul3A_88, %select_n3A_112, %dma_start3A_116] : memref<16x512x128xf32, #tpu.memory_space<hbm>> -> memref<8x1x128xf32, #tpu.memory_space<hbm>>
    %dma_start3A_118 = tpu.memref_squeeze %dma_start3A_117 : memref<8x1x128xf32, #tpu.memory_space<hbm>> -> memref<8x128xf32, #tpu.memory_space<hbm>>
    %dma_start3A_119 = arith.constant 0 : i32
    %dma_start3A_120 = arith.constant 0 : i32
    %dma_start3A_121 = tpu.memref_slice %arg7[%and3A_61, %dma_start3A_119, %dma_start3A_120] : memref<2x8x137xf32, #tpu.memory_space<vmem>> -> memref<1x8x128xf32, #tpu.memory_space<vmem>>
    %dma_start3A_122 = tpu.memref_squeeze %dma_start3A_121 : memref<1x8x128xf32, #tpu.memory_space<vmem>> -> memref<8x128xf32, #tpu.memory_space<vmem>>
    %dma_start3A_123 = arith.constant 0 : i32
    %dma_start3A_124 = tpu.memref_slice %arg2[%mul3A_88, %select_n3A_112, %dma_start3A_123] : memref<16x512x128xf32, #tpu.memory_space<hbm>> -> memref<8x1x128xf32, #tpu.memory_space<hbm>>
    %dma_start3A_125 = tpu.memref_squeeze %dma_start3A_124 : memref<8x1x128xf32, #tpu.memory_space<hbm>> -> memref<8x128xf32, #tpu.memory_space<hbm>>
    tpu.enqueue_dma source(%dma_start3A_125 : memref<8x128xf32, #tpu.memory_space<hbm>>) target(%dma_start3A_122 : memref<8x128xf32, #tpu.memory_space<vmem>>) target_semaphore(%arg13 : memref<!tpu.dma_semaphore, #tpu.memory_space<semaphore_mem>>)
    %dma_start3A_126 = arith.constant 0 : i32
    %dma_start3A_127 = arith.constant 0 : i32
    %dma_start3A_128 = tpu.memref_slice %arg8[%and3A_61, %dma_start3A_126, %dma_start3A_127] : memref<2x32x128xf32, #tpu.memory_space<vmem>> -> memref<1x32x128xf32, #tpu.memory_space<vmem>>
    %dma_start3A_129 = tpu.memref_squeeze %dma_start3A_128 : memref<1x32x128xf32, #tpu.memory_space<vmem>> -> memref<32x128xf32, #tpu.memory_space<vmem>>
    %dma_start3A_130 = arith.constant 0 : i32
    %dma_start3A_131 = tpu.memref_slice %arg3[%multiple_of3A_86, %dma_start3A_130] : memref<16384x128xf32, #tpu.memory_space<hbm>> -> memref<32x128xf32, #tpu.memory_space<hbm>>
    %dma_start3A_132 = arith.constant 0 : i32
    %dma_start3A_133 = arith.constant 0 : i32
    %dma_start3A_134 = tpu.memref_slice %arg8[%and3A_61, %dma_start3A_132, %dma_start3A_133] : memref<2x32x128xf32, #tpu.memory_space<vmem>> -> memref<1x32x128xf32, #tpu.memory_space<vmem>>
    %dma_start3A_135 = tpu.memref_squeeze %dma_start3A_134 : memref<1x32x128xf32, #tpu.memory_space<vmem>> -> memref<32x128xf32, #tpu.memory_space<vmem>>
    %dma_start3A_136 = arith.constant 0 : i32
    %dma_start3A_137 = tpu.memref_slice %arg3[%multiple_of3A_86, %dma_start3A_136] : memref<16384x128xf32, #tpu.memory_space<hbm>> -> memref<32x128xf32, #tpu.memory_space<hbm>>
    tpu.enqueue_dma source(%dma_start3A_137 : memref<32x128xf32, #tpu.memory_space<hbm>>) target(%dma_start3A_135 : memref<32x128xf32, #tpu.memory_space<vmem>>) target_semaphore(%arg13 : memref<!tpu.dma_semaphore, #tpu.memory_space<semaphore_mem>>)
    %dma_start3A_138 = arith.constant 0 : i32
    %dma_start3A_139 = arith.constant 0 : i32
    %dma_start3A_140 = tpu.memref_slice %arg9[%rem3A_63, %dma_start3A_138, %dma_start3A_139] : memref<3x32x128xi32, #tpu.memory_space<vmem>> -> memref<1x32x128xi32, #tpu.memory_space<vmem>>
    %dma_start3A_141 = tpu.memref_squeeze %dma_start3A_140 : memref<1x32x128xi32, #tpu.memory_space<vmem>> -> memref<32x128xi32, #tpu.memory_space<vmem>>
    %dma_start3A_142 = arith.constant 0 : i32
    %dma_start3A_143 = tpu.memref_slice %arg4[%multiple_of3A_86, %dma_start3A_142] : memref<16384x128xi32, #tpu.memory_space<hbm>> -> memref<32x128xi32, #tpu.memory_space<hbm>>
    %dma_start3A_144 = arith.constant 0 : i32
    %dma_start3A_145 = arith.constant 0 : i32
    %dma_start3A_146 = tpu.memref_slice %arg9[%rem3A_63, %dma_start3A_144, %dma_start3A_145] : memref<3x32x128xi32, #tpu.memory_space<vmem>> -> memref<1x32x128xi32, #tpu.memory_space<vmem>>
    %dma_start3A_147 = tpu.memref_squeeze %dma_start3A_146 : memref<1x32x128xi32, #tpu.memory_space<vmem>> -> memref<32x128xi32, #tpu.memory_space<vmem>>
    %dma_start3A_148 = arith.constant 0 : i32
    %dma_start3A_149 = tpu.memref_slice %arg4[%multiple_of3A_86, %dma_start3A_148] : memref<16384x128xi32, #tpu.memory_space<hbm>> -> memref<32x128xi32, #tpu.memory_space<hbm>>
    tpu.enqueue_dma source(%dma_start3A_149 : memref<32x128xi32, #tpu.memory_space<hbm>>) target(%dma_start3A_147 : memref<32x128xi32, #tpu.memory_space<vmem>>) target_semaphore(%arg13 : memref<!tpu.dma_semaphore, #tpu.memory_space<semaphore_mem>>)
    %scan3A = arith.constant 0 : i32
    %scan3A_150 = arith.constant 0 : i32
    %scan3A_151 = arith.constant 32 : i32
    %scan3A_152 = arith.addi %scan3A_150, %scan3A_151 : i32
    %scan3A_153 = arith.constant 1 : i32
    %scan3A_154 = scf.for %scan3A_221 = %scan3A_150 to %scan3A_152 step %scan3A_153 iter_args(%scan3A_222 = %scan3A) -> (i32)  : i32 {
      %and3A_223 = arith.constant 1 : i32
      %and3A_224 = arith.andi %scan3A_221, %and3A_223 : i32
      %rem3A_225 = arith.constant 3 : i32
      %rem3A_226 = arith.remsi %scan3A_221, %rem3A_225 : i32
      %and3A_227 = arith.constant 1 : i32
      %and3A_228 = arith.andi %scan3A_221, %and3A_227 : i32
      %rem3A_229 = arith.constant 3 : i32
      %rem3A_230 = arith.remsi %scan3A_221, %rem3A_229 : i32
      %mul3A_231 = arith.constant 4096 : i32
      %mul3A_232 = arith.muli %arg1, %mul3A_231 : i32
      %mul3A_233 = arith.constant 128 : i32
      %mul3A_234 = arith.muli %scan3A_221, %mul3A_233 : i32
      %add3A_235 = arith.addi %mul3A_232, %mul3A_234 : i32
      %multiple_of3A_236 = tpu.assume_multiple %add3A_235, 128 : i32
      %jit3A_237 = arith.constant 4 : i32
      %div3A_238 = arith.divsi %multiple_of3A_236, %jit3A_237 : i32
      %sign3A_239 = arith.constant 0 : i32
      %sign3A_240 = arith.cmpi sgt, %multiple_of3A_236, %sign3A_239 : i32
      %sign3A_241 = arith.extui %sign3A_240 : i1 to i32
      %sign3A_242 = arith.constant 0 : i32
      %sign3A_243 = arith.cmpi slt, %multiple_of3A_236, %sign3A_242 : i32
      %sign3A_244 = arith.extui %sign3A_243 : i1 to i32
      %sign3A_245 = arith.subi %sign3A_241, %sign3A_244 : i32
      %sign3A_246 = arith.constant 0 : i32
      %sign3A_247 = arith.cmpi sgt, %jit3A_237, %sign3A_246 : i32
      %sign3A_248 = arith.extui %sign3A_247 : i1 to i32
      %sign3A_249 = arith.constant 0 : i32
      %sign3A_250 = arith.cmpi slt, %jit3A_237, %sign3A_249 : i32
      %sign3A_251 = arith.extui %sign3A_250 : i1 to i32
      %sign3A_252 = arith.subi %sign3A_248, %sign3A_251 : i32
      %ne3A_253 = arith.cmpi ne, %sign3A_245, %sign3A_252 : i32
      %rem3A_254 = arith.remsi %multiple_of3A_236, %jit3A_237 : i32
      %ne3A_255 = arith.constant 0 : i32
      %ne3A_256 = arith.cmpi ne, %rem3A_254, %ne3A_255 : i32
      %and3A_257 = arith.andi %ne3A_253, %ne3A_256 : i1
      %sub3A_258 = arith.constant 1 : i32
      %sub3A_259 = arith.subi %div3A_238, %sub3A_258 : i32
      %select_n3A_260 = arith.select %and3A_257, %sub3A_259, %div3A_238 : i32
      %multiple_of3A_261 = tpu.assume_multiple %select_n3A_260, 32 : i32
      %mul3A_262 = arith.constant 8 : i32
      %mul3A_263 = arith.muli %arg0, %mul3A_262 : i32
      %jit3A_264 = arith.constant 128 : i32
      %div3A_265 = arith.divsi %multiple_of3A_236, %jit3A_264 : i32
      %sign3A_266 = arith.constant 0 : i32
      %sign3A_267 = arith.cmpi sgt, %multiple_of3A_236, %sign3A_266 : i32
      %sign3A_268 = arith.extui %sign3A_267 : i1 to i32
      %sign3A_269 = arith.constant 0 : i32
      %sign3A_270 = arith.cmpi slt, %multiple_of3A_236, %sign3A_269 : i32
      %sign3A_271 = arith.extui %sign3A_270 : i1 to i32
      %sign3A_272 = arith.subi %sign3A_268, %sign3A_271 : i32
      %sign3A_273 = arith.constant 0 : i32
      %sign3A_274 = arith.cmpi sgt, %jit3A_264, %sign3A_273 : i32
      %sign3A_275 = arith.extui %sign3A_274 : i1 to i32
      %sign3A_276 = arith.constant 0 : i32
      %sign3A_277 = arith.cmpi slt, %jit3A_264, %sign3A_276 : i32
      %sign3A_278 = arith.extui %sign3A_277 : i1 to i32
      %sign3A_279 = arith.subi %sign3A_275, %sign3A_278 : i32
      %ne3A_280 = arith.cmpi ne, %sign3A_272, %sign3A_279 : i32
      %rem3A_281 = arith.remsi %multiple_of3A_236, %jit3A_264 : i32
      %ne3A_282 = arith.constant 0 : i32
      %ne3A_283 = arith.cmpi ne, %rem3A_281, %ne3A_282 : i32
      %and3A_284 = arith.andi %ne3A_280, %ne3A_283 : i1
      %sub3A_285 = arith.constant 1 : i32
      %sub3A_286 = arith.subi %div3A_265, %sub3A_285 : i32
      %select_n3A_287 = arith.select %and3A_284, %sub3A_286, %div3A_265 : i32
      %dma_wait3A = arith.constant 0 : i32
      %dma_wait3A_288 = arith.constant 0 : i32
      %dma_wait3A_289 = tpu.memref_slice %arg7[%and3A_228, %dma_wait3A, %dma_wait3A_288] : memref<2x8x137xf32, #tpu.memory_space<vmem>> -> memref<1x8x128xf32, #tpu.memory_space<vmem>>
      %dma_wait3A_290 = tpu.memref_squeeze %dma_wait3A_289 : memref<1x8x128xf32, #tpu.memory_space<vmem>> -> memref<8x128xf32, #tpu.memory_space<vmem>>
      %dma_wait3A_291 = arith.constant 0 : i32
      %dma_wait3A_292 = tpu.memref_slice %arg2[%mul3A_263, %select_n3A_287, %dma_wait3A_291] : memref<16x512x128xf32, #tpu.memory_space<hbm>> -> memref<8x1x128xf32, #tpu.memory_space<hbm>>
      %dma_wait3A_293 = tpu.memref_squeeze %dma_wait3A_292 : memref<8x1x128xf32, #tpu.memory_space<hbm>> -> memref<8x128xf32, #tpu.memory_space<hbm>>
      %dma_wait3A_294 = arith.constant 0 : i32
      %dma_wait3A_295 = arith.constant 0 : i32
      %dma_wait3A_296 = tpu.memref_slice %arg7[%and3A_228, %dma_wait3A_294, %dma_wait3A_295] : memref<2x8x137xf32, #tpu.memory_space<vmem>> -> memref<1x8x128xf32, #tpu.memory_space<vmem>>
      %dma_wait3A_297 = tpu.memref_squeeze %dma_wait3A_296 : memref<1x8x128xf32, #tpu.memory_space<vmem>> -> memref<8x128xf32, #tpu.memory_space<vmem>>
      %dma_wait3A_298 = arith.constant 0 : i32
      %dma_wait3A_299 = tpu.memref_slice %arg2[%mul3A_263, %select_n3A_287, %dma_wait3A_298] : memref<16x512x128xf32, #tpu.memory_space<hbm>> -> memref<8x1x128xf32, #tpu.memory_space<hbm>>
      %dma_wait3A_300 = tpu.memref_squeeze %dma_wait3A_299 : memref<8x1x128xf32, #tpu.memory_space<hbm>> -> memref<8x128xf32, #tpu.memory_space<hbm>>
      tpu.wait_dma2 semaphore(%arg13 : memref<!tpu.dma_semaphore, #tpu.memory_space<semaphore_mem>>) src(%dma_wait3A_300 : memref<8x128xf32, #tpu.memory_space<hbm>>) dst(%dma_wait3A_297 : memref<8x128xf32, #tpu.memory_space<vmem>>)
      %dma_wait3A_301 = arith.constant 0 : i32
      %dma_wait3A_302 = arith.constant 0 : i32
      %dma_wait3A_303 = tpu.memref_slice %arg8[%and3A_228, %dma_wait3A_301, %dma_wait3A_302] : memref<2x32x128xf32, #tpu.memory_space<vmem>> -> memref<1x32x128xf32, #tpu.memory_space<vmem>>
      %dma_wait3A_304 = tpu.memref_squeeze %dma_wait3A_303 : memref<1x32x128xf32, #tpu.memory_space<vmem>> -> memref<32x128xf32, #tpu.memory_space<vmem>>
      %dma_wait3A_305 = arith.constant 0 : i32
      %dma_wait3A_306 = tpu.memref_slice %arg3[%multiple_of3A_261, %dma_wait3A_305] : memref<16384x128xf32, #tpu.memory_space<hbm>> -> memref<32x128xf32, #tpu.memory_space<hbm>>
      %dma_wait3A_307 = arith.constant 0 : i32
      %dma_wait3A_308 = arith.constant 0 : i32
      %dma_wait3A_309 = tpu.memref_slice %arg8[%and3A_228, %dma_wait3A_307, %dma_wait3A_308] : memref<2x32x128xf32, #tpu.memory_space<vmem>> -> memref<1x32x128xf32, #tpu.memory_space<vmem>>
      %dma_wait3A_310 = tpu.memref_squeeze %dma_wait3A_309 : memref<1x32x128xf32, #tpu.memory_space<vmem>> -> memref<32x128xf32, #tpu.memory_space<vmem>>
      %dma_wait3A_311 = arith.constant 0 : i32
      %dma_wait3A_312 = tpu.memref_slice %arg3[%multiple_of3A_261, %dma_wait3A_311] : memref<16384x128xf32, #tpu.memory_space<hbm>> -> memref<32x128xf32, #tpu.memory_space<hbm>>
      tpu.wait_dma2 semaphore(%arg13 : memref<!tpu.dma_semaphore, #tpu.memory_space<semaphore_mem>>) src(%dma_wait3A_312 : memref<32x128xf32, #tpu.memory_space<hbm>>) dst(%dma_wait3A_310 : memref<32x128xf32, #tpu.memory_space<vmem>>)
      %dma_wait3A_313 = arith.constant 0 : i32
      %dma_wait3A_314 = arith.constant 0 : i32
      %dma_wait3A_315 = tpu.memref_slice %arg9[%rem3A_230, %dma_wait3A_313, %dma_wait3A_314] : memref<3x32x128xi32, #tpu.memory_space<vmem>> -> memref<1x32x128xi32, #tpu.memory_space<vmem>>
      %dma_wait3A_316 = tpu.memref_squeeze %dma_wait3A_315 : memref<1x32x128xi32, #tpu.memory_space<vmem>> -> memref<32x128xi32, #tpu.memory_space<vmem>>
      %dma_wait3A_317 = arith.constant 0 : i32
      %dma_wait3A_318 = tpu.memref_slice %arg4[%multiple_of3A_261, %dma_wait3A_317] : memref<16384x128xi32, #tpu.memory_space<hbm>> -> memref<32x128xi32, #tpu.memory_space<hbm>>
      %dma_wait3A_319 = arith.constant 0 : i32
      %dma_wait3A_320 = arith.constant 0 : i32
      %dma_wait3A_321 = tpu.memref_slice %arg9[%rem3A_230, %dma_wait3A_319, %dma_wait3A_320] : memref<3x32x128xi32, #tpu.memory_space<vmem>> -> memref<1x32x128xi32, #tpu.memory_space<vmem>>
      %dma_wait3A_322 = tpu.memref_squeeze %dma_wait3A_321 : memref<1x32x128xi32, #tpu.memory_space<vmem>> -> memref<32x128xi32, #tpu.memory_space<vmem>>
      %dma_wait3A_323 = arith.constant 0 : i32
      %dma_wait3A_324 = tpu.memref_slice %arg4[%multiple_of3A_261, %dma_wait3A_323] : memref<16384x128xi32, #tpu.memory_space<hbm>> -> memref<32x128xi32, #tpu.memory_space<hbm>>
      tpu.wait_dma2 semaphore(%arg13 : memref<!tpu.dma_semaphore, #tpu.memory_space<semaphore_mem>>) src(%dma_wait3A_324 : memref<32x128xi32, #tpu.memory_space<hbm>>) dst(%dma_wait3A_322 : memref<32x128xi32, #tpu.memory_space<vmem>>)
      %ge3A = arith.constant 2 : i32
      %ge3A_325 = arith.cmpi sge, %scan3A_221, %ge3A : i32
      %convert_element_type3A = arith.extui %ge3A_325 : i1 to i32
      %cond3A = arith.constant 0 : i32
      %cond3A_326 = arith.cmpi ne, %convert_element_type3A, %cond3A : i32
      scf.if %cond3A_326 {
        %add3A_341 = arith.constant 1 : i32
        %add3A_342 = arith.addi %scan3A_221, %add3A_341 : i32
        %rem3A_343 = arith.constant 3 : i32
        %rem3A_344 = arith.remsi %add3A_342, %rem3A_343 : i32
        %scan3A_345 = arith.constant 0 : i32
        %scan3A_346 = arith.constant 0 : i32
        %scan3A_347 = arith.constant 32 : i32
        %scan3A_348 = arith.addi %scan3A_346, %scan3A_347 : i32
        %scan3A_349 = arith.constant 1 : i32
        %scan3A_350 = scf.for %scan3A_352 = %scan3A_346 to %scan3A_348 step %scan3A_349 iter_args(%scan3A_353 = %scan3A_345) -> (i32)  : i32 {
          %mul3A_354 = arith.constant 128 : i32
          %mul3A_355 = arith.muli %scan3A_352, %mul3A_354 : i32
          %multiple_of3A_356 = tpu.assume_multiple %mul3A_355, 128 : i32
          %dma_wait3A_357 = arith.constant 0 : i32
          %dma_wait3A_358 = tpu.memref_slice %arg10[%and3A_224, %multiple_of3A_356, %dma_wait3A_357] : memref<2x4096x8xf32, #tpu.memory_space<vmem>> -> memref<1x128x8xf32, #tpu.memory_space<vmem>>
          %dma_wait3A_359 = tpu.memref_squeeze %dma_wait3A_358 : memref<1x128x8xf32, #tpu.memory_space<vmem>> -> memref<128x8xf32, #tpu.memory_space<vmem>>
          %dma_wait3A_360 = arith.constant 0 : i32
          %dma_wait3A_361 = tpu.memref_slice %arg9[%rem3A_344, %scan3A_352, %dma_wait3A_360] : memref<3x32x128xi32, #tpu.memory_space<vmem>> -> memref<1x1x128xi32, #tpu.memory_space<vmem>>
          %dma_wait3A_362 = tpu.memref_squeeze %dma_wait3A_361 : memref<1x1x128xi32, #tpu.memory_space<vmem>> -> memref<128xi32, #tpu.memory_space<vmem>>
          %dma_wait3A_363 = arith.constant 0 : i32
          %dma_wait3A_364 = arith.constant 0 : i32
          %dma_wait3A_365 = tpu.memref_slice %arg12[%dma_wait3A_363, %dma_wait3A_364] : memref<65536x8xf32, #tpu.memory_space<vmem_shared>> -> memref<65536x8xf32, #tpu.memory_space<vmem_shared>>
          tpu.wait_indirect_dma semaphore(%arg14 : memref<!tpu.dma_semaphore, #tpu.memory_space<semaphore_mem>>) src(%dma_wait3A_359 : memref<128x8xf32, #tpu.memory_space<vmem>>) dst(%dma_wait3A_365 : memref<65536x8xf32, #tpu.memory_space<vmem_shared>>)
          %scan3A_366 = arith.constant 0 : i32
          scf.yield %scan3A_366 : i32
        }
        %scan3A_351 = arith.constant 32 : i32
      } else {
      }
      %add3A_327 = arith.constant 1 : i32
      %add3A_328 = arith.addi %scan3A_221, %add3A_327 : i32
      %lt3A = arith.constant 32 : i32
      %lt3A_329 = arith.cmpi slt, %add3A_328, %lt3A : i32
      %convert_element_type3A_330 = arith.extui %lt3A_329 : i1 to i32
      %cond3A_331 = arith.constant 0 : i32
      %cond3A_332 = arith.cmpi ne, %convert_element_type3A_330, %cond3A_331 : i32
      scf.if %cond3A_332 {
        %add3A_341 = arith.constant 1 : i32
        %add3A_342 = arith.addi %scan3A_221, %add3A_341 : i32
        %and3A_343 = arith.constant 1 : i32
        %and3A_344 = arith.andi %add3A_342, %and3A_343 : i32
        %rem3A_345 = arith.constant 3 : i32
        %rem3A_346 = arith.remsi %add3A_342, %rem3A_345 : i32
        %mul3A_347 = arith.constant 4096 : i32
        %mul3A_348 = arith.muli %arg1, %mul3A_347 : i32
        %mul3A_349 = arith.constant 128 : i32
        %mul3A_350 = arith.muli %add3A_342, %mul3A_349 : i32
        %add3A_351 = arith.addi %mul3A_348, %mul3A_350 : i32
        %multiple_of3A_352 = tpu.assume_multiple %add3A_351, 128 : i32
        %jit3A_353 = arith.constant 4 : i32
        %div3A_354 = arith.divsi %multiple_of3A_352, %jit3A_353 : i32
        %sign3A_355 = arith.constant 0 : i32
        %sign3A_356 = arith.cmpi sgt, %multiple_of3A_352, %sign3A_355 : i32
        %sign3A_357 = arith.extui %sign3A_356 : i1 to i32
        %sign3A_358 = arith.constant 0 : i32
        %sign3A_359 = arith.cmpi slt, %multiple_of3A_352, %sign3A_358 : i32
        %sign3A_360 = arith.extui %sign3A_359 : i1 to i32
        %sign3A_361 = arith.subi %sign3A_357, %sign3A_360 : i32
        %sign3A_362 = arith.constant 0 : i32
        %sign3A_363 = arith.cmpi sgt, %jit3A_353, %sign3A_362 : i32
        %sign3A_364 = arith.extui %sign3A_363 : i1 to i32
        %sign3A_365 = arith.constant 0 : i32
        %sign3A_366 = arith.cmpi slt, %jit3A_353, %sign3A_365 : i32
        %sign3A_367 = arith.extui %sign3A_366 : i1 to i32
        %sign3A_368 = arith.subi %sign3A_364, %sign3A_367 : i32
        %ne3A_369 = arith.cmpi ne, %sign3A_361, %sign3A_368 : i32
        %rem3A_370 = arith.remsi %multiple_of3A_352, %jit3A_353 : i32
        %ne3A_371 = arith.constant 0 : i32
        %ne3A_372 = arith.cmpi ne, %rem3A_370, %ne3A_371 : i32
        %and3A_373 = arith.andi %ne3A_369, %ne3A_372 : i1
        %sub3A_374 = arith.constant 1 : i32
        %sub3A_375 = arith.subi %div3A_354, %sub3A_374 : i32
        %select_n3A_376 = arith.select %and3A_373, %sub3A_375, %div3A_354 : i32
        %multiple_of3A_377 = tpu.assume_multiple %select_n3A_376, 32 : i32
        %mul3A_378 = arith.constant 8 : i32
        %mul3A_379 = arith.muli %arg0, %mul3A_378 : i32
        %jit3A_380 = arith.constant 128 : i32
        %div3A_381 = arith.divsi %multiple_of3A_352, %jit3A_380 : i32
        %sign3A_382 = arith.constant 0 : i32
        %sign3A_383 = arith.cmpi sgt, %multiple_of3A_352, %sign3A_382 : i32
        %sign3A_384 = arith.extui %sign3A_383 : i1 to i32
        %sign3A_385 = arith.constant 0 : i32
        %sign3A_386 = arith.cmpi slt, %multiple_of3A_352, %sign3A_385 : i32
        %sign3A_387 = arith.extui %sign3A_386 : i1 to i32
        %sign3A_388 = arith.subi %sign3A_384, %sign3A_387 : i32
        %sign3A_389 = arith.constant 0 : i32
        %sign3A_390 = arith.cmpi sgt, %jit3A_380, %sign3A_389 : i32
        %sign3A_391 = arith.extui %sign3A_390 : i1 to i32
        %sign3A_392 = arith.constant 0 : i32
        %sign3A_393 = arith.cmpi slt, %jit3A_380, %sign3A_392 : i32
        %sign3A_394 = arith.extui %sign3A_393 : i1 to i32
        %sign3A_395 = arith.subi %sign3A_391, %sign3A_394 : i32
        %ne3A_396 = arith.cmpi ne, %sign3A_388, %sign3A_395 : i32
        %rem3A_397 = arith.remsi %multiple_of3A_352, %jit3A_380 : i32
        %ne3A_398 = arith.constant 0 : i32
        %ne3A_399 = arith.cmpi ne, %rem3A_397, %ne3A_398 : i32
        %and3A_400 = arith.andi %ne3A_396, %ne3A_399 : i1
        %sub3A_401 = arith.constant 1 : i32
        %sub3A_402 = arith.subi %div3A_381, %sub3A_401 : i32
        %select_n3A_403 = arith.select %and3A_400, %sub3A_402, %div3A_381 : i32
        %dma_start3A_404 = arith.constant 0 : i32
        %dma_start3A_405 = arith.constant 0 : i32
        %dma_start3A_406 = tpu.memref_slice %arg7[%and3A_344, %dma_start3A_404, %dma_start3A_405] : memref<2x8x137xf32, #tpu.memory_space<vmem>> -> memref<1x8x128xf32, #tpu.memory_space<vmem>>
        %dma_start3A_407 = tpu.memref_squeeze %dma_start3A_406 : memref<1x8x128xf32, #tpu.memory_space<vmem>> -> memref<8x128xf32, #tpu.memory_space<vmem>>
        %dma_start3A_408 = arith.constant 0 : i32
        %dma_start3A_409 = tpu.memref_slice %arg2[%mul3A_379, %select_n3A_403, %dma_start3A_408] : memref<16x512x128xf32, #tpu.memory_space<hbm>> -> memref<8x1x128xf32, #tpu.memory_space<hbm>>
        %dma_start3A_410 = tpu.memref_squeeze %dma_start3A_409 : memref<8x1x128xf32, #tpu.memory_space<hbm>> -> memref<8x128xf32, #tpu.memory_space<hbm>>
        %dma_start3A_411 = arith.constant 0 : i32
        %dma_start3A_412 = arith.constant 0 : i32
        %dma_start3A_413 = tpu.memref_slice %arg7[%and3A_344, %dma_start3A_411, %dma_start3A_412] : memref<2x8x137xf32, #tpu.memory_space<vmem>> -> memref<1x8x128xf32, #tpu.memory_space<vmem>>
        %dma_start3A_414 = tpu.memref_squeeze %dma_start3A_413 : memref<1x8x128xf32, #tpu.memory_space<vmem>> -> memref<8x128xf32, #tpu.memory_space<vmem>>
        %dma_start3A_415 = arith.constant 0 : i32
        %dma_start3A_416 = tpu.memref_slice %arg2[%mul3A_379, %select_n3A_403, %dma_start3A_415] : memref<16x512x128xf32, #tpu.memory_space<hbm>> -> memref<8x1x128xf32, #tpu.memory_space<hbm>>
        %dma_start3A_417 = tpu.memref_squeeze %dma_start3A_416 : memref<8x1x128xf32, #tpu.memory_space<hbm>> -> memref<8x128xf32, #tpu.memory_space<hbm>>
        tpu.enqueue_dma source(%dma_start3A_417 : memref<8x128xf32, #tpu.memory_space<hbm>>) target(%dma_start3A_414 : memref<8x128xf32, #tpu.memory_space<vmem>>) target_semaphore(%arg13 : memref<!tpu.dma_semaphore, #tpu.memory_space<semaphore_mem>>)
        %dma_start3A_418 = arith.constant 0 : i32
        %dma_start3A_419 = arith.constant 0 : i32
        %dma_start3A_420 = tpu.memref_slice %arg8[%and3A_344, %dma_start3A_418, %dma_start3A_419] : memref<2x32x128xf32, #tpu.memory_space<vmem>> -> memref<1x32x128xf32, #tpu.memory_space<vmem>>
        %dma_start3A_421 = tpu.memref_squeeze %dma_start3A_420 : memref<1x32x128xf32, #tpu.memory_space<vmem>> -> memref<32x128xf32, #tpu.memory_space<vmem>>
        %dma_start3A_422 = arith.constant 0 : i32
        %dma_start3A_423 = tpu.memref_slice %arg3[%multiple_of3A_377, %dma_start3A_422] : memref<16384x128xf32, #tpu.memory_space<hbm>> -> memref<32x128xf32, #tpu.memory_space<hbm>>
        %dma_start3A_424 = arith.constant 0 : i32
        %dma_start3A_425 = arith.constant 0 : i32
        %dma_start3A_426 = tpu.memref_slice %arg8[%and3A_344, %dma_start3A_424, %dma_start3A_425] : memref<2x32x128xf32, #tpu.memory_space<vmem>> -> memref<1x32x128xf32, #tpu.memory_space<vmem>>
        %dma_start3A_427 = tpu.memref_squeeze %dma_start3A_426 : memref<1x32x128xf32, #tpu.memory_space<vmem>> -> memref<32x128xf32, #tpu.memory_space<vmem>>
        %dma_start3A_428 = arith.constant 0 : i32
        %dma_start3A_429 = tpu.memref_slice %arg3[%multiple_of3A_377, %dma_start3A_428] : memref<16384x128xf32, #tpu.memory_space<hbm>> -> memref<32x128xf32, #tpu.memory_space<hbm>>
        tpu.enqueue_dma source(%dma_start3A_429 : memref<32x128xf32, #tpu.memory_space<hbm>>) target(%dma_start3A_427 : memref<32x128xf32, #tpu.memory_space<vmem>>) target_semaphore(%arg13 : memref<!tpu.dma_semaphore, #tpu.memory_space<semaphore_mem>>)
        %dma_start3A_430 = arith.constant 0 : i32
        %dma_start3A_431 = arith.constant 0 : i32
        %dma_start3A_432 = tpu.memref_slice %arg9[%rem3A_346, %dma_start3A_430, %dma_start3A_431] : memref<3x32x128xi32, #tpu.memory_space<vmem>> -> memref<1x32x128xi32, #tpu.memory_space<vmem>>
        %dma_start3A_433 = tpu.memref_squeeze %dma_start3A_432 : memref<1x32x128xi32, #tpu.memory_space<vmem>> -> memref<32x128xi32, #tpu.memory_space<vmem>>
        %dma_start3A_434 = arith.constant 0 : i32
        %dma_start3A_435 = tpu.memref_slice %arg4[%multiple_of3A_377, %dma_start3A_434] : memref<16384x128xi32, #tpu.memory_space<hbm>> -> memref<32x128xi32, #tpu.memory_space<hbm>>
        %dma_start3A_436 = arith.constant 0 : i32
        %dma_start3A_437 = arith.constant 0 : i32
        %dma_start3A_438 = tpu.memref_slice %arg9[%rem3A_346, %dma_start3A_436, %dma_start3A_437] : memref<3x32x128xi32, #tpu.memory_space<vmem>> -> memref<1x32x128xi32, #tpu.memory_space<vmem>>
        %dma_start3A_439 = tpu.memref_squeeze %dma_start3A_438 : memref<1x32x128xi32, #tpu.memory_space<vmem>> -> memref<32x128xi32, #tpu.memory_space<vmem>>
        %dma_start3A_440 = arith.constant 0 : i32
        %dma_start3A_441 = tpu.memref_slice %arg4[%multiple_of3A_377, %dma_start3A_440] : memref<16384x128xi32, #tpu.memory_space<hbm>> -> memref<32x128xi32, #tpu.memory_space<hbm>>
        tpu.enqueue_dma source(%dma_start3A_441 : memref<32x128xi32, #tpu.memory_space<hbm>>) target(%dma_start3A_439 : memref<32x128xi32, #tpu.memory_space<vmem>>) target_semaphore(%arg13 : memref<!tpu.dma_semaphore, #tpu.memory_space<semaphore_mem>>)
      } else {
      }
      %scan3A_333 = arith.constant 0 : i32
      %scan3A_334 = arith.constant 0 : i32
      %scan3A_335 = arith.constant 32 : i32
      %scan3A_336 = arith.addi %scan3A_334, %scan3A_335 : i32
      %scan3A_337 = arith.constant 1 : i32
      %scan3A_338 = scf.for %scan3A_341 = %scan3A_334 to %scan3A_336 step %scan3A_337 iter_args(%scan3A_342 = %scan3A_333) -> (i32)  : i32 {
        %mul3A_343 = arith.constant 4 : i32
        %mul3A_344 = arith.muli %scan3A_341, %mul3A_343 : i32
        %add3A_345 = arith.constant 0 : i32
        %add3A_346 = arith.addi %mul3A_344, %add3A_345 : i32
        %broadcast_in_dim3A_347 = vector.broadcast %add3A_346 : i32 to vector<16xi32>
        %gather3A = arith.constant 0 : i32
        %gather3A_348 = arith.constant 0 : i32
        %gather3A_349 = tpu.memref_slice %arg7[%and3A_224, %gather3A, %gather3A_348] : memref<2x8x137xf32, #tpu.memory_space<vmem>> -> memref<1x8x137xf32, #tpu.memory_space<vmem>>
        %gather3A_350 = tpu.memref_squeeze %gather3A_349 : memref<1x8x137xf32, #tpu.memory_space<vmem>> -> memref<8x137xf32, #tpu.memory_space<vmem>>
        %gather3A_351 = tpu.vector_load_idx %gather3A_350[%and3A_2, %broadcast_in_dim3A_347] : memref<8x137xf32, #tpu.memory_space<vmem>>[vector<16xi32>, vector<16xi32>], vector<16xf32>,
        %get3A = arith.constant 0 : i32
        %get3A_352 = arith.constant 0 : i32
        %get3A_353 = tpu.memref_slice %arg8[%and3A_224, %get3A, %get3A_352] : memref<2x32x128xf32, #tpu.memory_space<vmem>> -> memref<1x32x128xf32, #tpu.memory_space<vmem>>
        %get3A_354 = tpu.memref_squeeze %get3A_353 : memref<1x32x128xf32, #tpu.memory_space<vmem>> -> memref<32x128xf32, #tpu.memory_space<vmem>>
        %get3A_355 = arith.index_cast %scan3A_341 : i32 to index
        %get3A_356 = arith.constant 0 : index
        %get3A_357 = tpu.vector_load %get3A_354[%get3A_355, %get3A_356] {strides = array<i32>} : memref<32x128xf32, #tpu.memory_space<vmem>>, vector<16xf32>,
        %get3A_358 = arith.constant 0 : i32
        %get3A_359 = arith.constant 0 : i32
        %get3A_360 = tpu.memref_slice %arg8[%and3A_224, %get3A_358, %get3A_359] : memref<2x32x128xf32, #tpu.memory_space<vmem>> -> memref<1x32x128xf32, #tpu.memory_space<vmem>>
        %get3A_361 = tpu.memref_squeeze %get3A_360 : memref<1x32x128xf32, #tpu.memory_space<vmem>> -> memref<32x128xf32, #tpu.memory_space<vmem>>
        %get3A_362 = arith.index_cast %scan3A_341 : i32 to index
        %get3A_363 = arith.constant 16 : index
        %get3A_364 = tpu.vector_load %get3A_361[%get3A_362, %get3A_363] {strides = array<i32>} : memref<32x128xf32, #tpu.memory_space<vmem>>, vector<16xf32>,
        %mul3A_365 = arith.constant 32 : i32
        %mul3A_366 = arith.muli %add3A_346, %mul3A_365 : i32
        %multiple_of3A_367 = tpu.assume_multiple %mul3A_366, 32 : i32
        %gather3A_368 = vector.shape_cast %broadcast_in_dim3A : vector<16x1xi32> to vector<16xi32>
        %gather3A_369 = tpu.dynamic_gather %get3A_357[%gather3A_368] in [0] : vector<16xf32>, vector<16xi32> -> vector<16xf32>
        %mul3A_370 = arith.mulf %gather3A_351, %gather3A_369 : vector<16xf32>
        %scatter3A = arith.constant 0 : i32
        %scatter3A_371 = arith.constant 0 : i32
        %scatter3A_372 = tpu.memref_slice %arg10[%and3A_224, %scatter3A, %scatter3A_371] : memref<2x4096x8xf32, #tpu.memory_space<vmem>> -> memref<1x4096x8xf32, #tpu.memory_space<vmem>>
        %scatter3A_373 = tpu.memref_squeeze %scatter3A_372 : memref<1x4096x8xf32, #tpu.memory_space<vmem>> -> memref<4096x8xf32, #tpu.memory_space<vmem>>
        %scatter3A_374 = arith.constant 0 : i32
        %scatter3A_375 = tpu.memref_slice %scatter3A_373[%multiple_of3A_367, %scatter3A_374] : memref<4096x8xf32, #tpu.memory_space<vmem>> -> memref<32x8xf32, #tpu.memory_space<vmem>>
        tpu.vector_store_idx %scatter3A_375[%add3A_6, %and3A_2], %mul3A_370 : memref<32x8xf32, #tpu.memory_space<vmem>>[vector<16xi32>, vector<16xi32>], vector<16xf32>,
        %gather3A_376 = vector.shape_cast %broadcast_in_dim3A_52 : vector<16x1xi32> to vector<16xi32>
        %gather3A_377 = tpu.dynamic_gather %get3A_357[%gather3A_376] in [0] : vector<16xf32>, vector<16xi32> -> vector<16xf32>
        %mul3A_378 = arith.mulf %gather3A_351, %gather3A_377 : vector<16xf32>
        %scatter3A_379 = arith.constant 0 : i32
        %scatter3A_380 = arith.constant 0 : i32
        %scatter3A_381 = tpu.memref_slice %arg10[%and3A_224, %scatter3A_379, %scatter3A_380] : memref<2x4096x8xf32, #tpu.memory_space<vmem>> -> memref<1x4096x8xf32, #tpu.memory_space<vmem>>
        %scatter3A_382 = tpu.memref_squeeze %scatter3A_381 : memref<1x4096x8xf32, #tpu.memory_space<vmem>> -> memref<4096x8xf32, #tpu.memory_space<vmem>>
        %scatter3A_383 = arith.constant 0 : i32
        %scatter3A_384 = tpu.memref_slice %scatter3A_382[%multiple_of3A_367, %scatter3A_383] : memref<4096x8xf32, #tpu.memory_space<vmem>> -> memref<32x8xf32, #tpu.memory_space<vmem>>
        tpu.vector_store_idx %scatter3A_384[%add3A_9, %and3A_2], %mul3A_378 : memref<32x8xf32, #tpu.memory_space<vmem>>[vector<16xi32>, vector<16xi32>], vector<16xf32>,
        %gather3A_385 = vector.shape_cast %broadcast_in_dim3A_53 : vector<16x1xi32> to vector<16xi32>
        %gather3A_386 = tpu.dynamic_gather %get3A_357[%gather3A_385] in [0] : vector<16xf32>, vector<16xi32> -> vector<16xf32>
        %mul3A_387 = arith.mulf %gather3A_351, %gather3A_386 : vector<16xf32>
        %scatter3A_388 = arith.constant 0 : i32
        %scatter3A_389 = arith.constant 0 : i32
        %scatter3A_390 = tpu.memref_slice %arg10[%and3A_224, %scatter3A_388, %scatter3A_389] : memref<2x4096x8xf32, #tpu.memory_space<vmem>> -> memref<1x4096x8xf32, #tpu.memory_space<vmem>>
        %scatter3A_391 = tpu.memref_squeeze %scatter3A_390 : memref<1x4096x8xf32, #tpu.memory_space<vmem>> -> memref<4096x8xf32, #tpu.memory_space<vmem>>
        %scatter3A_392 = arith.constant 0 : i32
        %scatter3A_393 = tpu.memref_slice %scatter3A_391[%multiple_of3A_367, %scatter3A_392] : memref<4096x8xf32, #tpu.memory_space<vmem>> -> memref<32x8xf32, #tpu.memory_space<vmem>>
        tpu.vector_store_idx %scatter3A_393[%add3A_12, %and3A_2], %mul3A_387 : memref<32x8xf32, #tpu.memory_space<vmem>>[vector<16xi32>, vector<16xi32>], vector<16xf32>,
        %gather3A_394 = vector.shape_cast %broadcast_in_dim3A_54 : vector<16x1xi32> to vector<16xi32>
        %gather3A_395 = tpu.dynamic_gather %get3A_357[%gather3A_394] in [0] : vector<16xf32>, vector<16xi32> -> vector<16xf32>
        %mul3A_396 = arith.mulf %gather3A_351, %gather3A_395 : vector<16xf32>
        %scatter3A_397 = arith.constant 0 : i32
        %scatter3A_398 = arith.constant 0 : i32
        %scatter3A_399 = tpu.memref_slice %arg10[%and3A_224, %scatter3A_397, %scatter3A_398] : memref<2x4096x8xf32, #tpu.memory_space<vmem>> -> memref<1x4096x8xf32, #tpu.memory_space<vmem>>
        %scatter3A_400 = tpu.memref_squeeze %scatter3A_399 : memref<1x4096x8xf32, #tpu.memory_space<vmem>> -> memref<4096x8xf32, #tpu.memory_space<vmem>>
        %scatter3A_401 = arith.constant 0 : i32
        %scatter3A_402 = tpu.memref_slice %scatter3A_400[%multiple_of3A_367, %scatter3A_401] : memref<4096x8xf32, #tpu.memory_space<vmem>> -> memref<32x8xf32, #tpu.memory_space<vmem>>
        tpu.vector_store_idx %scatter3A_402[%add3A_15, %and3A_2], %mul3A_396 : memref<32x8xf32, #tpu.memory_space<vmem>>[vector<16xi32>, vector<16xi32>], vector<16xf32>,
        %gather3A_403 = vector.shape_cast %broadcast_in_dim3A_55 : vector<16x1xi32> to vector<16xi32>
        %gather3A_404 = tpu.dynamic_gather %get3A_357[%gather3A_403] in [0] : vector<16xf32>, vector<16xi32> -> vector<16xf32>
        %mul3A_405 = arith.mulf %gather3A_351, %gather3A_404 : vector<16xf32>
        %scatter3A_406 = arith.constant 0 : i32
        %scatter3A_407 = arith.constant 0 : i32
        %scatter3A_408 = tpu.memref_slice %arg10[%and3A_224, %scatter3A_406, %scatter3A_407] : memref<2x4096x8xf32, #tpu.memory_space<vmem>> -> memref<1x4096x8xf32, #tpu.memory_space<vmem>>
        %scatter3A_409 = tpu.memref_squeeze %scatter3A_408 : memref<1x4096x8xf32, #tpu.memory_space<vmem>> -> memref<4096x8xf32, #tpu.memory_space<vmem>>
        %scatter3A_410 = arith.constant 0 : i32
        %scatter3A_411 = tpu.memref_slice %scatter3A_409[%multiple_of3A_367, %scatter3A_410] : memref<4096x8xf32, #tpu.memory_space<vmem>> -> memref<32x8xf32, #tpu.memory_space<vmem>>
        tpu.vector_store_idx %scatter3A_411[%add3A_18, %and3A_2], %mul3A_405 : memref<32x8xf32, #tpu.memory_space<vmem>>[vector<16xi32>, vector<16xi32>], vector<16xf32>,
        %gather3A_412 = vector.shape_cast %broadcast_in_dim3A_56 : vector<16x1xi32> to vector<16xi32>
        %gather3A_413 = tpu.dynamic_gather %get3A_357[%gather3A_412] in [0] : vector<16xf32>, vector<16xi32> -> vector<16xf32>
        %mul3A_414 = arith.mulf %gather3A_351, %gather3A_413 : vector<16xf32>
        %scatter3A_415 = arith.constant 0 : i32
        %scatter3A_416 = arith.constant 0 : i32
        %scatter3A_417 = tpu.memref_slice %arg10[%and3A_224, %scatter3A_415, %scatter3A_416] : memref<2x4096x8xf32, #tpu.memory_space<vmem>> -> memref<1x4096x8xf32, #tpu.memory_space<vmem>>
        %scatter3A_418 = tpu.memref_squeeze %scatter3A_417 : memref<1x4096x8xf32, #tpu.memory_space<vmem>> -> memref<4096x8xf32, #tpu.memory_space<vmem>>
        %scatter3A_419 = arith.constant 0 : i32
        %scatter3A_420 = tpu.memref_slice %scatter3A_418[%multiple_of3A_367, %scatter3A_419] : memref<4096x8xf32, #tpu.memory_space<vmem>> -> memref<32x8xf32, #tpu.memory_space<vmem>>
        tpu.vector_store_idx %scatter3A_420[%add3A_21, %and3A_2], %mul3A_414 : memref<32x8xf32, #tpu.memory_space<vmem>>[vector<16xi32>, vector<16xi32>], vector<16xf32>,
        %gather3A_421 = vector.shape_cast %broadcast_in_dim3A_57 : vector<16x1xi32> to vector<16xi32>
        %gather3A_422 = tpu.dynamic_gather %get3A_357[%gather3A_421] in [0] : vector<16xf32>, vector<16xi32> -> vector<16xf32>
        %mul3A_423 = arith.mulf %gather3A_351, %gather3A_422 : vector<16xf32>
        %scatter3A_424 = arith.constant 0 : i32
        %scatter3A_425 = arith.constant 0 : i32
        %scatter3A_426 = tpu.memref_slice %arg10[%and3A_224, %scatter3A_424, %scatter3A_425] : memref<2x4096x8xf32, #tpu.memory_space<vmem>> -> memref<1x4096x8xf32, #tpu.memory_space<vmem>>
        %scatter3A_427 = tpu.memref_squeeze %scatter3A_426 : memref<1x4096x8xf32, #tpu.memory_space<vmem>> -> memref<4096x8xf32, #tpu.memory_space<vmem>>
        %scatter3A_428 = arith.constant 0 : i32
        %scatter3A_429 = tpu.memref_slice %scatter3A_427[%multiple_of3A_367, %scatter3A_428] : memref<4096x8xf32, #tpu.memory_space<vmem>> -> memref<32x8xf32, #tpu.memory_space<vmem>>
        tpu.vector_store_idx %scatter3A_429[%add3A_24, %and3A_2], %mul3A_423 : memref<32x8xf32, #tpu.memory_space<vmem>>[vector<16xi32>, vector<16xi32>], vector<16xf32>,
        %gather3A_430 = vector.shape_cast %broadcast_in_dim3A_58 : vector<16x1xi32> to vector<16xi32>
        %gather3A_431 = tpu.dynamic_gather %get3A_357[%gather3A_430] in [0] : vector<16xf32>, vector<16xi32> -> vector<16xf32>
        %mul3A_432 = arith.mulf %gather3A_351, %gather3A_431 : vector<16xf32>
        %scatter3A_433 = arith.constant 0 : i32
        %scatter3A_434 = arith.constant 0 : i32
        %scatter3A_435 = tpu.memref_slice %arg10[%and3A_224, %scatter3A_433, %scatter3A_434] : memref<2x4096x8xf32, #tpu.memory_space<vmem>> -> memref<1x4096x8xf32, #tpu.memory_space<vmem>>
        %scatter3A_436 = tpu.memref_squeeze %scatter3A_435 : memref<1x4096x8xf32, #tpu.memory_space<vmem>> -> memref<4096x8xf32, #tpu.memory_space<vmem>>
        %scatter3A_437 = arith.constant 0 : i32
        %scatter3A_438 = tpu.memref_slice %scatter3A_436[%multiple_of3A_367, %scatter3A_437] : memref<4096x8xf32, #tpu.memory_space<vmem>> -> memref<32x8xf32, #tpu.memory_space<vmem>>
        tpu.vector_store_idx %scatter3A_438[%add3A_27, %and3A_2], %mul3A_432 : memref<32x8xf32, #tpu.memory_space<vmem>>[vector<16xi32>, vector<16xi32>], vector<16xf32>,
        %gather3A_439 = vector.shape_cast %broadcast_in_dim3A : vector<16x1xi32> to vector<16xi32>
        %gather3A_440 = tpu.dynamic_gather %get3A_364[%gather3A_439] in [0] : vector<16xf32>, vector<16xi32> -> vector<16xf32>
        %mul3A_441 = arith.mulf %gather3A_351, %gather3A_440 : vector<16xf32>
        %scatter3A_442 = arith.constant 0 : i32
        %scatter3A_443 = arith.constant 0 : i32
        %scatter3A_444 = tpu.memref_slice %arg10[%and3A_224, %scatter3A_442, %scatter3A_443] : memref<2x4096x8xf32, #tpu.memory_space<vmem>> -> memref<1x4096x8xf32, #tpu.memory_space<vmem>>
        %scatter3A_445 = tpu.memref_squeeze %scatter3A_444 : memref<1x4096x8xf32, #tpu.memory_space<vmem>> -> memref<4096x8xf32, #tpu.memory_space<vmem>>
        %scatter3A_446 = arith.constant 0 : i32
        %scatter3A_447 = tpu.memref_slice %scatter3A_445[%multiple_of3A_367, %scatter3A_446] : memref<4096x8xf32, #tpu.memory_space<vmem>> -> memref<32x8xf32, #tpu.memory_space<vmem>>
        tpu.vector_store_idx %scatter3A_447[%add3A_30, %and3A_2], %mul3A_441 : memref<32x8xf32, #tpu.memory_space<vmem>>[vector<16xi32>, vector<16xi32>], vector<16xf32>,
        %gather3A_448 = vector.shape_cast %broadcast_in_dim3A_52 : vector<16x1xi32> to vector<16xi32>
        %gather3A_449 = tpu.dynamic_gather %get3A_364[%gather3A_448] in [0] : vector<16xf32>, vector<16xi32> -> vector<16xf32>
        %mul3A_450 = arith.mulf %gather3A_351, %gather3A_449 : vector<16xf32>
        %scatter3A_451 = arith.constant 0 : i32
        %scatter3A_452 = arith.constant 0 : i32
        %scatter3A_453 = tpu.memref_slice %arg10[%and3A_224, %scatter3A_451, %scatter3A_452] : memref<2x4096x8xf32, #tpu.memory_space<vmem>> -> memref<1x4096x8xf32, #tpu.memory_space<vmem>>
        %scatter3A_454 = tpu.memref_squeeze %scatter3A_453 : memref<1x4096x8xf32, #tpu.memory_space<vmem>> -> memref<4096x8xf32, #tpu.memory_space<vmem>>
        %scatter3A_455 = arith.constant 0 : i32
        %scatter3A_456 = tpu.memref_slice %scatter3A_454[%multiple_of3A_367, %scatter3A_455] : memref<4096x8xf32, #tpu.memory_space<vmem>> -> memref<32x8xf32, #tpu.memory_space<vmem>>
        tpu.vector_store_idx %scatter3A_456[%add3A_33, %and3A_2], %mul3A_450 : memref<32x8xf32, #tpu.memory_space<vmem>>[vector<16xi32>, vector<16xi32>], vector<16xf32>,
        %gather3A_457 = vector.shape_cast %broadcast_in_dim3A_53 : vector<16x1xi32> to vector<16xi32>
        %gather3A_458 = tpu.dynamic_gather %get3A_364[%gather3A_457] in [0] : vector<16xf32>, vector<16xi32> -> vector<16xf32>
        %mul3A_459 = arith.mulf %gather3A_351, %gather3A_458 : vector<16xf32>
        %scatter3A_460 = arith.constant 0 : i32
        %scatter3A_461 = arith.constant 0 : i32
        %scatter3A_462 = tpu.memref_slice %arg10[%and3A_224, %scatter3A_460, %scatter3A_461] : memref<2x4096x8xf32, #tpu.memory_space<vmem>> -> memref<1x4096x8xf32, #tpu.memory_space<vmem>>
        %scatter3A_463 = tpu.memref_squeeze %scatter3A_462 : memref<1x4096x8xf32, #tpu.memory_space<vmem>> -> memref<4096x8xf32, #tpu.memory_space<vmem>>
        %scatter3A_464 = arith.constant 0 : i32
        %scatter3A_465 = tpu.memref_slice %scatter3A_463[%multiple_of3A_367, %scatter3A_464] : memref<4096x8xf32, #tpu.memory_space<vmem>> -> memref<32x8xf32, #tpu.memory_space<vmem>>
        tpu.vector_store_idx %scatter3A_465[%add3A_36, %and3A_2], %mul3A_459 : memref<32x8xf32, #tpu.memory_space<vmem>>[vector<16xi32>, vector<16xi32>], vector<16xf32>,
        %gather3A_466 = vector.shape_cast %broadcast_in_dim3A_54 : vector<16x1xi32> to vector<16xi32>
        %gather3A_467 = tpu.dynamic_gather %get3A_364[%gather3A_466] in [0] : vector<16xf32>, vector<16xi32> -> vector<16xf32>
        %mul3A_468 = arith.mulf %gather3A_351, %gather3A_467 : vector<16xf32>
        %scatter3A_469 = arith.constant 0 : i32
        %scatter3A_470 = arith.constant 0 : i32
        %scatter3A_471 = tpu.memref_slice %arg10[%and3A_224, %scatter3A_469, %scatter3A_470] : memref<2x4096x8xf32, #tpu.memory_space<vmem>> -> memref<1x4096x8xf32, #tpu.memory_space<vmem>>
        %scatter3A_472 = tpu.memref_squeeze %scatter3A_471 : memref<1x4096x8xf32, #tpu.memory_space<vmem>> -> memref<4096x8xf32, #tpu.memory_space<vmem>>
        %scatter3A_473 = arith.constant 0 : i32
        %scatter3A_474 = tpu.memref_slice %scatter3A_472[%multiple_of3A_367, %scatter3A_473] : memref<4096x8xf32, #tpu.memory_space<vmem>> -> memref<32x8xf32, #tpu.memory_space<vmem>>
        tpu.vector_store_idx %scatter3A_474[%add3A_39, %and3A_2], %mul3A_468 : memref<32x8xf32, #tpu.memory_space<vmem>>[vector<16xi32>, vector<16xi32>], vector<16xf32>,
        %gather3A_475 = vector.shape_cast %broadcast_in_dim3A_55 : vector<16x1xi32> to vector<16xi32>
        %gather3A_476 = tpu.dynamic_gather %get3A_364[%gather3A_475] in [0] : vector<16xf32>, vector<16xi32> -> vector<16xf32>
        %mul3A_477 = arith.mulf %gather3A_351, %gather3A_476 : vector<16xf32>
        %scatter3A_478 = arith.constant 0 : i32
        %scatter3A_479 = arith.constant 0 : i32
        %scatter3A_480 = tpu.memref_slice %arg10[%and3A_224, %scatter3A_478, %scatter3A_479] : memref<2x4096x8xf32, #tpu.memory_space<vmem>> -> memref<1x4096x8xf32, #tpu.memory_space<vmem>>
        %scatter3A_481 = tpu.memref_squeeze %scatter3A_480 : memref<1x4096x8xf32, #tpu.memory_space<vmem>> -> memref<4096x8xf32, #tpu.memory_space<vmem>>
        %scatter3A_482 = arith.constant 0 : i32
        %scatter3A_483 = tpu.memref_slice %scatter3A_481[%multiple_of3A_367, %scatter3A_482] : memref<4096x8xf32, #tpu.memory_space<vmem>> -> memref<32x8xf32, #tpu.memory_space<vmem>>
        tpu.vector_store_idx %scatter3A_483[%add3A_42, %and3A_2], %mul3A_477 : memref<32x8xf32, #tpu.memory_space<vmem>>[vector<16xi32>, vector<16xi32>], vector<16xf32>,
        %gather3A_484 = vector.shape_cast %broadcast_in_dim3A_56 : vector<16x1xi32> to vector<16xi32>
        %gather3A_485 = tpu.dynamic_gather %get3A_364[%gather3A_484] in [0] : vector<16xf32>, vector<16xi32> -> vector<16xf32>
        %mul3A_486 = arith.mulf %gather3A_351, %gather3A_485 : vector<16xf32>
        %scatter3A_487 = arith.constant 0 : i32
        %scatter3A_488 = arith.constant 0 : i32
        %scatter3A_489 = tpu.memref_slice %arg10[%and3A_224, %scatter3A_487, %scatter3A_488] : memref<2x4096x8xf32, #tpu.memory_space<vmem>> -> memref<1x4096x8xf32, #tpu.memory_space<vmem>>
        %scatter3A_490 = tpu.memref_squeeze %scatter3A_489 : memref<1x4096x8xf32, #tpu.memory_space<vmem>> -> memref<4096x8xf32, #tpu.memory_space<vmem>>
        %scatter3A_491 = arith.constant 0 : i32
        %scatter3A_492 = tpu.memref_slice %scatter3A_490[%multiple_of3A_367, %scatter3A_491] : memref<4096x8xf32, #tpu.memory_space<vmem>> -> memref<32x8xf32, #tpu.memory_space<vmem>>
        tpu.vector_store_idx %scatter3A_492[%add3A_45, %and3A_2], %mul3A_486 : memref<32x8xf32, #tpu.memory_space<vmem>>[vector<16xi32>, vector<16xi32>], vector<16xf32>,
        %gather3A_493 = vector.shape_cast %broadcast_in_dim3A_57 : vector<16x1xi32> to vector<16xi32>
        %gather3A_494 = tpu.dynamic_gather %get3A_364[%gather3A_493] in [0] : vector<16xf32>, vector<16xi32> -> vector<16xf32>
        %mul3A_495 = arith.mulf %gather3A_351, %gather3A_494 : vector<16xf32>
        %scatter3A_496 = arith.constant 0 : i32
        %scatter3A_497 = arith.constant 0 : i32
        %scatter3A_498 = tpu.memref_slice %arg10[%and3A_224, %scatter3A_496, %scatter3A_497] : memref<2x4096x8xf32, #tpu.memory_space<vmem>> -> memref<1x4096x8xf32, #tpu.memory_space<vmem>>
        %scatter3A_499 = tpu.memref_squeeze %scatter3A_498 : memref<1x4096x8xf32, #tpu.memory_space<vmem>> -> memref<4096x8xf32, #tpu.memory_space<vmem>>
        %scatter3A_500 = arith.constant 0 : i32
        %scatter3A_501 = tpu.memref_slice %scatter3A_499[%multiple_of3A_367, %scatter3A_500] : memref<4096x8xf32, #tpu.memory_space<vmem>> -> memref<32x8xf32, #tpu.memory_space<vmem>>
        tpu.vector_store_idx %scatter3A_501[%add3A_48, %and3A_2], %mul3A_495 : memref<32x8xf32, #tpu.memory_space<vmem>>[vector<16xi32>, vector<16xi32>], vector<16xf32>,
        %gather3A_502 = vector.shape_cast %broadcast_in_dim3A_58 : vector<16x1xi32> to vector<16xi32>
        %gather3A_503 = tpu.dynamic_gather %get3A_364[%gather3A_502] in [0] : vector<16xf32>, vector<16xi32> -> vector<16xf32>
        %mul3A_504 = arith.mulf %gather3A_351, %gather3A_503 : vector<16xf32>
        %scatter3A_505 = arith.constant 0 : i32
        %scatter3A_506 = arith.constant 0 : i32
        %scatter3A_507 = tpu.memref_slice %arg10[%and3A_224, %scatter3A_505, %scatter3A_506] : memref<2x4096x8xf32, #tpu.memory_space<vmem>> -> memref<1x4096x8xf32, #tpu.memory_space<vmem>>
        %scatter3A_508 = tpu.memref_squeeze %scatter3A_507 : memref<1x4096x8xf32, #tpu.memory_space<vmem>> -> memref<4096x8xf32, #tpu.memory_space<vmem>>
        %scatter3A_509 = arith.constant 0 : i32
        %scatter3A_510 = tpu.memref_slice %scatter3A_508[%multiple_of3A_367, %scatter3A_509] : memref<4096x8xf32, #tpu.memory_space<vmem>> -> memref<32x8xf32, #tpu.memory_space<vmem>>
        tpu.vector_store_idx %scatter3A_510[%add3A_51, %and3A_2], %mul3A_504 : memref<32x8xf32, #tpu.memory_space<vmem>>[vector<16xi32>, vector<16xi32>], vector<16xf32>,
        %mul3A_511 = arith.constant 4 : i32
        %mul3A_512 = arith.muli %scan3A_341, %mul3A_511 : i32
        %add3A_513 = arith.constant 1 : i32
        %add3A_514 = arith.addi %mul3A_512, %add3A_513 : i32
        %broadcast_in_dim3A_515 = vector.broadcast %add3A_514 : i32 to vector<16xi32>
        %gather3A_516 = arith.constant 0 : i32
        %gather3A_517 = arith.constant 0 : i32
        %gather3A_518 = tpu.memref_slice %arg7[%and3A_224, %gather3A_516, %gather3A_517] : memref<2x8x137xf32, #tpu.memory_space<vmem>> -> memref<1x8x137xf32, #tpu.memory_space<vmem>>
        %gather3A_519 = tpu.memref_squeeze %gather3A_518 : memref<1x8x137xf32, #tpu.memory_space<vmem>> -> memref<8x137xf32, #tpu.memory_space<vmem>>
        %gather3A_520 = tpu.vector_load_idx %gather3A_519[%and3A_2, %broadcast_in_dim3A_515] : memref<8x137xf32, #tpu.memory_space<vmem>>[vector<16xi32>, vector<16xi32>], vector<16xf32>,
        %get3A_521 = arith.constant 0 : i32
        %get3A_522 = arith.constant 0 : i32
        %get3A_523 = tpu.memref_slice %arg8[%and3A_224, %get3A_521, %get3A_522] : memref<2x32x128xf32, #tpu.memory_space<vmem>> -> memref<1x32x128xf32, #tpu.memory_space<vmem>>
        %get3A_524 = tpu.memref_squeeze %get3A_523 : memref<1x32x128xf32, #tpu.memory_space<vmem>> -> memref<32x128xf32, #tpu.memory_space<vmem>>
        %get3A_525 = arith.index_cast %scan3A_341 : i32 to index
        %get3A_526 = arith.constant 32 : index
        %get3A_527 = tpu.vector_load %get3A_524[%get3A_525, %get3A_526] {strides = array<i32>} : memref<32x128xf32, #tpu.memory_space<vmem>>, vector<16xf32>,
        %get3A_528 = arith.constant 0 : i32
        %get3A_529 = arith.constant 0 : i32
        %get3A_530 = tpu.memref_slice %arg8[%and3A_224, %get3A_528, %get3A_529] : memref<2x32x128xf32, #tpu.memory_space<vmem>> -> memref<1x32x128xf32, #tpu.memory_space<vmem>>
        %get3A_531 = tpu.memref_squeeze %get3A_530 : memref<1x32x128xf32, #tpu.memory_space<vmem>> -> memref<32x128xf32, #tpu.memory_space<vmem>>
        %get3A_532 = arith.index_cast %scan3A_341 : i32 to index
        %get3A_533 = arith.constant 48 : index
        %get3A_534 = tpu.vector_load %get3A_531[%get3A_532, %get3A_533] {strides = array<i32>} : memref<32x128xf32, #tpu.memory_space<vmem>>, vector<16xf32>,
        %mul3A_535 = arith.constant 32 : i32
        %mul3A_536 = arith.muli %add3A_514, %mul3A_535 : i32
        %multiple_of3A_537 = tpu.assume_multiple %mul3A_536, 32 : i32
        %gather3A_538 = vector.shape_cast %broadcast_in_dim3A : vector<16x1xi32> to vector<16xi32>
        %gather3A_539 = tpu.dynamic_gather %get3A_527[%gather3A_538] in [0] : vector<16xf32>, vector<16xi32> -> vector<16xf32>
        %mul3A_540 = arith.mulf %gather3A_520, %gather3A_539 : vector<16xf32>
        %scatter3A_541 = arith.constant 0 : i32
        %scatter3A_542 = arith.constant 0 : i32
        %scatter3A_543 = tpu.memref_slice %arg10[%and3A_224, %scatter3A_541, %scatter3A_542] : memref<2x4096x8xf32, #tpu.memory_space<vmem>> -> memref<1x4096x8xf32, #tpu.memory_space<vmem>>
        %scatter3A_544 = tpu.memref_squeeze %scatter3A_543 : memref<1x4096x8xf32, #tpu.memory_space<vmem>> -> memref<4096x8xf32, #tpu.memory_space<vmem>>
        %scatter3A_545 = arith.constant 0 : i32
        %scatter3A_546 = tpu.memref_slice %scatter3A_544[%multiple_of3A_537, %scatter3A_545] : memref<4096x8xf32, #tpu.memory_space<vmem>> -> memref<32x8xf32, #tpu.memory_space<vmem>>
        tpu.vector_store_idx %scatter3A_546[%add3A_6, %and3A_2], %mul3A_540 : memref<32x8xf32, #tpu.memory_space<vmem>>[vector<16xi32>, vector<16xi32>], vector<16xf32>,
        %gather3A_547 = vector.shape_cast %broadcast_in_dim3A_52 : vector<16x1xi32> to vector<16xi32>
        %gather3A_548 = tpu.dynamic_gather %get3A_527[%gather3A_547] in [0] : vector<16xf32>, vector<16xi32> -> vector<16xf32>
        %mul3A_549 = arith.mulf %gather3A_520, %gather3A_548 : vector<16xf32>
        %scatter3A_550 = arith.constant 0 : i32
        %scatter3A_551 = arith.constant 0 : i32
        %scatter3A_552 = tpu.memref_slice %arg10[%and3A_224, %scatter3A_550, %scatter3A_551] : memref<2x4096x8xf32, #tpu.memory_space<vmem>> -> memref<1x4096x8xf32, #tpu.memory_space<vmem>>
        %scatter3A_553 = tpu.memref_squeeze %scatter3A_552 : memref<1x4096x8xf32, #tpu.memory_space<vmem>> -> memref<4096x8xf32, #tpu.memory_space<vmem>>
        %scatter3A_554 = arith.constant 0 : i32
        %scatter3A_555 = tpu.memref_slice %scatter3A_553[%multiple_of3A_537, %scatter3A_554] : memref<4096x8xf32, #tpu.memory_space<vmem>> -> memref<32x8xf32, #tpu.memory_space<vmem>>
        tpu.vector_store_idx %scatter3A_555[%add3A_9, %and3A_2], %mul3A_549 : memref<32x8xf32, #tpu.memory_space<vmem>>[vector<16xi32>, vector<16xi32>], vector<16xf32>,
        %gather3A_556 = vector.shape_cast %broadcast_in_dim3A_53 : vector<16x1xi32> to vector<16xi32>
        %gather3A_557 = tpu.dynamic_gather %get3A_527[%gather3A_556] in [0] : vector<16xf32>, vector<16xi32> -> vector<16xf32>
        %mul3A_558 = arith.mulf %gather3A_520, %gather3A_557 : vector<16xf32>
        %scatter3A_559 = arith.constant 0 : i32
        %scatter3A_560 = arith.constant 0 : i32
        %scatter3A_561 = tpu.memref_slice %arg10[%and3A_224, %scatter3A_559, %scatter3A_560] : memref<2x4096x8xf32, #tpu.memory_space<vmem>> -> memref<1x4096x8xf32, #tpu.memory_space<vmem>>
        %scatter3A_562 = tpu.memref_squeeze %scatter3A_561 : memref<1x4096x8xf32, #tpu.memory_space<vmem>> -> memref<4096x8xf32, #tpu.memory_space<vmem>>
        %scatter3A_563 = arith.constant 0 : i32
        %scatter3A_564 = tpu.memref_slice %scatter3A_562[%multiple_of3A_537, %scatter3A_563] : memref<4096x8xf32, #tpu.memory_space<vmem>> -> memref<32x8xf32, #tpu.memory_space<vmem>>
        tpu.vector_store_idx %scatter3A_564[%add3A_12, %and3A_2], %mul3A_558 : memref<32x8xf32, #tpu.memory_space<vmem>>[vector<16xi32>, vector<16xi32>], vector<16xf32>,
        %gather3A_565 = vector.shape_cast %broadcast_in_dim3A_54 : vector<16x1xi32> to vector<16xi32>
        %gather3A_566 = tpu.dynamic_gather %get3A_527[%gather3A_565] in [0] : vector<16xf32>, vector<16xi32> -> vector<16xf32>
        %mul3A_567 = arith.mulf %gather3A_520, %gather3A_566 : vector<16xf32>
        %scatter3A_568 = arith.constant 0 : i32
        %scatter3A_569 = arith.constant 0 : i32
        %scatter3A_570 = tpu.memref_slice %arg10[%and3A_224, %scatter3A_568, %scatter3A_569] : memref<2x4096x8xf32, #tpu.memory_space<vmem>> -> memref<1x4096x8xf32, #tpu.memory_space<vmem>>
        %scatter3A_571 = tpu.memref_squeeze %scatter3A_570 : memref<1x4096x8xf32, #tpu.memory_space<vmem>> -> memref<4096x8xf32, #tpu.memory_space<vmem>>
        %scatter3A_572 = arith.constant 0 : i32
        %scatter3A_573 = tpu.memref_slice %scatter3A_571[%multiple_of3A_537, %scatter3A_572] : memref<4096x8xf32, #tpu.memory_space<vmem>> -> memref<32x8xf32, #tpu.memory_space<vmem>>
        tpu.vector_store_idx %scatter3A_573[%add3A_15, %and3A_2], %mul3A_567 : memref<32x8xf32, #tpu.memory_space<vmem>>[vector<16xi32>, vector<16xi32>], vector<16xf32>,
        %gather3A_574 = vector.shape_cast %broadcast_in_dim3A_55 : vector<16x1xi32> to vector<16xi32>
        %gather3A_575 = tpu.dynamic_gather %get3A_527[%gather3A_574] in [0] : vector<16xf32>, vector<16xi32> -> vector<16xf32>
        %mul3A_576 = arith.mulf %gather3A_520, %gather3A_575 : vector<16xf32>
        %scatter3A_577 = arith.constant 0 : i32
        %scatter3A_578 = arith.constant 0 : i32
        %scatter3A_579 = tpu.memref_slice %arg10[%and3A_224, %scatter3A_577, %scatter3A_578] : memref<2x4096x8xf32, #tpu.memory_space<vmem>> -> memref<1x4096x8xf32, #tpu.memory_space<vmem>>
        %scatter3A_580 = tpu.memref_squeeze %scatter3A_579 : memref<1x4096x8xf32, #tpu.memory_space<vmem>> -> memref<4096x8xf32, #tpu.memory_space<vmem>>
        %scatter3A_581 = arith.constant 0 : i32
        %scatter3A_582 = tpu.memref_slice %scatter3A_580[%multiple_of3A_537, %scatter3A_581] : memref<4096x8xf32, #tpu.memory_space<vmem>> -> memref<32x8xf32, #tpu.memory_space<vmem>>
        tpu.vector_store_idx %scatter3A_582[%add3A_18, %and3A_2], %mul3A_576 : memref<32x8xf32, #tpu.memory_space<vmem>>[vector<16xi32>, vector<16xi32>], vector<16xf32>,
        %gather3A_583 = vector.shape_cast %broadcast_in_dim3A_56 : vector<16x1xi32> to vector<16xi32>
        %gather3A_584 = tpu.dynamic_gather %get3A_527[%gather3A_583] in [0] : vector<16xf32>, vector<16xi32> -> vector<16xf32>
        %mul3A_585 = arith.mulf %gather3A_520, %gather3A_584 : vector<16xf32>
        %scatter3A_586 = arith.constant 0 : i32
        %scatter3A_587 = arith.constant 0 : i32
        %scatter3A_588 = tpu.memref_slice %arg10[%and3A_224, %scatter3A_586, %scatter3A_587] : memref<2x4096x8xf32, #tpu.memory_space<vmem>> -> memref<1x4096x8xf32, #tpu.memory_space<vmem>>
        %scatter3A_589 = tpu.memref_squeeze %scatter3A_588 : memref<1x4096x8xf32, #tpu.memory_space<vmem>> -> memref<4096x8xf32, #tpu.memory_space<vmem>>
        %scatter3A_590 = arith.constant 0 : i32
        %scatter3A_591 = tpu.memref_slice %scatter3A_589[%multiple_of3A_537, %scatter3A_590] : memref<4096x8xf32, #tpu.memory_space<vmem>> -> memref<32x8xf32, #tpu.memory_space<vmem>>
        tpu.vector_store_idx %scatter3A_591[%add3A_21, %and3A_2], %mul3A_585 : memref<32x8xf32, #tpu.memory_space<vmem>>[vector<16xi32>, vector<16xi32>], vector<16xf32>,
        %gather3A_592 = vector.shape_cast %broadcast_in_dim3A_57 : vector<16x1xi32> to vector<16xi32>
        %gather3A_593 = tpu.dynamic_gather %get3A_527[%gather3A_592] in [0] : vector<16xf32>, vector<16xi32> -> vector<16xf32>
        %mul3A_594 = arith.mulf %gather3A_520, %gather3A_593 : vector<16xf32>
        %scatter3A_595 = arith.constant 0 : i32
        %scatter3A_596 = arith.constant 0 : i32
        %scatter3A_597 = tpu.memref_slice %arg10[%and3A_224, %scatter3A_595, %scatter3A_596] : memref<2x4096x8xf32, #tpu.memory_space<vmem>> -> memref<1x4096x8xf32, #tpu.memory_space<vmem>>
        %scatter3A_598 = tpu.memref_squeeze %scatter3A_597 : memref<1x4096x8xf32, #tpu.memory_space<vmem>> -> memref<4096x8xf32, #tpu.memory_space<vmem>>
        %scatter3A_599 = arith.constant 0 : i32
        %scatter3A_600 = tpu.memref_slice %scatter3A_598[%multiple_of3A_537, %scatter3A_599] : memref<4096x8xf32, #tpu.memory_space<vmem>> -> memref<32x8xf32, #tpu.memory_space<vmem>>
        tpu.vector_store_idx %scatter3A_600[%add3A_24, %and3A_2], %mul3A_594 : memref<32x8xf32, #tpu.memory_space<vmem>>[vector<16xi32>, vector<16xi32>], vector<16xf32>,
        %gather3A_601 = vector.shape_cast %broadcast_in_dim3A_58 : vector<16x1xi32> to vector<16xi32>
        %gather3A_602 = tpu.dynamic_gather %get3A_527[%gather3A_601] in [0] : vector<16xf32>, vector<16xi32> -> vector<16xf32>
        %mul3A_603 = arith.mulf %gather3A_520, %gather3A_602 : vector<16xf32>
        %scatter3A_604 = arith.constant 0 : i32
        %scatter3A_605 = arith.constant 0 : i32
        %scatter3A_606 = tpu.memref_slice %arg10[%and3A_224, %scatter3A_604, %scatter3A_605] : memref<2x4096x8xf32, #tpu.memory_space<vmem>> -> memref<1x4096x8xf32, #tpu.memory_space<vmem>>
        %scatter3A_607 = tpu.memref_squeeze %scatter3A_606 : memref<1x4096x8xf32, #tpu.memory_space<vmem>> -> memref<4096x8xf32, #tpu.memory_space<vmem>>
        %scatter3A_608 = arith.constant 0 : i32
        %scatter3A_609 = tpu.memref_slice %scatter3A_607[%multiple_of3A_537, %scatter3A_608] : memref<4096x8xf32, #tpu.memory_space<vmem>> -> memref<32x8xf32, #tpu.memory_space<vmem>>
        tpu.vector_store_idx %scatter3A_609[%add3A_27, %and3A_2], %mul3A_603 : memref<32x8xf32, #tpu.memory_space<vmem>>[vector<16xi32>, vector<16xi32>], vector<16xf32>,
        %gather3A_610 = vector.shape_cast %broadcast_in_dim3A : vector<16x1xi32> to vector<16xi32>
        %gather3A_611 = tpu.dynamic_gather %get3A_534[%gather3A_610] in [0] : vector<16xf32>, vector<16xi32> -> vector<16xf32>
        %mul3A_612 = arith.mulf %gather3A_520, %gather3A_611 : vector<16xf32>
        %scatter3A_613 = arith.constant 0 : i32
        %scatter3A_614 = arith.constant 0 : i32
        %scatter3A_615 = tpu.memref_slice %arg10[%and3A_224, %scatter3A_613, %scatter3A_614] : memref<2x4096x8xf32, #tpu.memory_space<vmem>> -> memref<1x4096x8xf32, #tpu.memory_space<vmem>>
        %scatter3A_616 = tpu.memref_squeeze %scatter3A_615 : memref<1x4096x8xf32, #tpu.memory_space<vmem>> -> memref<4096x8xf32, #tpu.memory_space<vmem>>
        %scatter3A_617 = arith.constant 0 : i32
        %scatter3A_618 = tpu.memref_slice %scatter3A_616[%multiple_of3A_537, %scatter3A_617] : memref<4096x8xf32, #tpu.memory_space<vmem>> -> memref<32x8xf32, #tpu.memory_space<vmem>>
        tpu.vector_store_idx %scatter3A_618[%add3A_30, %and3A_2], %mul3A_612 : memref<32x8xf32, #tpu.memory_space<vmem>>[vector<16xi32>, vector<16xi32>], vector<16xf32>,
        %gather3A_619 = vector.shape_cast %broadcast_in_dim3A_52 : vector<16x1xi32> to vector<16xi32>
        %gather3A_620 = tpu.dynamic_gather %get3A_534[%gather3A_619] in [0] : vector<16xf32>, vector<16xi32> -> vector<16xf32>
        %mul3A_621 = arith.mulf %gather3A_520, %gather3A_620 : vector<16xf32>
        %scatter3A_622 = arith.constant 0 : i32
        %scatter3A_623 = arith.constant 0 : i32
        %scatter3A_624 = tpu.memref_slice %arg10[%and3A_224, %scatter3A_622, %scatter3A_623] : memref<2x4096x8xf32, #tpu.memory_space<vmem>> -> memref<1x4096x8xf32, #tpu.memory_space<vmem>>
        %scatter3A_625 = tpu.memref_squeeze %scatter3A_624 : memref<1x4096x8xf32, #tpu.memory_space<vmem>> -> memref<4096x8xf32, #tpu.memory_space<vmem>>
        %scatter3A_626 = arith.constant 0 : i32
        %scatter3A_627 = tpu.memref_slice %scatter3A_625[%multiple_of3A_537, %scatter3A_626] : memref<4096x8xf32, #tpu.memory_space<vmem>> -> memref<32x8xf32, #tpu.memory_space<vmem>>
        tpu.vector_store_idx %scatter3A_627[%add3A_33, %and3A_2], %mul3A_621 : memref<32x8xf32, #tpu.memory_space<vmem>>[vector<16xi32>, vector<16xi32>], vector<16xf32>,
        %gather3A_628 = vector.shape_cast %broadcast_in_dim3A_53 : vector<16x1xi32> to vector<16xi32>
        %gather3A_629 = tpu.dynamic_gather %get3A_534[%gather3A_628] in [0] : vector<16xf32>, vector<16xi32> -> vector<16xf32>
        %mul3A_630 = arith.mulf %gather3A_520, %gather3A_629 : vector<16xf32>
        %scatter3A_631 = arith.constant 0 : i32
        %scatter3A_632 = arith.constant 0 : i32
        %scatter3A_633 = tpu.memref_slice %arg10[%and3A_224, %scatter3A_631, %scatter3A_632] : memref<2x4096x8xf32, #tpu.memory_space<vmem>> -> memref<1x4096x8xf32, #tpu.memory_space<vmem>>
        %scatter3A_634 = tpu.memref_squeeze %scatter3A_633 : memref<1x4096x8xf32, #tpu.memory_space<vmem>> -> memref<4096x8xf32, #tpu.memory_space<vmem>>
        %scatter3A_635 = arith.constant 0 : i32
        %scatter3A_636 = tpu.memref_slice %scatter3A_634[%multiple_of3A_537, %scatter3A_635] : memref<4096x8xf32, #tpu.memory_space<vmem>> -> memref<32x8xf32, #tpu.memory_space<vmem>>
        tpu.vector_store_idx %scatter3A_636[%add3A_36, %and3A_2], %mul3A_630 : memref<32x8xf32, #tpu.memory_space<vmem>>[vector<16xi32>, vector<16xi32>], vector<16xf32>,
        %gather3A_637 = vector.shape_cast %broadcast_in_dim3A_54 : vector<16x1xi32> to vector<16xi32>
        %gather3A_638 = tpu.dynamic_gather %get3A_534[%gather3A_637] in [0] : vector<16xf32>, vector<16xi32> -> vector<16xf32>
        %mul3A_639 = arith.mulf %gather3A_520, %gather3A_638 : vector<16xf32>
        %scatter3A_640 = arith.constant 0 : i32
        %scatter3A_641 = arith.constant 0 : i32
        %scatter3A_642 = tpu.memref_slice %arg10[%and3A_224, %scatter3A_640, %scatter3A_641] : memref<2x4096x8xf32, #tpu.memory_space<vmem>> -> memref<1x4096x8xf32, #tpu.memory_space<vmem>>
        %scatter3A_643 = tpu.memref_squeeze %scatter3A_642 : memref<1x4096x8xf32, #tpu.memory_space<vmem>> -> memref<4096x8xf32, #tpu.memory_space<vmem>>
        %scatter3A_644 = arith.constant 0 : i32
        %scatter3A_645 = tpu.memref_slice %scatter3A_643[%multiple_of3A_537, %scatter3A_644] : memref<4096x8xf32, #tpu.memory_space<vmem>> -> memref<32x8xf32, #tpu.memory_space<vmem>>
        tpu.vector_store_idx %scatter3A_645[%add3A_39, %and3A_2], %mul3A_639 : memref<32x8xf32, #tpu.memory_space<vmem>>[vector<16xi32>, vector<16xi32>], vector<16xf32>,
        %gather3A_646 = vector.shape_cast %broadcast_in_dim3A_55 : vector<16x1xi32> to vector<16xi32>
        %gather3A_647 = tpu.dynamic_gather %get3A_534[%gather3A_646] in [0] : vector<16xf32>, vector<16xi32> -> vector<16xf32>
        %mul3A_648 = arith.mulf %gather3A_520, %gather3A_647 : vector<16xf32>
        %scatter3A_649 = arith.constant 0 : i32
        %scatter3A_650 = arith.constant 0 : i32
        %scatter3A_651 = tpu.memref_slice %arg10[%and3A_224, %scatter3A_649, %scatter3A_650] : memref<2x4096x8xf32, #tpu.memory_space<vmem>> -> memref<1x4096x8xf32, #tpu.memory_space<vmem>>
        %scatter3A_652 = tpu.memref_squeeze %scatter3A_651 : memref<1x4096x8xf32, #tpu.memory_space<vmem>> -> memref<4096x8xf32, #tpu.memory_space<vmem>>
        %scatter3A_653 = arith.constant 0 : i32
        %scatter3A_654 = tpu.memref_slice %scatter3A_652[%multiple_of3A_537, %scatter3A_653] : memref<4096x8xf32, #tpu.memory_space<vmem>> -> memref<32x8xf32, #tpu.memory_space<vmem>>
        tpu.vector_store_idx %scatter3A_654[%add3A_42, %and3A_2], %mul3A_648 : memref<32x8xf32, #tpu.memory_space<vmem>>[vector<16xi32>, vector<16xi32>], vector<16xf32>,
        %gather3A_655 = vector.shape_cast %broadcast_in_dim3A_56 : vector<16x1xi32> to vector<16xi32>
        %gather3A_656 = tpu.dynamic_gather %get3A_534[%gather3A_655] in [0] : vector<16xf32>, vector<16xi32> -> vector<16xf32>
        %mul3A_657 = arith.mulf %gather3A_520, %gather3A_656 : vector<16xf32>
        %scatter3A_658 = arith.constant 0 : i32
        %scatter3A_659 = arith.constant 0 : i32
        %scatter3A_660 = tpu.memref_slice %arg10[%and3A_224, %scatter3A_658, %scatter3A_659] : memref<2x4096x8xf32, #tpu.memory_space<vmem>> -> memref<1x4096x8xf32, #tpu.memory_space<vmem>>
        %scatter3A_661 = tpu.memref_squeeze %scatter3A_660 : memref<1x4096x8xf32, #tpu.memory_space<vmem>> -> memref<4096x8xf32, #tpu.memory_space<vmem>>
        %scatter3A_662 = arith.constant 0 : i32
        %scatter3A_663 = tpu.memref_slice %scatter3A_661[%multiple_of3A_537, %scatter3A_662] : memref<4096x8xf32, #tpu.memory_space<vmem>> -> memref<32x8xf32, #tpu.memory_space<vmem>>
        tpu.vector_store_idx %scatter3A_663[%add3A_45, %and3A_2], %mul3A_657 : memref<32x8xf32, #tpu.memory_space<vmem>>[vector<16xi32>, vector<16xi32>], vector<16xf32>,
        %gather3A_664 = vector.shape_cast %broadcast_in_dim3A_57 : vector<16x1xi32> to vector<16xi32>
        %gather3A_665 = tpu.dynamic_gather %get3A_534[%gather3A_664] in [0] : vector<16xf32>, vector<16xi32> -> vector<16xf32>
        %mul3A_666 = arith.mulf %gather3A_520, %gather3A_665 : vector<16xf32>
        %scatter3A_667 = arith.constant 0 : i32
        %scatter3A_668 = arith.constant 0 : i32
        %scatter3A_669 = tpu.memref_slice %arg10[%and3A_224, %scatter3A_667, %scatter3A_668] : memref<2x4096x8xf32, #tpu.memory_space<vmem>> -> memref<1x4096x8xf32, #tpu.memory_space<vmem>>
        %scatter3A_670 = tpu.memref_squeeze %scatter3A_669 : memref<1x4096x8xf32, #tpu.memory_space<vmem>> -> memref<4096x8xf32, #tpu.memory_space<vmem>>
        %scatter3A_671 = arith.constant 0 : i32
        %scatter3A_672 = tpu.memref_slice %scatter3A_670[%multiple_of3A_537, %scatter3A_671] : memref<4096x8xf32, #tpu.memory_space<vmem>> -> memref<32x8xf32, #tpu.memory_space<vmem>>
        tpu.vector_store_idx %scatter3A_672[%add3A_48, %and3A_2], %mul3A_666 : memref<32x8xf32, #tpu.memory_space<vmem>>[vector<16xi32>, vector<16xi32>], vector<16xf32>,
        %gather3A_673 = vector.shape_cast %broadcast_in_dim3A_58 : vector<16x1xi32> to vector<16xi32>
        %gather3A_674 = tpu.dynamic_gather %get3A_534[%gather3A_673] in [0] : vector<16xf32>, vector<16xi32> -> vector<16xf32>
        %mul3A_675 = arith.mulf %gather3A_520, %gather3A_674 : vector<16xf32>
        %scatter3A_676 = arith.constant 0 : i32
        %scatter3A_677 = arith.constant 0 : i32
        %scatter3A_678 = tpu.memref_slice %arg10[%and3A_224, %scatter3A_676, %scatter3A_677] : memref<2x4096x8xf32, #tpu.memory_space<vmem>> -> memref<1x4096x8xf32, #tpu.memory_space<vmem>>
        %scatter3A_679 = tpu.memref_squeeze %scatter3A_678 : memref<1x4096x8xf32, #tpu.memory_space<vmem>> -> memref<4096x8xf32, #tpu.memory_space<vmem>>
        %scatter3A_680 = arith.constant 0 : i32
        %scatter3A_681 = tpu.memref_slice %scatter3A_679[%multiple_of3A_537, %scatter3A_680] : memref<4096x8xf32, #tpu.memory_space<vmem>> -> memref<32x8xf32, #tpu.memory_space<vmem>>
        tpu.vector_store_idx %scatter3A_681[%add3A_51, %and3A_2], %mul3A_675 : memref<32x8xf32, #tpu.memory_space<vmem>>[vector<16xi32>, vector<16xi32>], vector<16xf32>,
        %mul3A_682 = arith.constant 4 : i32
        %mul3A_683 = arith.muli %scan3A_341, %mul3A_682 : i32
        %add3A_684 = arith.constant 2 : i32
        %add3A_685 = arith.addi %mul3A_683, %add3A_684 : i32
        %broadcast_in_dim3A_686 = vector.broadcast %add3A_685 : i32 to vector<16xi32>
        %gather3A_687 = arith.constant 0 : i32
        %gather3A_688 = arith.constant 0 : i32
        %gather3A_689 = tpu.memref_slice %arg7[%and3A_224, %gather3A_687, %gather3A_688] : memref<2x8x137xf32, #tpu.memory_space<vmem>> -> memref<1x8x137xf32, #tpu.memory_space<vmem>>
        %gather3A_690 = tpu.memref_squeeze %gather3A_689 : memref<1x8x137xf32, #tpu.memory_space<vmem>> -> memref<8x137xf32, #tpu.memory_space<vmem>>
        %gather3A_691 = tpu.vector_load_idx %gather3A_690[%and3A_2, %broadcast_in_dim3A_686] : memref<8x137xf32, #tpu.memory_space<vmem>>[vector<16xi32>, vector<16xi32>], vector<16xf32>,
        %get3A_692 = arith.constant 0 : i32
        %get3A_693 = arith.constant 0 : i32
        %get3A_694 = tpu.memref_slice %arg8[%and3A_224, %get3A_692, %get3A_693] : memref<2x32x128xf32, #tpu.memory_space<vmem>> -> memref<1x32x128xf32, #tpu.memory_space<vmem>>
        %get3A_695 = tpu.memref_squeeze %get3A_694 : memref<1x32x128xf32, #tpu.memory_space<vmem>> -> memref<32x128xf32, #tpu.memory_space<vmem>>
        %get3A_696 = arith.index_cast %scan3A_341 : i32 to index
        %get3A_697 = arith.constant 64 : index
        %get3A_698 = tpu.vector_load %get3A_695[%get3A_696, %get3A_697] {strides = array<i32>} : memref<32x128xf32, #tpu.memory_space<vmem>>, vector<16xf32>,
        %get3A_699 = arith.constant 0 : i32
        %get3A_700 = arith.constant 0 : i32
        %get3A_701 = tpu.memref_slice %arg8[%and3A_224, %get3A_699, %get3A_700] : memref<2x32x128xf32, #tpu.memory_space<vmem>> -> memref<1x32x128xf32, #tpu.memory_space<vmem>>
        %get3A_702 = tpu.memref_squeeze %get3A_701 : memref<1x32x128xf32, #tpu.memory_space<vmem>> -> memref<32x128xf32, #tpu.memory_space<vmem>>
        %get3A_703 = arith.index_cast %scan3A_341 : i32 to index
        %get3A_704 = arith.constant 80 : index
        %get3A_705 = tpu.vector_load %get3A_702[%get3A_703, %get3A_704] {strides = array<i32>} : memref<32x128xf32, #tpu.memory_space<vmem>>, vector<16xf32>,
        %mul3A_706 = arith.constant 32 : i32
        %mul3A_707 = arith.muli %add3A_685, %mul3A_706 : i32
        %multiple_of3A_708 = tpu.assume_multiple %mul3A_707, 32 : i32
        %gather3A_709 = vector.shape_cast %broadcast_in_dim3A : vector<16x1xi32> to vector<16xi32>
        %gather3A_710 = tpu.dynamic_gather %get3A_698[%gather3A_709] in [0] : vector<16xf32>, vector<16xi32> -> vector<16xf32>
        %mul3A_711 = arith.mulf %gather3A_691, %gather3A_710 : vector<16xf32>
        %scatter3A_712 = arith.constant 0 : i32
        %scatter3A_713 = arith.constant 0 : i32
        %scatter3A_714 = tpu.memref_slice %arg10[%and3A_224, %scatter3A_712, %scatter3A_713] : memref<2x4096x8xf32, #tpu.memory_space<vmem>> -> memref<1x4096x8xf32, #tpu.memory_space<vmem>>
        %scatter3A_715 = tpu.memref_squeeze %scatter3A_714 : memref<1x4096x8xf32, #tpu.memory_space<vmem>> -> memref<4096x8xf32, #tpu.memory_space<vmem>>
        %scatter3A_716 = arith.constant 0 : i32
        %scatter3A_717 = tpu.memref_slice %scatter3A_715[%multiple_of3A_708, %scatter3A_716] : memref<4096x8xf32, #tpu.memory_space<vmem>> -> memref<32x8xf32, #tpu.memory_space<vmem>>
        tpu.vector_store_idx %scatter3A_717[%add3A_6, %and3A_2], %mul3A_711 : memref<32x8xf32, #tpu.memory_space<vmem>>[vector<16xi32>, vector<16xi32>], vector<16xf32>,
        %gather3A_718 = vector.shape_cast %broadcast_in_dim3A_52 : vector<16x1xi32> to vector<16xi32>
        %gather3A_719 = tpu.dynamic_gather %get3A_698[%gather3A_718] in [0] : vector<16xf32>, vector<16xi32> -> vector<16xf32>
        %mul3A_720 = arith.mulf %gather3A_691, %gather3A_719 : vector<16xf32>
        %scatter3A_721 = arith.constant 0 : i32
        %scatter3A_722 = arith.constant 0 : i32
        %scatter3A_723 = tpu.memref_slice %arg10[%and3A_224, %scatter3A_721, %scatter3A_722] : memref<2x4096x8xf32, #tpu.memory_space<vmem>> -> memref<1x4096x8xf32, #tpu.memory_space<vmem>>
        %scatter3A_724 = tpu.memref_squeeze %scatter3A_723 : memref<1x4096x8xf32, #tpu.memory_space<vmem>> -> memref<4096x8xf32, #tpu.memory_space<vmem>>
        %scatter3A_725 = arith.constant 0 : i32
        %scatter3A_726 = tpu.memref_slice %scatter3A_724[%multiple_of3A_708, %scatter3A_725] : memref<4096x8xf32, #tpu.memory_space<vmem>> -> memref<32x8xf32, #tpu.memory_space<vmem>>
        tpu.vector_store_idx %scatter3A_726[%add3A_9, %and3A_2], %mul3A_720 : memref<32x8xf32, #tpu.memory_space<vmem>>[vector<16xi32>, vector<16xi32>], vector<16xf32>,
        %gather3A_727 = vector.shape_cast %broadcast_in_dim3A_53 : vector<16x1xi32> to vector<16xi32>
        %gather3A_728 = tpu.dynamic_gather %get3A_698[%gather3A_727] in [0] : vector<16xf32>, vector<16xi32> -> vector<16xf32>
        %mul3A_729 = arith.mulf %gather3A_691, %gather3A_728 : vector<16xf32>
        %scatter3A_730 = arith.constant 0 : i32
        %scatter3A_731 = arith.constant 0 : i32
        %scatter3A_732 = tpu.memref_slice %arg10[%and3A_224, %scatter3A_730, %scatter3A_731] : memref<2x4096x8xf32, #tpu.memory_space<vmem>> -> memref<1x4096x8xf32, #tpu.memory_space<vmem>>
        %scatter3A_733 = tpu.memref_squeeze %scatter3A_732 : memref<1x4096x8xf32, #tpu.memory_space<vmem>> -> memref<4096x8xf32, #tpu.memory_space<vmem>>
        %scatter3A_734 = arith.constant 0 : i32
        %scatter3A_735 = tpu.memref_slice %scatter3A_733[%multiple_of3A_708, %scatter3A_734] : memref<4096x8xf32, #tpu.memory_space<vmem>> -> memref<32x8xf32, #tpu.memory_space<vmem>>
        tpu.vector_store_idx %scatter3A_735[%add3A_12, %and3A_2], %mul3A_729 : memref<32x8xf32, #tpu.memory_space<vmem>>[vector<16xi32>, vector<16xi32>], vector<16xf32>,
        %gather3A_736 = vector.shape_cast %broadcast_in_dim3A_54 : vector<16x1xi32> to vector<16xi32>
        %gather3A_737 = tpu.dynamic_gather %get3A_698[%gather3A_736] in [0] : vector<16xf32>, vector<16xi32> -> vector<16xf32>
        %mul3A_738 = arith.mulf %gather3A_691, %gather3A_737 : vector<16xf32>
        %scatter3A_739 = arith.constant 0 : i32
        %scatter3A_740 = arith.constant 0 : i32
        %scatter3A_741 = tpu.memref_slice %arg10[%and3A_224, %scatter3A_739, %scatter3A_740] : memref<2x4096x8xf32, #tpu.memory_space<vmem>> -> memref<1x4096x8xf32, #tpu.memory_space<vmem>>
        %scatter3A_742 = tpu.memref_squeeze %scatter3A_741 : memref<1x4096x8xf32, #tpu.memory_space<vmem>> -> memref<4096x8xf32, #tpu.memory_space<vmem>>
        %scatter3A_743 = arith.constant 0 : i32
        %scatter3A_744 = tpu.memref_slice %scatter3A_742[%multiple_of3A_708, %scatter3A_743] : memref<4096x8xf32, #tpu.memory_space<vmem>> -> memref<32x8xf32, #tpu.memory_space<vmem>>
        tpu.vector_store_idx %scatter3A_744[%add3A_15, %and3A_2], %mul3A_738 : memref<32x8xf32, #tpu.memory_space<vmem>>[vector<16xi32>, vector<16xi32>], vector<16xf32>,
        %gather3A_745 = vector.shape_cast %broadcast_in_dim3A_55 : vector<16x1xi32> to vector<16xi32>
        %gather3A_746 = tpu.dynamic_gather %get3A_698[%gather3A_745] in [0] : vector<16xf32>, vector<16xi32> -> vector<16xf32>
        %mul3A_747 = arith.mulf %gather3A_691, %gather3A_746 : vector<16xf32>
        %scatter3A_748 = arith.constant 0 : i32
        %scatter3A_749 = arith.constant 0 : i32
        %scatter3A_750 = tpu.memref_slice %arg10[%and3A_224, %scatter3A_748, %scatter3A_749] : memref<2x4096x8xf32, #tpu.memory_space<vmem>> -> memref<1x4096x8xf32, #tpu.memory_space<vmem>>
        %scatter3A_751 = tpu.memref_squeeze %scatter3A_750 : memref<1x4096x8xf32, #tpu.memory_space<vmem>> -> memref<4096x8xf32, #tpu.memory_space<vmem>>
        %scatter3A_752 = arith.constant 0 : i32
        %scatter3A_753 = tpu.memref_slice %scatter3A_751[%multiple_of3A_708, %scatter3A_752] : memref<4096x8xf32, #tpu.memory_space<vmem>> -> memref<32x8xf32, #tpu.memory_space<vmem>>
        tpu.vector_store_idx %scatter3A_753[%add3A_18, %and3A_2], %mul3A_747 : memref<32x8xf32, #tpu.memory_space<vmem>>[vector<16xi32>, vector<16xi32>], vector<16xf32>,
        %gather3A_754 = vector.shape_cast %broadcast_in_dim3A_56 : vector<16x1xi32> to vector<16xi32>
        %gather3A_755 = tpu.dynamic_gather %get3A_698[%gather3A_754] in [0] : vector<16xf32>, vector<16xi32> -> vector<16xf32>
        %mul3A_756 = arith.mulf %gather3A_691, %gather3A_755 : vector<16xf32>
        %scatter3A_757 = arith.constant 0 : i32
        %scatter3A_758 = arith.constant 0 : i32
        %scatter3A_759 = tpu.memref_slice %arg10[%and3A_224, %scatter3A_757, %scatter3A_758] : memref<2x4096x8xf32, #tpu.memory_space<vmem>> -> memref<1x4096x8xf32, #tpu.memory_space<vmem>>
        %scatter3A_760 = tpu.memref_squeeze %scatter3A_759 : memref<1x4096x8xf32, #tpu.memory_space<vmem>> -> memref<4096x8xf32, #tpu.memory_space<vmem>>
        %scatter3A_761 = arith.constant 0 : i32
        %scatter3A_762 = tpu.memref_slice %scatter3A_760[%multiple_of3A_708, %scatter3A_761] : memref<4096x8xf32, #tpu.memory_space<vmem>> -> memref<32x8xf32, #tpu.memory_space<vmem>>
        tpu.vector_store_idx %scatter3A_762[%add3A_21, %and3A_2], %mul3A_756 : memref<32x8xf32, #tpu.memory_space<vmem>>[vector<16xi32>, vector<16xi32>], vector<16xf32>,
        %gather3A_763 = vector.shape_cast %broadcast_in_dim3A_57 : vector<16x1xi32> to vector<16xi32>
        %gather3A_764 = tpu.dynamic_gather %get3A_698[%gather3A_763] in [0] : vector<16xf32>, vector<16xi32> -> vector<16xf32>
        %mul3A_765 = arith.mulf %gather3A_691, %gather3A_764 : vector<16xf32>
        %scatter3A_766 = arith.constant 0 : i32
        %scatter3A_767 = arith.constant 0 : i32
        %scatter3A_768 = tpu.memref_slice %arg10[%and3A_224, %scatter3A_766, %scatter3A_767] : memref<2x4096x8xf32, #tpu.memory_space<vmem>> -> memref<1x4096x8xf32, #tpu.memory_space<vmem>>
        %scatter3A_769 = tpu.memref_squeeze %scatter3A_768 : memref<1x4096x8xf32, #tpu.memory_space<vmem>> -> memref<4096x8xf32, #tpu.memory_space<vmem>>
        %scatter3A_770 = arith.constant 0 : i32
        %scatter3A_771 = tpu.memref_slice %scatter3A_769[%multiple_of3A_708, %scatter3A_770] : memref<4096x8xf32, #tpu.memory_space<vmem>> -> memref<32x8xf32, #tpu.memory_space<vmem>>
        tpu.vector_store_idx %scatter3A_771[%add3A_24, %and3A_2], %mul3A_765 : memref<32x8xf32, #tpu.memory_space<vmem>>[vector<16xi32>, vector<16xi32>], vector<16xf32>,
        %gather3A_772 = vector.shape_cast %broadcast_in_dim3A_58 : vector<16x1xi32> to vector<16xi32>
        %gather3A_773 = tpu.dynamic_gather %get3A_698[%gather3A_772] in [0] : vector<16xf32>, vector<16xi32> -> vector<16xf32>
        %mul3A_774 = arith.mulf %gather3A_691, %gather3A_773 : vector<16xf32>
        %scatter3A_775 = arith.constant 0 : i32
        %scatter3A_776 = arith.constant 0 : i32
        %scatter3A_777 = tpu.memref_slice %arg10[%and3A_224, %scatter3A_775, %scatter3A_776] : memref<2x4096x8xf32, #tpu.memory_space<vmem>> -> memref<1x4096x8xf32, #tpu.memory_space<vmem>>
        %scatter3A_778 = tpu.memref_squeeze %scatter3A_777 : memref<1x4096x8xf32, #tpu.memory_space<vmem>> -> memref<4096x8xf32, #tpu.memory_space<vmem>>
        %scatter3A_779 = arith.constant 0 : i32
        %scatter3A_780 = tpu.memref_slice %scatter3A_778[%multiple_of3A_708, %scatter3A_779] : memref<4096x8xf32, #tpu.memory_space<vmem>> -> memref<32x8xf32, #tpu.memory_space<vmem>>
        tpu.vector_store_idx %scatter3A_780[%add3A_27, %and3A_2], %mul3A_774 : memref<32x8xf32, #tpu.memory_space<vmem>>[vector<16xi32>, vector<16xi32>], vector<16xf32>,
        %gather3A_781 = vector.shape_cast %broadcast_in_dim3A : vector<16x1xi32> to vector<16xi32>
        %gather3A_782 = tpu.dynamic_gather %get3A_705[%gather3A_781] in [0] : vector<16xf32>, vector<16xi32> -> vector<16xf32>
        %mul3A_783 = arith.mulf %gather3A_691, %gather3A_782 : vector<16xf32>
        %scatter3A_784 = arith.constant 0 : i32
        %scatter3A_785 = arith.constant 0 : i32
        %scatter3A_786 = tpu.memref_slice %arg10[%and3A_224, %scatter3A_784, %scatter3A_785] : memref<2x4096x8xf32, #tpu.memory_space<vmem>> -> memref<1x4096x8xf32, #tpu.memory_space<vmem>>
        %scatter3A_787 = tpu.memref_squeeze %scatter3A_786 : memref<1x4096x8xf32, #tpu.memory_space<vmem>> -> memref<4096x8xf32, #tpu.memory_space<vmem>>
        %scatter3A_788 = arith.constant 0 : i32
        %scatter3A_789 = tpu.memref_slice %scatter3A_787[%multiple_of3A_708, %scatter3A_788] : memref<4096x8xf32, #tpu.memory_space<vmem>> -> memref<32x8xf32, #tpu.memory_space<vmem>>
        tpu.vector_store_idx %scatter3A_789[%add3A_30, %and3A_2], %mul3A_783 : memref<32x8xf32, #tpu.memory_space<vmem>>[vector<16xi32>, vector<16xi32>], vector<16xf32>,
        %gather3A_790 = vector.shape_cast %broadcast_in_dim3A_52 : vector<16x1xi32> to vector<16xi32>
        %gather3A_791 = tpu.dynamic_gather %get3A_705[%gather3A_790] in [0] : vector<16xf32>, vector<16xi32> -> vector<16xf32>
        %mul3A_792 = arith.mulf %gather3A_691, %gather3A_791 : vector<16xf32>
        %scatter3A_793 = arith.constant 0 : i32
        %scatter3A_794 = arith.constant 0 : i32
        %scatter3A_795 = tpu.memref_slice %arg10[%and3A_224, %scatter3A_793, %scatter3A_794] : memref<2x4096x8xf32, #tpu.memory_space<vmem>> -> memref<1x4096x8xf32, #tpu.memory_space<vmem>>
        %scatter3A_796 = tpu.memref_squeeze %scatter3A_795 : memref<1x4096x8xf32, #tpu.memory_space<vmem>> -> memref<4096x8xf32, #tpu.memory_space<vmem>>
        %scatter3A_797 = arith.constant 0 : i32
        %scatter3A_798 = tpu.memref_slice %scatter3A_796[%multiple_of3A_708, %scatter3A_797] : memref<4096x8xf32, #tpu.memory_space<vmem>> -> memref<32x8xf32, #tpu.memory_space<vmem>>
        tpu.vector_store_idx %scatter3A_798[%add3A_33, %and3A_2], %mul3A_792 : memref<32x8xf32, #tpu.memory_space<vmem>>[vector<16xi32>, vector<16xi32>], vector<16xf32>,
        %gather3A_799 = vector.shape_cast %broadcast_in_dim3A_53 : vector<16x1xi32> to vector<16xi32>
        %gather3A_800 = tpu.dynamic_gather %get3A_705[%gather3A_799] in [0] : vector<16xf32>, vector<16xi32> -> vector<16xf32>
        %mul3A_801 = arith.mulf %gather3A_691, %gather3A_800 : vector<16xf32>
        %scatter3A_802 = arith.constant 0 : i32
        %scatter3A_803 = arith.constant 0 : i32
        %scatter3A_804 = tpu.memref_slice %arg10[%and3A_224, %scatter3A_802, %scatter3A_803] : memref<2x4096x8xf32, #tpu.memory_space<vmem>> -> memref<1x4096x8xf32, #tpu.memory_space<vmem>>
        %scatter3A_805 = tpu.memref_squeeze %scatter3A_804 : memref<1x4096x8xf32, #tpu.memory_space<vmem>> -> memref<4096x8xf32, #tpu.memory_space<vmem>>
        %scatter3A_806 = arith.constant 0 : i32
        %scatter3A_807 = tpu.memref_slice %scatter3A_805[%multiple_of3A_708, %scatter3A_806] : memref<4096x8xf32, #tpu.memory_space<vmem>> -> memref<32x8xf32, #tpu.memory_space<vmem>>
        tpu.vector_store_idx %scatter3A_807[%add3A_36, %and3A_2], %mul3A_801 : memref<32x8xf32, #tpu.memory_space<vmem>>[vector<16xi32>, vector<16xi32>], vector<16xf32>,
        %gather3A_808 = vector.shape_cast %broadcast_in_dim3A_54 : vector<16x1xi32> to vector<16xi32>
        %gather3A_809 = tpu.dynamic_gather %get3A_705[%gather3A_808] in [0] : vector<16xf32>, vector<16xi32> -> vector<16xf32>
        %mul3A_810 = arith.mulf %gather3A_691, %gather3A_809 : vector<16xf32>
        %scatter3A_811 = arith.constant 0 : i32
        %scatter3A_812 = arith.constant 0 : i32
        %scatter3A_813 = tpu.memref_slice %arg10[%and3A_224, %scatter3A_811, %scatter3A_812] : memref<2x4096x8xf32, #tpu.memory_space<vmem>> -> memref<1x4096x8xf32, #tpu.memory_space<vmem>>
        %scatter3A_814 = tpu.memref_squeeze %scatter3A_813 : memref<1x4096x8xf32, #tpu.memory_space<vmem>> -> memref<4096x8xf32, #tpu.memory_space<vmem>>
        %scatter3A_815 = arith.constant 0 : i32
        %scatter3A_816 = tpu.memref_slice %scatter3A_814[%multiple_of3A_708, %scatter3A_815] : memref<4096x8xf32, #tpu.memory_space<vmem>> -> memref<32x8xf32, #tpu.memory_space<vmem>>
        tpu.vector_store_idx %scatter3A_816[%add3A_39, %and3A_2], %mul3A_810 : memref<32x8xf32, #tpu.memory_space<vmem>>[vector<16xi32>, vector<16xi32>], vector<16xf32>,
        %gather3A_817 = vector.shape_cast %broadcast_in_dim3A_55 : vector<16x1xi32> to vector<16xi32>
        %gather3A_818 = tpu.dynamic_gather %get3A_705[%gather3A_817] in [0] : vector<16xf32>, vector<16xi32> -> vector<16xf32>
        %mul3A_819 = arith.mulf %gather3A_691, %gather3A_818 : vector<16xf32>
        %scatter3A_820 = arith.constant 0 : i32
        %scatter3A_821 = arith.constant 0 : i32
        %scatter3A_822 = tpu.memref_slice %arg10[%and3A_224, %scatter3A_820, %scatter3A_821] : memref<2x4096x8xf32, #tpu.memory_space<vmem>> -> memref<1x4096x8xf32, #tpu.memory_space<vmem>>
        %scatter3A_823 = tpu.memref_squeeze %scatter3A_822 : memref<1x4096x8xf32, #tpu.memory_space<vmem>> -> memref<4096x8xf32, #tpu.memory_space<vmem>>
        %scatter3A_824 = arith.constant 0 : i32
        %scatter3A_825 = tpu.memref_slice %scatter3A_823[%multiple_of3A_708, %scatter3A_824] : memref<4096x8xf32, #tpu.memory_space<vmem>> -> memref<32x8xf32, #tpu.memory_space<vmem>>
        tpu.vector_store_idx %scatter3A_825[%add3A_42, %and3A_2], %mul3A_819 : memref<32x8xf32, #tpu.memory_space<vmem>>[vector<16xi32>, vector<16xi32>], vector<16xf32>,
        %gather3A_826 = vector.shape_cast %broadcast_in_dim3A_56 : vector<16x1xi32> to vector<16xi32>
        %gather3A_827 = tpu.dynamic_gather %get3A_705[%gather3A_826] in [0] : vector<16xf32>, vector<16xi32> -> vector<16xf32>
        %mul3A_828 = arith.mulf %gather3A_691, %gather3A_827 : vector<16xf32>
        %scatter3A_829 = arith.constant 0 : i32
        %scatter3A_830 = arith.constant 0 : i32
        %scatter3A_831 = tpu.memref_slice %arg10[%and3A_224, %scatter3A_829, %scatter3A_830] : memref<2x4096x8xf32, #tpu.memory_space<vmem>> -> memref<1x4096x8xf32, #tpu.memory_space<vmem>>
        %scatter3A_832 = tpu.memref_squeeze %scatter3A_831 : memref<1x4096x8xf32, #tpu.memory_space<vmem>> -> memref<4096x8xf32, #tpu.memory_space<vmem>>
        %scatter3A_833 = arith.constant 0 : i32
        %scatter3A_834 = tpu.memref_slice %scatter3A_832[%multiple_of3A_708, %scatter3A_833] : memref<4096x8xf32, #tpu.memory_space<vmem>> -> memref<32x8xf32, #tpu.memory_space<vmem>>
        tpu.vector_store_idx %scatter3A_834[%add3A_45, %and3A_2], %mul3A_828 : memref<32x8xf32, #tpu.memory_space<vmem>>[vector<16xi32>, vector<16xi32>], vector<16xf32>,
        %gather3A_835 = vector.shape_cast %broadcast_in_dim3A_57 : vector<16x1xi32> to vector<16xi32>
        %gather3A_836 = tpu.dynamic_gather %get3A_705[%gather3A_835] in [0] : vector<16xf32>, vector<16xi32> -> vector<16xf32>
        %mul3A_837 = arith.mulf %gather3A_691, %gather3A_836 : vector<16xf32>
        %scatter3A_838 = arith.constant 0 : i32
        %scatter3A_839 = arith.constant 0 : i32
        %scatter3A_840 = tpu.memref_slice %arg10[%and3A_224, %scatter3A_838, %scatter3A_839] : memref<2x4096x8xf32, #tpu.memory_space<vmem>> -> memref<1x4096x8xf32, #tpu.memory_space<vmem>>
        %scatter3A_841 = tpu.memref_squeeze %scatter3A_840 : memref<1x4096x8xf32, #tpu.memory_space<vmem>> -> memref<4096x8xf32, #tpu.memory_space<vmem>>
        %scatter3A_842 = arith.constant 0 : i32
        %scatter3A_843 = tpu.memref_slice %scatter3A_841[%multiple_of3A_708, %scatter3A_842] : memref<4096x8xf32, #tpu.memory_space<vmem>> -> memref<32x8xf32, #tpu.memory_space<vmem>>
        tpu.vector_store_idx %scatter3A_843[%add3A_48, %and3A_2], %mul3A_837 : memref<32x8xf32, #tpu.memory_space<vmem>>[vector<16xi32>, vector<16xi32>], vector<16xf32>,
        %gather3A_844 = vector.shape_cast %broadcast_in_dim3A_58 : vector<16x1xi32> to vector<16xi32>
        %gather3A_845 = tpu.dynamic_gather %get3A_705[%gather3A_844] in [0] : vector<16xf32>, vector<16xi32> -> vector<16xf32>
        %mul3A_846 = arith.mulf %gather3A_691, %gather3A_845 : vector<16xf32>
        %scatter3A_847 = arith.constant 0 : i32
        %scatter3A_848 = arith.constant 0 : i32
        %scatter3A_849 = tpu.memref_slice %arg10[%and3A_224, %scatter3A_847, %scatter3A_848] : memref<2x4096x8xf32, #tpu.memory_space<vmem>> -> memref<1x4096x8xf32, #tpu.memory_space<vmem>>
        %scatter3A_850 = tpu.memref_squeeze %scatter3A_849 : memref<1x4096x8xf32, #tpu.memory_space<vmem>> -> memref<4096x8xf32, #tpu.memory_space<vmem>>
        %scatter3A_851 = arith.constant 0 : i32
        %scatter3A_852 = tpu.memref_slice %scatter3A_850[%multiple_of3A_708, %scatter3A_851] : memref<4096x8xf32, #tpu.memory_space<vmem>> -> memref<32x8xf32, #tpu.memory_space<vmem>>
        tpu.vector_store_idx %scatter3A_852[%add3A_51, %and3A_2], %mul3A_846 : memref<32x8xf32, #tpu.memory_space<vmem>>[vector<16xi32>, vector<16xi32>], vector<16xf32>,
        %mul3A_853 = arith.constant 4 : i32
        %mul3A_854 = arith.muli %scan3A_341, %mul3A_853 : i32
        %add3A_855 = arith.constant 3 : i32
        %add3A_856 = arith.addi %mul3A_854, %add3A_855 : i32
        %broadcast_in_dim3A_857 = vector.broadcast %add3A_856 : i32 to vector<16xi32>
        %gather3A_858 = arith.constant 0 : i32
        %gather3A_859 = arith.constant 0 : i32
        %gather3A_860 = tpu.memref_slice %arg7[%and3A_224, %gather3A_858, %gather3A_859] : memref<2x8x137xf32, #tpu.memory_space<vmem>> -> memref<1x8x137xf32, #tpu.memory_space<vmem>>
        %gather3A_861 = tpu.memref_squeeze %gather3A_860 : memref<1x8x137xf32, #tpu.memory_space<vmem>> -> memref<8x137xf32, #tpu.memory_space<vmem>>
        %gather3A_862 = tpu.vector_load_idx %gather3A_861[%and3A_2, %broadcast_in_dim3A_857] : memref<8x137xf32, #tpu.memory_space<vmem>>[vector<16xi32>, vector<16xi32>], vector<16xf32>,
        %get3A_863 = arith.constant 0 : i32
        %get3A_864 = arith.constant 0 : i32
        %get3A_865 = tpu.memref_slice %arg8[%and3A_224, %get3A_863, %get3A_864] : memref<2x32x128xf32, #tpu.memory_space<vmem>> -> memref<1x32x128xf32, #tpu.memory_space<vmem>>
        %get3A_866 = tpu.memref_squeeze %get3A_865 : memref<1x32x128xf32, #tpu.memory_space<vmem>> -> memref<32x128xf32, #tpu.memory_space<vmem>>
        %get3A_867 = arith.index_cast %scan3A_341 : i32 to index
        %get3A_868 = arith.constant 96 : index
        %get3A_869 = tpu.vector_load %get3A_866[%get3A_867, %get3A_868] {strides = array<i32>} : memref<32x128xf32, #tpu.memory_space<vmem>>, vector<16xf32>,
        %get3A_870 = arith.constant 0 : i32
        %get3A_871 = arith.constant 0 : i32
        %get3A_872 = tpu.memref_slice %arg8[%and3A_224, %get3A_870, %get3A_871] : memref<2x32x128xf32, #tpu.memory_space<vmem>> -> memref<1x32x128xf32, #tpu.memory_space<vmem>>
        %get3A_873 = tpu.memref_squeeze %get3A_872 : memref<1x32x128xf32, #tpu.memory_space<vmem>> -> memref<32x128xf32, #tpu.memory_space<vmem>>
        %get3A_874 = arith.index_cast %scan3A_341 : i32 to index
        %get3A_875 = arith.constant 112 : index
        %get3A_876 = tpu.vector_load %get3A_873[%get3A_874, %get3A_875] {strides = array<i32>} : memref<32x128xf32, #tpu.memory_space<vmem>>, vector<16xf32>,
        %mul3A_877 = arith.constant 32 : i32
        %mul3A_878 = arith.muli %add3A_856, %mul3A_877 : i32
        %multiple_of3A_879 = tpu.assume_multiple %mul3A_878, 32 : i32
        %gather3A_880 = vector.shape_cast %broadcast_in_dim3A : vector<16x1xi32> to vector<16xi32>
        %gather3A_881 = tpu.dynamic_gather %get3A_869[%gather3A_880] in [0] : vector<16xf32>, vector<16xi32> -> vector<16xf32>
        %mul3A_882 = arith.mulf %gather3A_862, %gather3A_881 : vector<16xf32>
        %scatter3A_883 = arith.constant 0 : i32
        %scatter3A_884 = arith.constant 0 : i32
        %scatter3A_885 = tpu.memref_slice %arg10[%and3A_224, %scatter3A_883, %scatter3A_884] : memref<2x4096x8xf32, #tpu.memory_space<vmem>> -> memref<1x4096x8xf32, #tpu.memory_space<vmem>>
        %scatter3A_886 = tpu.memref_squeeze %scatter3A_885 : memref<1x4096x8xf32, #tpu.memory_space<vmem>> -> memref<4096x8xf32, #tpu.memory_space<vmem>>
        %scatter3A_887 = arith.constant 0 : i32
        %scatter3A_888 = tpu.memref_slice %scatter3A_886[%multiple_of3A_879, %scatter3A_887] : memref<4096x8xf32, #tpu.memory_space<vmem>> -> memref<32x8xf32, #tpu.memory_space<vmem>>
        tpu.vector_store_idx %scatter3A_888[%add3A_6, %and3A_2], %mul3A_882 : memref<32x8xf32, #tpu.memory_space<vmem>>[vector<16xi32>, vector<16xi32>], vector<16xf32>,
        %gather3A_889 = vector.shape_cast %broadcast_in_dim3A_52 : vector<16x1xi32> to vector<16xi32>
        %gather3A_890 = tpu.dynamic_gather %get3A_869[%gather3A_889] in [0] : vector<16xf32>, vector<16xi32> -> vector<16xf32>
        %mul3A_891 = arith.mulf %gather3A_862, %gather3A_890 : vector<16xf32>
        %scatter3A_892 = arith.constant 0 : i32
        %scatter3A_893 = arith.constant 0 : i32
        %scatter3A_894 = tpu.memref_slice %arg10[%and3A_224, %scatter3A_892, %scatter3A_893] : memref<2x4096x8xf32, #tpu.memory_space<vmem>> -> memref<1x4096x8xf32, #tpu.memory_space<vmem>>
        %scatter3A_895 = tpu.memref_squeeze %scatter3A_894 : memref<1x4096x8xf32, #tpu.memory_space<vmem>> -> memref<4096x8xf32, #tpu.memory_space<vmem>>
        %scatter3A_896 = arith.constant 0 : i32
        %scatter3A_897 = tpu.memref_slice %scatter3A_895[%multiple_of3A_879, %scatter3A_896] : memref<4096x8xf32, #tpu.memory_space<vmem>> -> memref<32x8xf32, #tpu.memory_space<vmem>>
        tpu.vector_store_idx %scatter3A_897[%add3A_9, %and3A_2], %mul3A_891 : memref<32x8xf32, #tpu.memory_space<vmem>>[vector<16xi32>, vector<16xi32>], vector<16xf32>,
        %gather3A_898 = vector.shape_cast %broadcast_in_dim3A_53 : vector<16x1xi32> to vector<16xi32>
        %gather3A_899 = tpu.dynamic_gather %get3A_869[%gather3A_898] in [0] : vector<16xf32>, vector<16xi32> -> vector<16xf32>
        %mul3A_900 = arith.mulf %gather3A_862, %gather3A_899 : vector<16xf32>
        %scatter3A_901 = arith.constant 0 : i32
        %scatter3A_902 = arith.constant 0 : i32
        %scatter3A_903 = tpu.memref_slice %arg10[%and3A_224, %scatter3A_901, %scatter3A_902] : memref<2x4096x8xf32, #tpu.memory_space<vmem>> -> memref<1x4096x8xf32, #tpu.memory_space<vmem>>
        %scatter3A_904 = tpu.memref_squeeze %scatter3A_903 : memref<1x4096x8xf32, #tpu.memory_space<vmem>> -> memref<4096x8xf32, #tpu.memory_space<vmem>>
        %scatter3A_905 = arith.constant 0 : i32
        %scatter3A_906 = tpu.memref_slice %scatter3A_904[%multiple_of3A_879, %scatter3A_905] : memref<4096x8xf32, #tpu.memory_space<vmem>> -> memref<32x8xf32, #tpu.memory_space<vmem>>
        tpu.vector_store_idx %scatter3A_906[%add3A_12, %and3A_2], %mul3A_900 : memref<32x8xf32, #tpu.memory_space<vmem>>[vector<16xi32>, vector<16xi32>], vector<16xf32>,
        %gather3A_907 = vector.shape_cast %broadcast_in_dim3A_54 : vector<16x1xi32> to vector<16xi32>
        %gather3A_908 = tpu.dynamic_gather %get3A_869[%gather3A_907] in [0] : vector<16xf32>, vector<16xi32> -> vector<16xf32>
        %mul3A_909 = arith.mulf %gather3A_862, %gather3A_908 : vector<16xf32>
        %scatter3A_910 = arith.constant 0 : i32
        %scatter3A_911 = arith.constant 0 : i32
        %scatter3A_912 = tpu.memref_slice %arg10[%and3A_224, %scatter3A_910, %scatter3A_911] : memref<2x4096x8xf32, #tpu.memory_space<vmem>> -> memref<1x4096x8xf32, #tpu.memory_space<vmem>>
        %scatter3A_913 = tpu.memref_squeeze %scatter3A_912 : memref<1x4096x8xf32, #tpu.memory_space<vmem>> -> memref<4096x8xf32, #tpu.memory_space<vmem>>
        %scatter3A_914 = arith.constant 0 : i32
        %scatter3A_915 = tpu.memref_slice %scatter3A_913[%multiple_of3A_879, %scatter3A_914] : memref<4096x8xf32, #tpu.memory_space<vmem>> -> memref<32x8xf32, #tpu.memory_space<vmem>>
        tpu.vector_store_idx %scatter3A_915[%add3A_15, %and3A_2], %mul3A_909 : memref<32x8xf32, #tpu.memory_space<vmem>>[vector<16xi32>, vector<16xi32>], vector<16xf32>,
        %gather3A_916 = vector.shape_cast %broadcast_in_dim3A_55 : vector<16x1xi32> to vector<16xi32>
        %gather3A_917 = tpu.dynamic_gather %get3A_869[%gather3A_916] in [0] : vector<16xf32>, vector<16xi32> -> vector<16xf32>
        %mul3A_918 = arith.mulf %gather3A_862, %gather3A_917 : vector<16xf32>
        %scatter3A_919 = arith.constant 0 : i32
        %scatter3A_920 = arith.constant 0 : i32
        %scatter3A_921 = tpu.memref_slice %arg10[%and3A_224, %scatter3A_919, %scatter3A_920] : memref<2x4096x8xf32, #tpu.memory_space<vmem>> -> memref<1x4096x8xf32, #tpu.memory_space<vmem>>
        %scatter3A_922 = tpu.memref_squeeze %scatter3A_921 : memref<1x4096x8xf32, #tpu.memory_space<vmem>> -> memref<4096x8xf32, #tpu.memory_space<vmem>>
        %scatter3A_923 = arith.constant 0 : i32
        %scatter3A_924 = tpu.memref_slice %scatter3A_922[%multiple_of3A_879, %scatter3A_923] : memref<4096x8xf32, #tpu.memory_space<vmem>> -> memref<32x8xf32, #tpu.memory_space<vmem>>
        tpu.vector_store_idx %scatter3A_924[%add3A_18, %and3A_2], %mul3A_918 : memref<32x8xf32, #tpu.memory_space<vmem>>[vector<16xi32>, vector<16xi32>], vector<16xf32>,
        %gather3A_925 = vector.shape_cast %broadcast_in_dim3A_56 : vector<16x1xi32> to vector<16xi32>
        %gather3A_926 = tpu.dynamic_gather %get3A_869[%gather3A_925] in [0] : vector<16xf32>, vector<16xi32> -> vector<16xf32>
        %mul3A_927 = arith.mulf %gather3A_862, %gather3A_926 : vector<16xf32>
        %scatter3A_928 = arith.constant 0 : i32
        %scatter3A_929 = arith.constant 0 : i32
        %scatter3A_930 = tpu.memref_slice %arg10[%and3A_224, %scatter3A_928, %scatter3A_929] : memref<2x4096x8xf32, #tpu.memory_space<vmem>> -> memref<1x4096x8xf32, #tpu.memory_space<vmem>>
        %scatter3A_931 = tpu.memref_squeeze %scatter3A_930 : memref<1x4096x8xf32, #tpu.memory_space<vmem>> -> memref<4096x8xf32, #tpu.memory_space<vmem>>
        %scatter3A_932 = arith.constant 0 : i32
        %scatter3A_933 = tpu.memref_slice %scatter3A_931[%multiple_of3A_879, %scatter3A_932] : memref<4096x8xf32, #tpu.memory_space<vmem>> -> memref<32x8xf32, #tpu.memory_space<vmem>>
        tpu.vector_store_idx %scatter3A_933[%add3A_21, %and3A_2], %mul3A_927 : memref<32x8xf32, #tpu.memory_space<vmem>>[vector<16xi32>, vector<16xi32>], vector<16xf32>,
        %gather3A_934 = vector.shape_cast %broadcast_in_dim3A_57 : vector<16x1xi32> to vector<16xi32>
        %gather3A_935 = tpu.dynamic_gather %get3A_869[%gather3A_934] in [0] : vector<16xf32>, vector<16xi32> -> vector<16xf32>
        %mul3A_936 = arith.mulf %gather3A_862, %gather3A_935 : vector<16xf32>
        %scatter3A_937 = arith.constant 0 : i32
        %scatter3A_938 = arith.constant 0 : i32
        %scatter3A_939 = tpu.memref_slice %arg10[%and3A_224, %scatter3A_937, %scatter3A_938] : memref<2x4096x8xf32, #tpu.memory_space<vmem>> -> memref<1x4096x8xf32, #tpu.memory_space<vmem>>
        %scatter3A_940 = tpu.memref_squeeze %scatter3A_939 : memref<1x4096x8xf32, #tpu.memory_space<vmem>> -> memref<4096x8xf32, #tpu.memory_space<vmem>>
        %scatter3A_941 = arith.constant 0 : i32
        %scatter3A_942 = tpu.memref_slice %scatter3A_940[%multiple_of3A_879, %scatter3A_941] : memref<4096x8xf32, #tpu.memory_space<vmem>> -> memref<32x8xf32, #tpu.memory_space<vmem>>
        tpu.vector_store_idx %scatter3A_942[%add3A_24, %and3A_2], %mul3A_936 : memref<32x8xf32, #tpu.memory_space<vmem>>[vector<16xi32>, vector<16xi32>], vector<16xf32>,
        %gather3A_943 = vector.shape_cast %broadcast_in_dim3A_58 : vector<16x1xi32> to vector<16xi32>
        %gather3A_944 = tpu.dynamic_gather %get3A_869[%gather3A_943] in [0] : vector<16xf32>, vector<16xi32> -> vector<16xf32>
        %mul3A_945 = arith.mulf %gather3A_862, %gather3A_944 : vector<16xf32>
        %scatter3A_946 = arith.constant 0 : i32
        %scatter3A_947 = arith.constant 0 : i32
        %scatter3A_948 = tpu.memref_slice %arg10[%and3A_224, %scatter3A_946, %scatter3A_947] : memref<2x4096x8xf32, #tpu.memory_space<vmem>> -> memref<1x4096x8xf32, #tpu.memory_space<vmem>>
        %scatter3A_949 = tpu.memref_squeeze %scatter3A_948 : memref<1x4096x8xf32, #tpu.memory_space<vmem>> -> memref<4096x8xf32, #tpu.memory_space<vmem>>
        %scatter3A_950 = arith.constant 0 : i32
        %scatter3A_951 = tpu.memref_slice %scatter3A_949[%multiple_of3A_879, %scatter3A_950] : memref<4096x8xf32, #tpu.memory_space<vmem>> -> memref<32x8xf32, #tpu.memory_space<vmem>>
        tpu.vector_store_idx %scatter3A_951[%add3A_27, %and3A_2], %mul3A_945 : memref<32x8xf32, #tpu.memory_space<vmem>>[vector<16xi32>, vector<16xi32>], vector<16xf32>,
        %gather3A_952 = vector.shape_cast %broadcast_in_dim3A : vector<16x1xi32> to vector<16xi32>
        %gather3A_953 = tpu.dynamic_gather %get3A_876[%gather3A_952] in [0] : vector<16xf32>, vector<16xi32> -> vector<16xf32>
        %mul3A_954 = arith.mulf %gather3A_862, %gather3A_953 : vector<16xf32>
        %scatter3A_955 = arith.constant 0 : i32
        %scatter3A_956 = arith.constant 0 : i32
        %scatter3A_957 = tpu.memref_slice %arg10[%and3A_224, %scatter3A_955, %scatter3A_956] : memref<2x4096x8xf32, #tpu.memory_space<vmem>> -> memref<1x4096x8xf32, #tpu.memory_space<vmem>>
        %scatter3A_958 = tpu.memref_squeeze %scatter3A_957 : memref<1x4096x8xf32, #tpu.memory_space<vmem>> -> memref<4096x8xf32, #tpu.memory_space<vmem>>
        %scatter3A_959 = arith.constant 0 : i32
        %scatter3A_960 = tpu.memref_slice %scatter3A_958[%multiple_of3A_879, %scatter3A_959] : memref<4096x8xf32, #tpu.memory_space<vmem>> -> memref<32x8xf32, #tpu.memory_space<vmem>>
        tpu.vector_store_idx %scatter3A_960[%add3A_30, %and3A_2], %mul3A_954 : memref<32x8xf32, #tpu.memory_space<vmem>>[vector<16xi32>, vector<16xi32>], vector<16xf32>,
        %gather3A_961 = vector.shape_cast %broadcast_in_dim3A_52 : vector<16x1xi32> to vector<16xi32>
        %gather3A_962 = tpu.dynamic_gather %get3A_876[%gather3A_961] in [0] : vector<16xf32>, vector<16xi32> -> vector<16xf32>
        %mul3A_963 = arith.mulf %gather3A_862, %gather3A_962 : vector<16xf32>
        %scatter3A_964 = arith.constant 0 : i32
        %scatter3A_965 = arith.constant 0 : i32
        %scatter3A_966 = tpu.memref_slice %arg10[%and3A_224, %scatter3A_964, %scatter3A_965] : memref<2x4096x8xf32, #tpu.memory_space<vmem>> -> memref<1x4096x8xf32, #tpu.memory_space<vmem>>
        %scatter3A_967 = tpu.memref_squeeze %scatter3A_966 : memref<1x4096x8xf32, #tpu.memory_space<vmem>> -> memref<4096x8xf32, #tpu.memory_space<vmem>>
        %scatter3A_968 = arith.constant 0 : i32
        %scatter3A_969 = tpu.memref_slice %scatter3A_967[%multiple_of3A_879, %scatter3A_968] : memref<4096x8xf32, #tpu.memory_space<vmem>> -> memref<32x8xf32, #tpu.memory_space<vmem>>
        tpu.vector_store_idx %scatter3A_969[%add3A_33, %and3A_2], %mul3A_963 : memref<32x8xf32, #tpu.memory_space<vmem>>[vector<16xi32>, vector<16xi32>], vector<16xf32>,
        %gather3A_970 = vector.shape_cast %broadcast_in_dim3A_53 : vector<16x1xi32> to vector<16xi32>
        %gather3A_971 = tpu.dynamic_gather %get3A_876[%gather3A_970] in [0] : vector<16xf32>, vector<16xi32> -> vector<16xf32>
        %mul3A_972 = arith.mulf %gather3A_862, %gather3A_971 : vector<16xf32>
        %scatter3A_973 = arith.constant 0 : i32
        %scatter3A_974 = arith.constant 0 : i32
        %scatter3A_975 = tpu.memref_slice %arg10[%and3A_224, %scatter3A_973, %scatter3A_974] : memref<2x4096x8xf32, #tpu.memory_space<vmem>> -> memref<1x4096x8xf32, #tpu.memory_space<vmem>>
        %scatter3A_976 = tpu.memref_squeeze %scatter3A_975 : memref<1x4096x8xf32, #tpu.memory_space<vmem>> -> memref<4096x8xf32, #tpu.memory_space<vmem>>
        %scatter3A_977 = arith.constant 0 : i32
        %scatter3A_978 = tpu.memref_slice %scatter3A_976[%multiple_of3A_879, %scatter3A_977] : memref<4096x8xf32, #tpu.memory_space<vmem>> -> memref<32x8xf32, #tpu.memory_space<vmem>>
        tpu.vector_store_idx %scatter3A_978[%add3A_36, %and3A_2], %mul3A_972 : memref<32x8xf32, #tpu.memory_space<vmem>>[vector<16xi32>, vector<16xi32>], vector<16xf32>,
        %gather3A_979 = vector.shape_cast %broadcast_in_dim3A_54 : vector<16x1xi32> to vector<16xi32>
        %gather3A_980 = tpu.dynamic_gather %get3A_876[%gather3A_979] in [0] : vector<16xf32>, vector<16xi32> -> vector<16xf32>
        %mul3A_981 = arith.mulf %gather3A_862, %gather3A_980 : vector<16xf32>
        %scatter3A_982 = arith.constant 0 : i32
        %scatter3A_983 = arith.constant 0 : i32
        %scatter3A_984 = tpu.memref_slice %arg10[%and3A_224, %scatter3A_982, %scatter3A_983] : memref<2x4096x8xf32, #tpu.memory_space<vmem>> -> memref<1x4096x8xf32, #tpu.memory_space<vmem>>
        %scatter3A_985 = tpu.memref_squeeze %scatter3A_984 : memref<1x4096x8xf32, #tpu.memory_space<vmem>> -> memref<4096x8xf32, #tpu.memory_space<vmem>>
        %scatter3A_986 = arith.constant 0 : i32
        %scatter3A_987 = tpu.memref_slice %scatter3A_985[%multiple_of3A_879, %scatter3A_986] : memref<4096x8xf32, #tpu.memory_space<vmem>> -> memref<32x8xf32, #tpu.memory_space<vmem>>
        tpu.vector_store_idx %scatter3A_987[%add3A_39, %and3A_2], %mul3A_981 : memref<32x8xf32, #tpu.memory_space<vmem>>[vector<16xi32>, vector<16xi32>], vector<16xf32>,
        %gather3A_988 = vector.shape_cast %broadcast_in_dim3A_55 : vector<16x1xi32> to vector<16xi32>
        %gather3A_989 = tpu.dynamic_gather %get3A_876[%gather3A_988] in [0] : vector<16xf32>, vector<16xi32> -> vector<16xf32>
        %mul3A_990 = arith.mulf %gather3A_862, %gather3A_989 : vector<16xf32>
        %scatter3A_991 = arith.constant 0 : i32
        %scatter3A_992 = arith.constant 0 : i32
        %scatter3A_993 = tpu.memref_slice %arg10[%and3A_224, %scatter3A_991, %scatter3A_992] : memref<2x4096x8xf32, #tpu.memory_space<vmem>> -> memref<1x4096x8xf32, #tpu.memory_space<vmem>>
        %scatter3A_994 = tpu.memref_squeeze %scatter3A_993 : memref<1x4096x8xf32, #tpu.memory_space<vmem>> -> memref<4096x8xf32, #tpu.memory_space<vmem>>
        %scatter3A_995 = arith.constant 0 : i32
        %scatter3A_996 = tpu.memref_slice %scatter3A_994[%multiple_of3A_879, %scatter3A_995] : memref<4096x8xf32, #tpu.memory_space<vmem>> -> memref<32x8xf32, #tpu.memory_space<vmem>>
        tpu.vector_store_idx %scatter3A_996[%add3A_42, %and3A_2], %mul3A_990 : memref<32x8xf32, #tpu.memory_space<vmem>>[vector<16xi32>, vector<16xi32>], vector<16xf32>,
        %gather3A_997 = vector.shape_cast %broadcast_in_dim3A_56 : vector<16x1xi32> to vector<16xi32>
        %gather3A_998 = tpu.dynamic_gather %get3A_876[%gather3A_997] in [0] : vector<16xf32>, vector<16xi32> -> vector<16xf32>
        %mul3A_999 = arith.mulf %gather3A_862, %gather3A_998 : vector<16xf32>
        %scatter3A_1000 = arith.constant 0 : i32
        %scatter3A_1001 = arith.constant 0 : i32
        %scatter3A_1002 = tpu.memref_slice %arg10[%and3A_224, %scatter3A_1000, %scatter3A_1001] : memref<2x4096x8xf32, #tpu.memory_space<vmem>> -> memref<1x4096x8xf32, #tpu.memory_space<vmem>>
        %scatter3A_1003 = tpu.memref_squeeze %scatter3A_1002 : memref<1x4096x8xf32, #tpu.memory_space<vmem>> -> memref<4096x8xf32, #tpu.memory_space<vmem>>
        %scatter3A_1004 = arith.constant 0 : i32
        %scatter3A_1005 = tpu.memref_slice %scatter3A_1003[%multiple_of3A_879, %scatter3A_1004] : memref<4096x8xf32, #tpu.memory_space<vmem>> -> memref<32x8xf32, #tpu.memory_space<vmem>>
        tpu.vector_store_idx %scatter3A_1005[%add3A_45, %and3A_2], %mul3A_999 : memref<32x8xf32, #tpu.memory_space<vmem>>[vector<16xi32>, vector<16xi32>], vector<16xf32>,
        %gather3A_1006 = vector.shape_cast %broadcast_in_dim3A_57 : vector<16x1xi32> to vector<16xi32>
        %gather3A_1007 = tpu.dynamic_gather %get3A_876[%gather3A_1006] in [0] : vector<16xf32>, vector<16xi32> -> vector<16xf32>
        %mul3A_1008 = arith.mulf %gather3A_862, %gather3A_1007 : vector<16xf32>
        %scatter3A_1009 = arith.constant 0 : i32
        %scatter3A_1010 = arith.constant 0 : i32
        %scatter3A_1011 = tpu.memref_slice %arg10[%and3A_224, %scatter3A_1009, %scatter3A_1010] : memref<2x4096x8xf32, #tpu.memory_space<vmem>> -> memref<1x4096x8xf32, #tpu.memory_space<vmem>>
        %scatter3A_1012 = tpu.memref_squeeze %scatter3A_1011 : memref<1x4096x8xf32, #tpu.memory_space<vmem>> -> memref<4096x8xf32, #tpu.memory_space<vmem>>
        %scatter3A_1013 = arith.constant 0 : i32
        %scatter3A_1014 = tpu.memref_slice %scatter3A_1012[%multiple_of3A_879, %scatter3A_1013] : memref<4096x8xf32, #tpu.memory_space<vmem>> -> memref<32x8xf32, #tpu.memory_space<vmem>>
        tpu.vector_store_idx %scatter3A_1014[%add3A_48, %and3A_2], %mul3A_1008 : memref<32x8xf32, #tpu.memory_space<vmem>>[vector<16xi32>, vector<16xi32>], vector<16xf32>,
        %gather3A_1015 = vector.shape_cast %broadcast_in_dim3A_58 : vector<16x1xi32> to vector<16xi32>
        %gather3A_1016 = tpu.dynamic_gather %get3A_876[%gather3A_1015] in [0] : vector<16xf32>, vector<16xi32> -> vector<16xf32>
        %mul3A_1017 = arith.mulf %gather3A_862, %gather3A_1016 : vector<16xf32>
        %scatter3A_1018 = arith.constant 0 : i32
        %scatter3A_1019 = arith.constant 0 : i32
        %scatter3A_1020 = tpu.memref_slice %arg10[%and3A_224, %scatter3A_1018, %scatter3A_1019] : memref<2x4096x8xf32, #tpu.memory_space<vmem>> -> memref<1x4096x8xf32, #tpu.memory_space<vmem>>
        %scatter3A_1021 = tpu.memref_squeeze %scatter3A_1020 : memref<1x4096x8xf32, #tpu.memory_space<vmem>> -> memref<4096x8xf32, #tpu.memory_space<vmem>>
        %scatter3A_1022 = arith.constant 0 : i32
        %scatter3A_1023 = tpu.memref_slice %scatter3A_1021[%multiple_of3A_879, %scatter3A_1022] : memref<4096x8xf32, #tpu.memory_space<vmem>> -> memref<32x8xf32, #tpu.memory_space<vmem>>
        tpu.vector_store_idx %scatter3A_1023[%add3A_51, %and3A_2], %mul3A_1017 : memref<32x8xf32, #tpu.memory_space<vmem>>[vector<16xi32>, vector<16xi32>], vector<16xf32>,
        %mul3A_1024 = arith.constant 128 : i32
        %mul3A_1025 = arith.muli %scan3A_341, %mul3A_1024 : i32
        %multiple_of3A_1026 = tpu.assume_multiple %mul3A_1025, 128 : i32
        %dma_start3A_1027 = arith.constant 0 : i32
        %dma_start3A_1028 = tpu.memref_slice %arg10[%and3A_224, %multiple_of3A_1026, %dma_start3A_1027] : memref<2x4096x8xf32, #tpu.memory_space<vmem>> -> memref<1x128x8xf32, #tpu.memory_space<vmem>>
        %dma_start3A_1029 = tpu.memref_squeeze %dma_start3A_1028 : memref<1x128x8xf32, #tpu.memory_space<vmem>> -> memref<128x8xf32, #tpu.memory_space<vmem>>
        %dma_start3A_1030 = arith.constant 0 : i32
        %dma_start3A_1031 = tpu.memref_slice %arg9[%rem3A_226, %scan3A_341, %dma_start3A_1030] : memref<3x32x128xi32, #tpu.memory_space<vmem>> -> memref<1x1x128xi32, #tpu.memory_space<vmem>>
        %dma_start3A_1032 = tpu.memref_squeeze %dma_start3A_1031 : memref<1x1x128xi32, #tpu.memory_space<vmem>> -> memref<128xi32, #tpu.memory_space<vmem>>
        %dma_start3A_1033 = arith.constant 0 : i32
        %dma_start3A_1034 = arith.constant 0 : i32
        %dma_start3A_1035 = tpu.memref_slice %arg12[%dma_start3A_1033, %dma_start3A_1034] : memref<65536x8xf32, #tpu.memory_space<vmem_shared>> -> memref<65536x8xf32, #tpu.memory_space<vmem_shared>>
        tpu.enqueue_indirect_dma source(%dma_start3A_1029 : memref<128x8xf32, #tpu.memory_space<vmem>>) target(%dma_start3A_1035 : memref<65536x8xf32, #tpu.memory_space<vmem_shared>>) offsets(%dma_start3A_1032 : memref<128xi32, #tpu.memory_space<vmem>>) semaphore(%arg14 : memref<!tpu.dma_semaphore, #tpu.memory_space<semaphore_mem>>) {add = true}
        %scan3A_1036 = arith.constant 0 : i32
        scf.yield %scan3A_1036 : i32
      }
      %scan3A_339 = arith.constant 32 : i32
      %scan3A_340 = arith.constant 0 : i32
      scf.yield %scan3A_340 : i32
    }
    %scan3A_155 = arith.constant 32 : i32
    %scan3A_156 = arith.constant 0 : i32
    %scan3A_157 = arith.constant 0 : i32
    %scan3A_158 = arith.constant 32 : i32
    %scan3A_159 = arith.addi %scan3A_157, %scan3A_158 : i32
    %scan3A_160 = arith.constant 1 : i32
    %scan3A_161 = scf.for %scan3A_221 = %scan3A_157 to %scan3A_159 step %scan3A_160 iter_args(%scan3A_222 = %scan3A_156) -> (i32)  : i32 {
      %mul3A_223 = arith.constant 128 : i32
      %mul3A_224 = arith.muli %scan3A_221, %mul3A_223 : i32
      %multiple_of3A_225 = tpu.assume_multiple %mul3A_224, 128 : i32
      %dma_wait3A = arith.constant 0 : i32
      %dma_wait3A_226 = arith.constant 0 : i32
      %dma_wait3A_227 = arith.constant 0 : i32
      %dma_wait3A_228 = tpu.memref_slice %arg10[%dma_wait3A, %multiple_of3A_225, %dma_wait3A_227] : memref<2x4096x8xf32, #tpu.memory_space<vmem>> -> memref<1x128x8xf32, #tpu.memory_space<vmem>>
      %dma_wait3A_229 = tpu.memref_squeeze %dma_wait3A_228 : memref<1x128x8xf32, #tpu.memory_space<vmem>> -> memref<128x8xf32, #tpu.memory_space<vmem>>
      %dma_wait3A_230 = arith.constant 0 : i32
      %dma_wait3A_231 = tpu.memref_slice %arg9[%dma_wait3A_226, %scan3A_221, %dma_wait3A_230] : memref<3x32x128xi32, #tpu.memory_space<vmem>> -> memref<1x1x128xi32, #tpu.memory_space<vmem>>
      %dma_wait3A_232 = tpu.memref_squeeze %dma_wait3A_231 : memref<1x1x128xi32, #tpu.memory_space<vmem>> -> memref<128xi32, #tpu.memory_space<vmem>>
      %dma_wait3A_233 = arith.constant 0 : i32
      %dma_wait3A_234 = arith.constant 0 : i32
      %dma_wait3A_235 = tpu.memref_slice %arg12[%dma_wait3A_233, %dma_wait3A_234] : memref<65536x8xf32, #tpu.memory_space<vmem_shared>> -> memref<65536x8xf32, #tpu.memory_space<vmem_shared>>
      tpu.wait_indirect_dma semaphore(%arg14 : memref<!tpu.dma_semaphore, #tpu.memory_space<semaphore_mem>>) src(%dma_wait3A_229 : memref<128x8xf32, #tpu.memory_space<vmem>>) dst(%dma_wait3A_235 : memref<65536x8xf32, #tpu.memory_space<vmem_shared>>)
      %scan3A_236 = arith.constant 0 : i32
      scf.yield %scan3A_236 : i32
    }
    %scan3A_162 = arith.constant 32 : i32
    %scan3A_163 = arith.constant 0 : i32
    %scan3A_164 = arith.constant 0 : i32
    %scan3A_165 = arith.constant 32 : i32
    %scan3A_166 = arith.addi %scan3A_164, %scan3A_165 : i32
    %scan3A_167 = arith.constant 1 : i32
    %scan3A_168 = scf.for %scan3A_221 = %scan3A_164 to %scan3A_166 step %scan3A_167 iter_args(%scan3A_222 = %scan3A_163) -> (i32)  : i32 {
      %mul3A_223 = arith.constant 128 : i32
      %mul3A_224 = arith.muli %scan3A_221, %mul3A_223 : i32
      %multiple_of3A_225 = tpu.assume_multiple %mul3A_224, 128 : i32
      %dma_wait3A = arith.constant 1 : i32
      %dma_wait3A_226 = arith.constant 1 : i32
      %dma_wait3A_227 = arith.constant 0 : i32
      %dma_wait3A_228 = tpu.memref_slice %arg10[%dma_wait3A, %multiple_of3A_225, %dma_wait3A_227] : memref<2x4096x8xf32, #tpu.memory_space<vmem>> -> memref<1x128x8xf32, #tpu.memory_space<vmem>>
      %dma_wait3A_229 = tpu.memref_squeeze %dma_wait3A_228 : memref<1x128x8xf32, #tpu.memory_space<vmem>> -> memref<128x8xf32, #tpu.memory_space<vmem>>
      %dma_wait3A_230 = arith.constant 0 : i32
      %dma_wait3A_231 = tpu.memref_slice %arg9[%dma_wait3A_226, %scan3A_221, %dma_wait3A_230] : memref<3x32x128xi32, #tpu.memory_space<vmem>> -> memref<1x1x128xi32, #tpu.memory_space<vmem>>
      %dma_wait3A_232 = tpu.memref_squeeze %dma_wait3A_231 : memref<1x1x128xi32, #tpu.memory_space<vmem>> -> memref<128xi32, #tpu.memory_space<vmem>>
      %dma_wait3A_233 = arith.constant 0 : i32
      %dma_wait3A_234 = arith.constant 0 : i32
      %dma_wait3A_235 = tpu.memref_slice %arg12[%dma_wait3A_233, %dma_wait3A_234] : memref<65536x8xf32, #tpu.memory_space<vmem_shared>> -> memref<65536x8xf32, #tpu.memory_space<vmem_shared>>
      tpu.wait_indirect_dma semaphore(%arg14 : memref<!tpu.dma_semaphore, #tpu.memory_space<semaphore_mem>>) src(%dma_wait3A_229 : memref<128x8xf32, #tpu.memory_space<vmem>>) dst(%dma_wait3A_235 : memref<65536x8xf32, #tpu.memory_space<vmem_shared>>)
      %scan3A_236 = arith.constant 0 : i32
      scf.yield %scan3A_236 : i32
    }
    %scan3A_169 = arith.constant 32 : i32
    %barrier3A_170 = arith.constant 0 : index
    tpu.barrier barrier_id(%barrier3A_170)
    %mul3A_171 = arith.constant 4096 : i32
    %mul3A_172 = arith.muli %arg1, %mul3A_171 : i32
    %run_scoped3A = arith.constant 0 : i32
    "tpu.region"() ({
      %run_scoped3A_221 = tpu.sem_alloc : memref<!tpu.dma_semaphore, #tpu.memory_space<semaphore_mem>>
      %dma_start3A_222 = arith.constant 0 : i32
      %dma_start3A_223 = arith.constant 0 : i32
      %dma_start3A_224 = tpu.memref_slice %arg10[%run_scoped3A, %dma_start3A_222, %dma_start3A_223] : memref<2x4096x8xf32, #tpu.memory_space<vmem>> -> memref<1x4096x8xf32, #tpu.memory_space<vmem>>
      %dma_start3A_225 = tpu.memref_squeeze %dma_start3A_224 : memref<1x4096x8xf32, #tpu.memory_space<vmem>> -> memref<4096x8xf32, #tpu.memory_space<vmem>>
      %dma_start3A_226 = arith.constant 0 : i32
      %dma_start3A_227 = tpu.memref_slice %arg12[%mul3A_172, %dma_start3A_226] : memref<65536x8xf32, #tpu.memory_space<vmem_shared>> -> memref<4096x8xf32, #tpu.memory_space<vmem_shared>>
      %dma_start3A_228 = arith.constant 0 : i32
      %dma_start3A_229 = arith.constant 0 : i32
      %dma_start3A_230 = tpu.memref_slice %arg10[%run_scoped3A, %dma_start3A_228, %dma_start3A_229] : memref<2x4096x8xf32, #tpu.memory_space<vmem>> -> memref<1x4096x8xf32, #tpu.memory_space<vmem>>
      %dma_start3A_231 = tpu.memref_squeeze %dma_start3A_230 : memref<1x4096x8xf32, #tpu.memory_space<vmem>> -> memref<4096x8xf32, #tpu.memory_space<vmem>>
      %dma_start3A_232 = arith.constant 0 : i32
      %dma_start3A_233 = tpu.memref_slice %arg12[%mul3A_172, %dma_start3A_232] : memref<65536x8xf32, #tpu.memory_space<vmem_shared>> -> memref<4096x8xf32, #tpu.memory_space<vmem_shared>>
      tpu.enqueue_dma source(%dma_start3A_233 : memref<4096x8xf32, #tpu.memory_space<vmem_shared>>) target(%dma_start3A_231 : memref<4096x8xf32, #tpu.memory_space<vmem>>) target_semaphore(%run_scoped3A_221 : memref<!tpu.dma_semaphore, #tpu.memory_space<semaphore_mem>>)
      %dma_wait3A = arith.constant 0 : i32
      %dma_wait3A_234 = arith.constant 0 : i32
      %dma_wait3A_235 = tpu.memref_slice %arg10[%run_scoped3A, %dma_wait3A, %dma_wait3A_234] : memref<2x4096x8xf32, #tpu.memory_space<vmem>> -> memref<1x4096x8xf32, #tpu.memory_space<vmem>>
      %dma_wait3A_236 = tpu.memref_squeeze %dma_wait3A_235 : memref<1x4096x8xf32, #tpu.memory_space<vmem>> -> memref<4096x8xf32, #tpu.memory_space<vmem>>
      %dma_wait3A_237 = arith.constant 0 : i32
      %dma_wait3A_238 = tpu.memref_slice %arg12[%mul3A_172, %dma_wait3A_237] : memref<65536x8xf32, #tpu.memory_space<vmem_shared>> -> memref<4096x8xf32, #tpu.memory_space<vmem_shared>>
      %dma_wait3A_239 = arith.constant 0 : i32
      %dma_wait3A_240 = arith.constant 0 : i32
      %dma_wait3A_241 = tpu.memref_slice %arg10[%run_scoped3A, %dma_wait3A_239, %dma_wait3A_240] : memref<2x4096x8xf32, #tpu.memory_space<vmem>> -> memref<1x4096x8xf32, #tpu.memory_space<vmem>>
      %dma_wait3A_242 = tpu.memref_squeeze %dma_wait3A_241 : memref<1x4096x8xf32, #tpu.memory_space<vmem>> -> memref<4096x8xf32, #tpu.memory_space<vmem>>
      %dma_wait3A_243 = arith.constant 0 : i32
      %dma_wait3A_244 = tpu.memref_slice %arg12[%mul3A_172, %dma_wait3A_243] : memref<65536x8xf32, #tpu.memory_space<vmem_shared>> -> memref<4096x8xf32, #tpu.memory_space<vmem_shared>>
      tpu.wait_dma2 semaphore(%run_scoped3A_221 : memref<!tpu.dma_semaphore, #tpu.memory_space<semaphore_mem>>) src(%dma_wait3A_244 : memref<4096x8xf32, #tpu.memory_space<vmem_shared>>) dst(%dma_wait3A_242 : memref<4096x8xf32, #tpu.memory_space<vmem>>)
      tpu.yield
    }) : () -> ()
    %scan3A_173 = arith.constant 0 : i32
    %scan3A_174 = arith.constant 0 : i32
    %scan3A_175 = arith.constant 0 : i32
    %scan3A_176 = arith.constant 512 : i32
    %scan3A_177 = arith.addi %scan3A_175, %scan3A_176 : i32
    %scan3A_178 = arith.constant 1 : i32
    %scan3A_179 = scf.for %scan3A_221 = %scan3A_175 to %scan3A_177 step %scan3A_178 iter_args(%scan3A_222 = %scan3A_174) -> (i32)  : i32 {
      %mul3A_223 = arith.constant 2 : i32
      %mul3A_224 = arith.muli %mul3A_223, %scan3A_221 : i32
      %add3A_225 = arith.constant 0 : i32
      %add3A_226 = arith.addi %add3A_225, %mul3A_224 : i32
      %broadcast_in_dim3A_227 = vector.broadcast %add3A_226 : i32 to vector<16xi32>
      %add3A_228 = arith.addi %broadcast_in_dim3A_227, %shift_right_arithmetic3A_4 : vector<16xi32>
      %gather3A = arith.constant 0 : i32
      %gather3A_229 = arith.constant 0 : i32
      %gather3A_230 = tpu.memref_slice %arg10[%scan3A_173, %gather3A, %gather3A_229] : memref<2x4096x8xf32, #tpu.memory_space<vmem>> -> memref<1x4096x8xf32, #tpu.memory_space<vmem>>
      %gather3A_231 = tpu.memref_squeeze %gather3A_230 : memref<1x4096x8xf32, #tpu.memory_space<vmem>> -> memref<4096x8xf32, #tpu.memory_space<vmem>>
      %gather3A_232 = tpu.vector_load_idx %gather3A_231[%add3A_228, %and3A_2] : memref<4096x8xf32, #tpu.memory_space<vmem>>[vector<16xi32>, vector<16xi32>], vector<16xf32>,
      %mul3A_233 = arith.constant 2 : i32
      %mul3A_234 = arith.muli %mul3A_233, %scan3A_221 : i32
      %broadcast_in_dim3A_235 = vector.broadcast %mul3A_234 : i32 to vector<16xi32>
      %add3A_236 = arith.addi %broadcast_in_dim3A_235, %shift_right_arithmetic3A_4 : vector<16xi32>
      tpu.vector_store_idx %arg11[%and3A_2, %add3A_236], %gather3A_232 : memref<8x1027xf32, #tpu.memory_space<vmem>>[vector<16xi32>, vector<16xi32>], vector<16xf32>,
      %scan3A_237 = arith.constant 0 : i32
      scf.yield %scan3A_237 : i32
    }
    %scan3A_180 = arith.constant 512 : i32
    %mul3A_181 = arith.constant 4096 : i32
    %mul3A_182 = arith.muli %arg1, %mul3A_181 : i32
    %add3A_183 = arith.constant 0 : i32
    %add3A_184 = arith.addi %mul3A_182, %add3A_183 : i32
    "tpu.region"() ({
      %run_scoped3A_221 = tpu.sem_alloc : memref<!tpu.dma_semaphore, #tpu.memory_space<semaphore_mem>>
      %dma_start3A_222 = arith.constant 0 : i32
      %dma_start3A_223 = arith.constant 0 : i32
      %dma_start3A_224 = tpu.memref_slice %arg11[%dma_start3A_222, %dma_start3A_223] : memref<8x1027xf32, #tpu.memory_space<vmem>> -> memref<8x1024xf32, #tpu.memory_space<vmem>>
      %dma_start3A_225 = arith.constant 0 : i32
      %dma_start3A_226 = tpu.memref_slice %arg6[%arg0, %dma_start3A_225, %add3A_184] : memref<2x8x65536xf32, #tpu.memory_space<hbm>> -> memref<1x8x1024xf32, #tpu.memory_space<hbm>>
      %dma_start3A_227 = tpu.memref_squeeze %dma_start3A_226 : memref<1x8x1024xf32, #tpu.memory_space<hbm>> -> memref<8x1024xf32, #tpu.memory_space<hbm>>
      %dma_start3A_228 = arith.constant 0 : i32
      %dma_start3A_229 = tpu.memref_slice %arg6[%arg0, %dma_start3A_228, %add3A_184] : memref<2x8x65536xf32, #tpu.memory_space<hbm>> -> memref<1x8x1024xf32, #tpu.memory_space<hbm>>
      %dma_start3A_230 = tpu.memref_squeeze %dma_start3A_229 : memref<1x8x1024xf32, #tpu.memory_space<hbm>> -> memref<8x1024xf32, #tpu.memory_space<hbm>>
      %dma_start3A_231 = arith.constant 0 : i32
      %dma_start3A_232 = arith.constant 0 : i32
      %dma_start3A_233 = tpu.memref_slice %arg11[%dma_start3A_231, %dma_start3A_232] : memref<8x1027xf32, #tpu.memory_space<vmem>> -> memref<8x1024xf32, #tpu.memory_space<vmem>>
      tpu.enqueue_dma source(%dma_start3A_233 : memref<8x1024xf32, #tpu.memory_space<vmem>>) target(%dma_start3A_230 : memref<8x1024xf32, #tpu.memory_space<hbm>>) target_semaphore(%run_scoped3A_221 : memref<!tpu.dma_semaphore, #tpu.memory_space<semaphore_mem>>)
      %dma_wait3A = arith.constant 0 : i32
      %dma_wait3A_234 = arith.constant 0 : i32
      %dma_wait3A_235 = tpu.memref_slice %arg11[%dma_wait3A, %dma_wait3A_234] : memref<8x1027xf32, #tpu.memory_space<vmem>> -> memref<8x1024xf32, #tpu.memory_space<vmem>>
      %dma_wait3A_236 = arith.constant 0 : i32
      %dma_wait3A_237 = tpu.memref_slice %arg6[%arg0, %dma_wait3A_236, %add3A_184] : memref<2x8x65536xf32, #tpu.memory_space<hbm>> -> memref<1x8x1024xf32, #tpu.memory_space<hbm>>
      %dma_wait3A_238 = tpu.memref_squeeze %dma_wait3A_237 : memref<1x8x1024xf32, #tpu.memory_space<hbm>> -> memref<8x1024xf32, #tpu.memory_space<hbm>>
      %dma_wait3A_239 = arith.constant 0 : i32
      %dma_wait3A_240 = tpu.memref_slice %arg6[%arg0, %dma_wait3A_239, %add3A_184] : memref<2x8x65536xf32, #tpu.memory_space<hbm>> -> memref<1x8x1024xf32, #tpu.memory_space<hbm>>
      %dma_wait3A_241 = tpu.memref_squeeze %dma_wait3A_240 : memref<1x8x1024xf32, #tpu.memory_space<hbm>> -> memref<8x1024xf32, #tpu.memory_space<hbm>>
      %dma_wait3A_242 = arith.constant 0 : i32
      %dma_wait3A_243 = arith.constant 0 : i32
      %dma_wait3A_244 = tpu.memref_slice %arg11[%dma_wait3A_242, %dma_wait3A_243] : memref<8x1027xf32, #tpu.memory_space<vmem>> -> memref<8x1024xf32, #tpu.memory_space<vmem>>
      tpu.wait_dma2 semaphore(%run_scoped3A_221 : memref<!tpu.dma_semaphore, #tpu.memory_space<semaphore_mem>>) src(%dma_wait3A_244 : memref<8x1024xf32, #tpu.memory_space<vmem>>) dst(%dma_wait3A_241 : memref<8x1024xf32, #tpu.memory_space<hbm>>)
      tpu.yield
    }) : () -> ()
    %scan3A_185 = arith.constant 0 : i32
    %scan3A_186 = arith.constant 0 : i32
    %scan3A_187 = arith.constant 0 : i32
    %scan3A_188 = arith.constant 512 : i32
    %scan3A_189 = arith.addi %scan3A_187, %scan3A_188 : i32
    %scan3A_190 = arith.constant 1 : i32
    %scan3A_191 = scf.for %scan3A_221 = %scan3A_187 to %scan3A_189 step %scan3A_190 iter_args(%scan3A_222 = %scan3A_186) -> (i32)  : i32 {
      %mul3A_223 = arith.constant 2 : i32
      %mul3A_224 = arith.muli %mul3A_223, %scan3A_221 : i32
      %add3A_225 = arith.constant 1024 : i32
      %add3A_226 = arith.addi %add3A_225, %mul3A_224 : i32
      %broadcast_in_dim3A_227 = vector.broadcast %add3A_226 : i32 to vector<16xi32>
      %add3A_228 = arith.addi %broadcast_in_dim3A_227, %shift_right_arithmetic3A_4 : vector<16xi32>
      %gather3A = arith.constant 0 : i32
      %gather3A_229 = arith.constant 0 : i32
      %gather3A_230 = tpu.memref_slice %arg10[%scan3A_185, %gather3A, %gather3A_229] : memref<2x4096x8xf32, #tpu.memory_space<vmem>> -> memref<1x4096x8xf32, #tpu.memory_space<vmem>>
      %gather3A_231 = tpu.memref_squeeze %gather3A_230 : memref<1x4096x8xf32, #tpu.memory_space<vmem>> -> memref<4096x8xf32, #tpu.memory_space<vmem>>
      %gather3A_232 = tpu.vector_load_idx %gather3A_231[%add3A_228, %and3A_2] : memref<4096x8xf32, #tpu.memory_space<vmem>>[vector<16xi32>, vector<16xi32>], vector<16xf32>,
      %mul3A_233 = arith.constant 2 : i32
      %mul3A_234 = arith.muli %mul3A_233, %scan3A_221 : i32
      %broadcast_in_dim3A_235 = vector.broadcast %mul3A_234 : i32 to vector<16xi32>
      %add3A_236 = arith.addi %broadcast_in_dim3A_235, %shift_right_arithmetic3A_4 : vector<16xi32>
      tpu.vector_store_idx %arg11[%and3A_2, %add3A_236], %gather3A_232 : memref<8x1027xf32, #tpu.memory_space<vmem>>[vector<16xi32>, vector<16xi32>], vector<16xf32>,
      %scan3A_237 = arith.constant 0 : i32
      scf.yield %scan3A_237 : i32
    }
    %scan3A_192 = arith.constant 512 : i32
    %mul3A_193 = arith.constant 4096 : i32
    %mul3A_194 = arith.muli %arg1, %mul3A_193 : i32
    %add3A_195 = arith.constant 1024 : i32
    %add3A_196 = arith.addi %mul3A_194, %add3A_195 : i32
    "tpu.region"() ({
      %run_scoped3A_221 = tpu.sem_alloc : memref<!tpu.dma_semaphore, #tpu.memory_space<semaphore_mem>>
      %dma_start3A_222 = arith.constant 0 : i32
      %dma_start3A_223 = arith.constant 0 : i32
      %dma_start3A_224 = tpu.memref_slice %arg11[%dma_start3A_222, %dma_start3A_223] : memref<8x1027xf32, #tpu.memory_space<vmem>> -> memref<8x1024xf32, #tpu.memory_space<vmem>>
      %dma_start3A_225 = arith.constant 0 : i32
      %dma_start3A_226 = tpu.memref_slice %arg6[%arg0, %dma_start3A_225, %add3A_196] : memref<2x8x65536xf32, #tpu.memory_space<hbm>> -> memref<1x8x1024xf32, #tpu.memory_space<hbm>>
      %dma_start3A_227 = tpu.memref_squeeze %dma_start3A_226 : memref<1x8x1024xf32, #tpu.memory_space<hbm>> -> memref<8x1024xf32, #tpu.memory_space<hbm>>
      %dma_start3A_228 = arith.constant 0 : i32
      %dma_start3A_229 = tpu.memref_slice %arg6[%arg0, %dma_start3A_228, %add3A_196] : memref<2x8x65536xf32, #tpu.memory_space<hbm>> -> memref<1x8x1024xf32, #tpu.memory_space<hbm>>
      %dma_start3A_230 = tpu.memref_squeeze %dma_start3A_229 : memref<1x8x1024xf32, #tpu.memory_space<hbm>> -> memref<8x1024xf32, #tpu.memory_space<hbm>>
      %dma_start3A_231 = arith.constant 0 : i32
      %dma_start3A_232 = arith.constant 0 : i32
      %dma_start3A_233 = tpu.memref_slice %arg11[%dma_start3A_231, %dma_start3A_232] : memref<8x1027xf32, #tpu.memory_space<vmem>> -> memref<8x1024xf32, #tpu.memory_space<vmem>>
      tpu.enqueue_dma source(%dma_start3A_233 : memref<8x1024xf32, #tpu.memory_space<vmem>>) target(%dma_start3A_230 : memref<8x1024xf32, #tpu.memory_space<hbm>>) target_semaphore(%run_scoped3A_221 : memref<!tpu.dma_semaphore, #tpu.memory_space<semaphore_mem>>)
      %dma_wait3A = arith.constant 0 : i32
      %dma_wait3A_234 = arith.constant 0 : i32
      %dma_wait3A_235 = tpu.memref_slice %arg11[%dma_wait3A, %dma_wait3A_234] : memref<8x1027xf32, #tpu.memory_space<vmem>> -> memref<8x1024xf32, #tpu.memory_space<vmem>>
      %dma_wait3A_236 = arith.constant 0 : i32
      %dma_wait3A_237 = tpu.memref_slice %arg6[%arg0, %dma_wait3A_236, %add3A_196] : memref<2x8x65536xf32, #tpu.memory_space<hbm>> -> memref<1x8x1024xf32, #tpu.memory_space<hbm>>
      %dma_wait3A_238 = tpu.memref_squeeze %dma_wait3A_237 : memref<1x8x1024xf32, #tpu.memory_space<hbm>> -> memref<8x1024xf32, #tpu.memory_space<hbm>>
      %dma_wait3A_239 = arith.constant 0 : i32
      %dma_wait3A_240 = tpu.memref_slice %arg6[%arg0, %dma_wait3A_239, %add3A_196] : memref<2x8x65536xf32, #tpu.memory_space<hbm>> -> memref<1x8x1024xf32, #tpu.memory_space<hbm>>
      %dma_wait3A_241 = tpu.memref_squeeze %dma_wait3A_240 : memref<1x8x1024xf32, #tpu.memory_space<hbm>> -> memref<8x1024xf32, #tpu.memory_space<hbm>>
      %dma_wait3A_242 = arith.constant 0 : i32
      %dma_wait3A_243 = arith.constant 0 : i32
      %dma_wait3A_244 = tpu.memref_slice %arg11[%dma_wait3A_242, %dma_wait3A_243] : memref<8x1027xf32, #tpu.memory_space<vmem>> -> memref<8x1024xf32, #tpu.memory_space<vmem>>
      tpu.wait_dma2 semaphore(%run_scoped3A_221 : memref<!tpu.dma_semaphore, #tpu.memory_space<semaphore_mem>>) src(%dma_wait3A_244 : memref<8x1024xf32, #tpu.memory_space<vmem>>) dst(%dma_wait3A_241 : memref<8x1024xf32, #tpu.memory_space<hbm>>)
      tpu.yield
    }) : () -> ()
    %scan3A_197 = arith.constant 0 : i32
    %scan3A_198 = arith.constant 0 : i32
    %scan3A_199 = arith.constant 0 : i32
    %scan3A_200 = arith.constant 512 : i32
    %scan3A_201 = arith.addi %scan3A_199, %scan3A_200 : i32
    %scan3A_202 = arith.constant 1 : i32
    %scan3A_203 = scf.for %scan3A_221 = %scan3A_199 to %scan3A_201 step %scan3A_202 iter_args(%scan3A_222 = %scan3A_198) -> (i32)  : i32 {
      %mul3A_223 = arith.constant 2 : i32
      %mul3A_224 = arith.muli %mul3A_223, %scan3A_221 : i32
      %add3A_225 = arith.constant 2048 : i32
      %add3A_226 = arith.addi %add3A_225, %mul3A_224 : i32
      %broadcast_in_dim3A_227 = vector.broadcast %add3A_226 : i32 to vector<16xi32>
      %add3A_228 = arith.addi %broadcast_in_dim3A_227, %shift_right_arithmetic3A_4 : vector<16xi32>
      %gather3A = arith.constant 0 : i32
      %gather3A_229 = arith.constant 0 : i32
      %gather3A_230 = tpu.memref_slice %arg10[%scan3A_197, %gather3A, %gather3A_229] : memref<2x4096x8xf32, #tpu.memory_space<vmem>> -> memref<1x4096x8xf32, #tpu.memory_space<vmem>>
      %gather3A_231 = tpu.memref_squeeze %gather3A_230 : memref<1x4096x8xf32, #tpu.memory_space<vmem>> -> memref<4096x8xf32, #tpu.memory_space<vmem>>
      %gather3A_232 = tpu.vector_load_idx %gather3A_231[%add3A_228, %and3A_2] : memref<4096x8xf32, #tpu.memory_space<vmem>>[vector<16xi32>, vector<16xi32>], vector<16xf32>,
      %mul3A_233 = arith.constant 2 : i32
      %mul3A_234 = arith.muli %mul3A_233, %scan3A_221 : i32
      %broadcast_in_dim3A_235 = vector.broadcast %mul3A_234 : i32 to vector<16xi32>
      %add3A_236 = arith.addi %broadcast_in_dim3A_235, %shift_right_arithmetic3A_4 : vector<16xi32>
      tpu.vector_store_idx %arg11[%and3A_2, %add3A_236], %gather3A_232 : memref<8x1027xf32, #tpu.memory_space<vmem>>[vector<16xi32>, vector<16xi32>], vector<16xf32>,
      %scan3A_237 = arith.constant 0 : i32
      scf.yield %scan3A_237 : i32
    }
    %scan3A_204 = arith.constant 512 : i32
    %mul3A_205 = arith.constant 4096 : i32
    %mul3A_206 = arith.muli %arg1, %mul3A_205 : i32
    %add3A_207 = arith.constant 2048 : i32
    %add3A_208 = arith.addi %mul3A_206, %add3A_207 : i32
    "tpu.region"() ({
      %run_scoped3A_221 = tpu.sem_alloc : memref<!tpu.dma_semaphore, #tpu.memory_space<semaphore_mem>>
      %dma_start3A_222 = arith.constant 0 : i32
      %dma_start3A_223 = arith.constant 0 : i32
      %dma_start3A_224 = tpu.memref_slice %arg11[%dma_start3A_222, %dma_start3A_223] : memref<8x1027xf32, #tpu.memory_space<vmem>> -> memref<8x1024xf32, #tpu.memory_space<vmem>>
      %dma_start3A_225 = arith.constant 0 : i32
      %dma_start3A_226 = tpu.memref_slice %arg6[%arg0, %dma_start3A_225, %add3A_208] : memref<2x8x65536xf32, #tpu.memory_space<hbm>> -> memref<1x8x1024xf32, #tpu.memory_space<hbm>>
      %dma_start3A_227 = tpu.memref_squeeze %dma_start3A_226 : memref<1x8x1024xf32, #tpu.memory_space<hbm>> -> memref<8x1024xf32, #tpu.memory_space<hbm>>
      %dma_start3A_228 = arith.constant 0 : i32
      %dma_start3A_229 = tpu.memref_slice %arg6[%arg0, %dma_start3A_228, %add3A_208] : memref<2x8x65536xf32, #tpu.memory_space<hbm>> -> memref<1x8x1024xf32, #tpu.memory_space<hbm>>
      %dma_start3A_230 = tpu.memref_squeeze %dma_start3A_229 : memref<1x8x1024xf32, #tpu.memory_space<hbm>> -> memref<8x1024xf32, #tpu.memory_space<hbm>>
      %dma_start3A_231 = arith.constant 0 : i32
      %dma_start3A_232 = arith.constant 0 : i32
      %dma_start3A_233 = tpu.memref_slice %arg11[%dma_start3A_231, %dma_start3A_232] : memref<8x1027xf32, #tpu.memory_space<vmem>> -> memref<8x1024xf32, #tpu.memory_space<vmem>>
      tpu.enqueue_dma source(%dma_start3A_233 : memref<8x1024xf32, #tpu.memory_space<vmem>>) target(%dma_start3A_230 : memref<8x1024xf32, #tpu.memory_space<hbm>>) target_semaphore(%run_scoped3A_221 : memref<!tpu.dma_semaphore, #tpu.memory_space<semaphore_mem>>)
      %dma_wait3A = arith.constant 0 : i32
      %dma_wait3A_234 = arith.constant 0 : i32
      %dma_wait3A_235 = tpu.memref_slice %arg11[%dma_wait3A, %dma_wait3A_234] : memref<8x1027xf32, #tpu.memory_space<vmem>> -> memref<8x1024xf32, #tpu.memory_space<vmem>>
      %dma_wait3A_236 = arith.constant 0 : i32
      %dma_wait3A_237 = tpu.memref_slice %arg6[%arg0, %dma_wait3A_236, %add3A_208] : memref<2x8x65536xf32, #tpu.memory_space<hbm>> -> memref<1x8x1024xf32, #tpu.memory_space<hbm>>
      %dma_wait3A_238 = tpu.memref_squeeze %dma_wait3A_237 : memref<1x8x1024xf32, #tpu.memory_space<hbm>> -> memref<8x1024xf32, #tpu.memory_space<hbm>>
      %dma_wait3A_239 = arith.constant 0 : i32
      %dma_wait3A_240 = tpu.memref_slice %arg6[%arg0, %dma_wait3A_239, %add3A_208] : memref<2x8x65536xf32, #tpu.memory_space<hbm>> -> memref<1x8x1024xf32, #tpu.memory_space<hbm>>
      %dma_wait3A_241 = tpu.memref_squeeze %dma_wait3A_240 : memref<1x8x1024xf32, #tpu.memory_space<hbm>> -> memref<8x1024xf32, #tpu.memory_space<hbm>>
      %dma_wait3A_242 = arith.constant 0 : i32
      %dma_wait3A_243 = arith.constant 0 : i32
      %dma_wait3A_244 = tpu.memref_slice %arg11[%dma_wait3A_242, %dma_wait3A_243] : memref<8x1027xf32, #tpu.memory_space<vmem>> -> memref<8x1024xf32, #tpu.memory_space<vmem>>
      tpu.wait_dma2 semaphore(%run_scoped3A_221 : memref<!tpu.dma_semaphore, #tpu.memory_space<semaphore_mem>>) src(%dma_wait3A_244 : memref<8x1024xf32, #tpu.memory_space<vmem>>) dst(%dma_wait3A_241 : memref<8x1024xf32, #tpu.memory_space<hbm>>)
      tpu.yield
    }) : () -> ()
    %scan3A_209 = arith.constant 0 : i32
    %scan3A_210 = arith.constant 0 : i32
    %scan3A_211 = arith.constant 0 : i32
    %scan3A_212 = arith.constant 512 : i32
    %scan3A_213 = arith.addi %scan3A_211, %scan3A_212 : i32
    %scan3A_214 = arith.constant 1 : i32
    %scan3A_215 = scf.for %scan3A_221 = %scan3A_211 to %scan3A_213 step %scan3A_214 iter_args(%scan3A_222 = %scan3A_210) -> (i32)  : i32 {
      %mul3A_223 = arith.constant 2 : i32
      %mul3A_224 = arith.muli %mul3A_223, %scan3A_221 : i32
      %add3A_225 = arith.constant 3072 : i32
      %add3A_226 = arith.addi %add3A_225, %mul3A_224 : i32
      %broadcast_in_dim3A_227 = vector.broadcast %add3A_226 : i32 to vector<16xi32>
      %add3A_228 = arith.addi %broadcast_in_dim3A_227, %shift_right_arithmetic3A_4 : vector<16xi32>
      %gather3A = arith.constant 0 : i32
      %gather3A_229 = arith.constant 0 : i32
      %gather3A_230 = tpu.memref_slice %arg10[%scan3A_209, %gather3A, %gather3A_229] : memref<2x4096x8xf32, #tpu.memory_space<vmem>> -> memref<1x4096x8xf32, #tpu.memory_space<vmem>>
      %gather3A_231 = tpu.memref_squeeze %gather3A_230 : memref<1x4096x8xf32, #tpu.memory_space<vmem>> -> memref<4096x8xf32, #tpu.memory_space<vmem>>
      %gather3A_232 = tpu.vector_load_idx %gather3A_231[%add3A_228, %and3A_2] : memref<4096x8xf32, #tpu.memory_space<vmem>>[vector<16xi32>, vector<16xi32>], vector<16xf32>,
      %mul3A_233 = arith.constant 2 : i32
      %mul3A_234 = arith.muli %mul3A_233, %scan3A_221 : i32
      %broadcast_in_dim3A_235 = vector.broadcast %mul3A_234 : i32 to vector<16xi32>
      %add3A_236 = arith.addi %broadcast_in_dim3A_235, %shift_right_arithmetic3A_4 : vector<16xi32>
      tpu.vector_store_idx %arg11[%and3A_2, %add3A_236], %gather3A_232 : memref<8x1027xf32, #tpu.memory_space<vmem>>[vector<16xi32>, vector<16xi32>], vector<16xf32>,
      %scan3A_237 = arith.constant 0 : i32
      scf.yield %scan3A_237 : i32
    }
    %scan3A_216 = arith.constant 512 : i32
    %mul3A_217 = arith.constant 4096 : i32
    %mul3A_218 = arith.muli %arg1, %mul3A_217 : i32
    %add3A_219 = arith.constant 3072 : i32
    %add3A_220 = arith.addi %mul3A_218, %add3A_219 : i32
    "tpu.region"() ({
      %run_scoped3A_221 = tpu.sem_alloc : memref<!tpu.dma_semaphore, #tpu.memory_space<semaphore_mem>>
      %dma_start3A_222 = arith.constant 0 : i32
      %dma_start3A_223 = arith.constant 0 : i32
      %dma_start3A_224 = tpu.memref_slice %arg11[%dma_start3A_222, %dma_start3A_223] : memref<8x1027xf32, #tpu.memory_space<vmem>> -> memref<8x1024xf32, #tpu.memory_space<vmem>>
      %dma_start3A_225 = arith.constant 0 : i32
      %dma_start3A_226 = tpu.memref_slice %arg6[%arg0, %dma_start3A_225, %add3A_220] : memref<2x8x65536xf32, #tpu.memory_space<hbm>> -> memref<1x8x1024xf32, #tpu.memory_space<hbm>>
      %dma_start3A_227 = tpu.memref_squeeze %dma_start3A_226 : memref<1x8x1024xf32, #tpu.memory_space<hbm>> -> memref<8x1024xf32, #tpu.memory_space<hbm>>
      %dma_start3A_228 = arith.constant 0 : i32
      %dma_start3A_229 = tpu.memref_slice %arg6[%arg0, %dma_start3A_228, %add3A_220] : memref<2x8x65536xf32, #tpu.memory_space<hbm>> -> memref<1x8x1024xf32, #tpu.memory_space<hbm>>
      %dma_start3A_230 = tpu.memref_squeeze %dma_start3A_229 : memref<1x8x1024xf32, #tpu.memory_space<hbm>> -> memref<8x1024xf32, #tpu.memory_space<hbm>>
      %dma_start3A_231 = arith.constant 0 : i32
      %dma_start3A_232 = arith.constant 0 : i32
      %dma_start3A_233 = tpu.memref_slice %arg11[%dma_start3A_231, %dma_start3A_232] : memref<8x1027xf32, #tpu.memory_space<vmem>> -> memref<8x1024xf32, #tpu.memory_space<vmem>>
      tpu.enqueue_dma source(%dma_start3A_233 : memref<8x1024xf32, #tpu.memory_space<vmem>>) target(%dma_start3A_230 : memref<8x1024xf32, #tpu.memory_space<hbm>>) target_semaphore(%run_scoped3A_221 : memref<!tpu.dma_semaphore, #tpu.memory_space<semaphore_mem>>)
      %dma_wait3A = arith.constant 0 : i32
      %dma_wait3A_234 = arith.constant 0 : i32
      %dma_wait3A_235 = tpu.memref_slice %arg11[%dma_wait3A, %dma_wait3A_234] : memref<8x1027xf32, #tpu.memory_space<vmem>> -> memref<8x1024xf32, #tpu.memory_space<vmem>>
      %dma_wait3A_236 = arith.constant 0 : i32
      %dma_wait3A_237 = tpu.memref_slice %arg6[%arg0, %dma_wait3A_236, %add3A_220] : memref<2x8x65536xf32, #tpu.memory_space<hbm>> -> memref<1x8x1024xf32, #tpu.memory_space<hbm>>
      %dma_wait3A_238 = tpu.memref_squeeze %dma_wait3A_237 : memref<1x8x1024xf32, #tpu.memory_space<hbm>> -> memref<8x1024xf32, #tpu.memory_space<hbm>>
      %dma_wait3A_239 = arith.constant 0 : i32
      %dma_wait3A_240 = tpu.memref_slice %arg6[%arg0, %dma_wait3A_239, %add3A_220] : memref<2x8x65536xf32, #tpu.memory_space<hbm>> -> memref<1x8x1024xf32, #tpu.memory_space<hbm>>
      %dma_wait3A_241 = tpu.memref_squeeze %dma_wait3A_240 : memref<1x8x1024xf32, #tpu.memory_space<hbm>> -> memref<8x1024xf32, #tpu.memory_space<hbm>>
      %dma_wait3A_242 = arith.constant 0 : i32
      %dma_wait3A_243 = arith.constant 0 : i32
      %dma_wait3A_244 = tpu.memref_slice %arg11[%dma_wait3A_242, %dma_wait3A_243] : memref<8x1027xf32, #tpu.memory_space<vmem>> -> memref<8x1024xf32, #tpu.memory_space<vmem>>
      tpu.wait_dma2 semaphore(%run_scoped3A_221 : memref<!tpu.dma_semaphore, #tpu.memory_space<semaphore_mem>>) src(%dma_wait3A_244 : memref<8x1024xf32, #tpu.memory_space<vmem>>) dst(%dma_wait3A_241 : memref<8x1024xf32, #tpu.memory_space<hbm>>)
      tpu.yield
    }) : () -> ()
    return
  }
}

module attributes {stable_mosaic.version = 14 : i64} {
  func.func @_pre_body(%arg0: i32, %arg1: memref<4096x32xf32, #tpu.memory_space<vmem>>, %arg2: memref<4096x32xi32, #tpu.memory_space<vmem>>, %arg3: memref<4096x32xf32, #tpu.memory_space<vmem>>) attributes {dimension_semantics = [#tpu.dimension_semantics<arbitrary>], iteration_bounds = array<i64: 16>, scalar_prefetch = 0 : i64, scratch_operands = 0 : i64, tpu.core_type = #tpu.core_type<tc>, window_params = [{transform_indices = @transform_0, window_bounds = array<i64: 4096, 32>}, {transform_indices = @transform_1, window_bounds = array<i64: 4096, 32>}, {transform_indices = @transform_2, window_bounds = array<i64: 4096, 32>}]} {
    %get3A = arith.constant 0 : index
    %get3A_0 = arith.constant 0 : index
    %get3A_1 = vector.load %arg1[%get3A, %get3A_0] : memref<4096x32xf32, #tpu.memory_space<vmem>>, vector<4096x32xf32>
    %jit3A = arith.constant 0.000000e+00 : f32
    %jit3A_2 = arith.constant 1.000000e+00 : f32
    %max3A = vector.broadcast %jit3A : f32 to vector<4096x32xf32>
    %max3A_3 = arith.maximumf %max3A, %get3A_1 : vector<4096x32xf32>
    %min3A = vector.broadcast %jit3A_2 : f32 to vector<4096x32xf32>
    %min3A_4 = arith.minimumf %min3A, %max3A_3 : vector<4096x32xf32>
    %get3A_5 = arith.constant 0 : index
    %get3A_6 = arith.constant 0 : index
    %get3A_7 = vector.load %arg2[%get3A_5, %get3A_6] : memref<4096x32xi32, #tpu.memory_space<vmem>>, vector<4096x32xi32>
    %convert_element_type3A = arith.sitofp %get3A_7 : vector<4096x32xi32> to vector<4096x32xf32>
    %mul3A = arith.constant -0.105360515 : f32
    %mul3A_8 = vector.broadcast %mul3A : f32 to vector<4096x32xf32>
    %mul3A_9 = arith.mulf %convert_element_type3A, %mul3A_8 : vector<4096x32xf32>
    %exp3A = math.exp %mul3A_9 : vector<4096x32xf32>
    %mul3A_10 = arith.mulf %min3A_4, %exp3A : vector<4096x32xf32>
    %swap3A = arith.constant 0 : index
    %swap3A_11 = arith.constant 0 : index
    %swap3A_12 = vector.load %arg3[%swap3A, %swap3A_11] : memref<4096x32xf32, #tpu.memory_space<vmem>>, vector<4096x32xf32>
    tpu.vector_store %arg3[%swap3A, %swap3A_11], %mul3A_10 {strides = array<i32>} : memref<4096x32xf32, #tpu.memory_space<vmem>>, vector<4096x32xf32>,
    return
  }
  func.func @transform_0(%arg0: i32) -> (i32, i32) {
    %c0_i32 = arith.constant 0 : i32
    %c0_i32_0 = arith.constant 0 : i32
    return %arg0, %c0_i32 : i32, i32
  }
  func.func @transform_1(%arg0: i32) -> (i32, i32) {
    %c0_i32 = arith.constant 0 : i32
    %c0_i32_0 = arith.constant 0 : i32
    return %arg0, %c0_i32 : i32, i32
  }
  func.func @transform_2(%arg0: i32) -> (i32, i32) {
    %c0_i32 = arith.constant 0 : i32
    %c0_i32_0 = arith.constant 0 : i32
    return %arg0, %c0_i32 : i32, i32
  }
}

</mosaic_0001>

<sc_bundles>
// kernel: kernel.4.cloned.1.call-start
scs
__scs_entry_jumppad:
0x0: {  	(pc) =	sbr.rel $0x88, $3  }
0x1: {  	(tag) =	ssettag $0x0;
	lr =	simm.s32 $0x1  }
0x2: {  	[smem:$0x3F9D] =	sst lr;
	_ =	strace $0xD0000000  }
0x3: {  	_ = 	snop  }
0x4: {  	_ = 	snop  }
0x5: {  	_ = 	snop  }
0x6: {  	_ = 	snop  }
0x7: {  	_ = 	snop  }
__scs_overlays_trampoline_lowered:
0x8: {  	[smem:$0x3FAC] =	sst s0  }
0x9: {  	[smem:$0x3FAD] =	sst s1  }
0xa: {  	[smem:$0x3FAE] =	sst s2  }
0xb: {  	[smem:$0x3FAF] =	sst s3  }
0xc: {  	[smem:$0x3FB0] =	sst s4  }
0xd: {  	[smem:$0x3FB1] =	sst s5  }
0xe: {  	[smem:$0x3FB2] =	sst s6  }
0xf: {  	[smem:$0x3FB3] =	sst s7  }
0x10: {  	[smem:$0x3FB4] =	sst s8  }
0x11: {  	[smem:$0x3FB5] =	sst s9;
	s0 =	simm.s32 @!p0 $0x0  }
0x12: {  	s1 =	sld [smem:$0x3F9B];
	s0 =	simm.s32 @p0 $0x1  }
0x13: {  	[smem:$0x3FB6] =	sst s0;
	s0 =	simm.s32 @!p1 $0x0  }
0x14: {  	s2 =	sld [smem:$0x3F9A];
	s0 =	simm.s32 @p1 $0x1  }
0x15: {  	[smem:$0x3FB7] =	sst s0;
	s0 =	simm.s32 @!p2 $0x0  }
0x16: {  	s3 =	sld [smem:$0x3FDB];
	s0 =	simm.s32 @p2 $0x1  }
0x17: {  	s4 =	simm.s32 $0x1BF5;
	[smem:$0x3FB9] =	sst s0  }
0x18: {  	s0 =	sld [smem:$0x3F9C];
	_ =	swait.ge [sflag:s4], $0x0  }
0x19: {  	s7 =	sld [smem:$0x3F9D]  }
0x1a: {  	s8 =	sadd.s32 $0xFFFFE003, lr  }
0x1b: {  	s9 =	sadd.s32 $0xFFFFFEF7, lr;
	s5 =	simm.s32 $0xFFFFFFFF;
	p2 =	slt.u32 s8, $0xFFFFF086  }
0x1c: {  	p1 =	slt.u32 s9, $0xF7A;
	s5 =	simm.s32 @!p2 $0x0  }
0x1d: {  	s5 =	simm.s32 @p1 $0x1;
	p0 =	seq.s32 s7, s2  }
0x1e: {  	s7 =	smul.u32 @!p0 $0xF7A, s2;
	p2 =	seq.s32 @!p0 s5, $0x0  }
0x1f: {  	s9 =	smul.u32 $0xF7A, s1;
	s8 =	simm.s32 @!p0 $0x1BF5;
	p2 =	por !p2, p0  }
0x20: {  	[sflag:s8] =	ssyncset.s32 @!p0 $0xFFFFF086;
	s6 =	sadd.s32 @!p0 s3, s7;
	s7 =	simm.s32 @!p0 $0x108  }
0x21: {  	s3 =	sadd.s32 s3, s9;
	s6 =	sadd.s32 @!p0 $0x88, s6;
	s7 =	simm.s32 @p2 $0x1082  }
0x22: {  	[simem:s7], [sflag:s8] =	dma.local @!p0 [hbm:s6], $0xF7A  }
0x23: {  	s9 =	sor.u32 $0xD0000000, s2;
	s6 =	simm.s32 $0x108;
	_ =	swait.ge @!p0 [sflag:s8], $0x0  }
0x24: {  	s3 =	sadd.s32 $0x88, s3;
	s6 =	simm.s32 @!p1 $0x1082;
	[sflag:s4] =	ssyncset.s32 $0xFFFFF086  }
0x25: {  	[simem:s6], [sflag:s4] =	dma.local [hbm:s3], $0xF7A  }
0x26: {  	[smem:$0x3F9D] =	sst s1;
	(tag) =	ssettag s2;
	_ =	strace s9  }
0x27: {  	s1 =	sld [smem:$0x3FAD]  }
0x28: {  	s2 =	sld [smem:$0x3FAE]  }
0x29: {  	s4 =	sld [smem:$0x3FB0]  }
0x2a: {  	p0 =	seq.s32 s5, $0x0;
	s5 =	sld [smem:$0x3FB1]  }
0x2b: {  	s6 =	sld [smem:$0x3FB2]  }
0x2c: {  	s7 =	sld [smem:$0x3FB3]  }
0x2d: {  	s3 =	simm.s32 $0x108;
	s8 =	sld [smem:$0x3FB4]  }
0x2e: {  	s3 =	simm.s32 @!p0 $0x1082;
	s9 =	sld [smem:$0x3FB5]  }
0x2f: {  	lr =	sadd.s32 s0, s3;
	s0 =	sld [smem:$0x3FAC]  }
0x30: {  	s3 =	sld [smem:$0x3FAF]  }
0x31: {  	[smem:$0x3FB8] =	sst s10  }
0x32: {  	s10 =	sld [smem:$0x3FB6];
	_ =	sdelay $0x3  }
0x33: {  	p0 =	seq.s32 s10, $0x1;
	s10 =	sld [smem:$0x3FB8];
	_ =	sdelay $0x3  }
0x34: {  	[smem:$0x3FB8] =	sst s10  }
0x35: {  	s10 =	sld [smem:$0x3FB7];
	_ =	sdelay $0x3  }
0x36: {  	p1 =	seq.s32 s10, $0x1;
	s10 =	sld [smem:$0x3FB8];
	_ =	sdelay $0x3  }
0x37: {  	[smem:$0x3FB8] =	sst s10  }
0x38: {  	s10 =	sld [smem:$0x3FB9]  }
0x39: {  	_ = 	snop;
	(pc) =	sbr.ind lr, $3  }
0x3a: {  	_ = 	snop  }
0x3b: {  	_ = 	snop  }
0x3c: {  	p2 =	seq.s32 s10, $0x1;
	s10 =	sld [smem:$0x3FB8]  }
0x3d: {  	_ =	shalt  }
0x3e: {  	_ =	shalt  }
0x3f: {  	_ =	shalt  }
0x40: {  	_ =	shalt  }
0x41: {  	_ =	shalt  }
0x42: {  	_ =	shalt  }
0x43: {  	_ =	shalt  }
0x44: {  	_ =	shalt  }
0x45: {  	_ =	shalt  }
0x46: {  	_ =	shalt  }
0x47: {  	_ =	shalt  }
0x48: {  	_ =	shalt  }
0x49: {  	_ =	shalt  }
0x4a: {  	_ =	shalt  }
0x4b: {  	_ =	shalt  }
0x4c: {  	_ =	shalt  }
0x4d: {  	_ =	shalt  }
0x4e: {  	_ =	shalt  }
0x4f: {  	_ =	shalt  }
0x50: {  	_ =	shalt  }
0x51: {  	_ =	shalt  }
0x52: {  	_ =	shalt  }
0x53: {  	_ =	shalt  }
0x54: {  	_ =	shalt  }
0x55: {  	_ =	shalt  }
0x56: {  	_ =	shalt  }
0x57: {  	_ =	shalt  }
0x58: {  	_ =	shalt  }
0x59: {  	_ =	shalt  }
0x5a: {  	_ =	shalt  }
0x5b: {  	_ =	shalt  }
0x5c: {  	_ =	shalt  }
0x5d: {  	_ =	shalt  }
0x5e: {  	_ =	shalt  }
0x5f: {  	_ =	shalt  }
0x60: {  	_ =	shalt  }
0x61: {  	_ =	shalt  }
0x62: {  	_ =	shalt  }
0x63: {  	_ =	shalt  }
0x64: {  	_ =	shalt  }
0x65: {  	_ =	shalt  }
0x66: {  	_ =	shalt  }
0x67: {  	_ =	shalt  }
0x68: {  	_ =	shalt  }
0x69: {  	_ =	shalt  }
0x6a: {  	_ =	shalt  }
0x6b: {  	_ =	shalt  }
0x6c: {  	_ =	shalt  }
0x6d: {  	_ =	shalt  }
0x6e: {  	_ =	shalt  }
0x6f: {  	_ =	shalt  }
0x70: {  	_ =	shalt  }
0x71: {  	_ =	shalt  }
0x72: {  	_ =	shalt  }
0x73: {  	_ =	shalt  }
0x74: {  	_ =	shalt  }
0x75: {  	_ =	shalt  }
0x76: {  	_ =	shalt  }
0x77: {  	_ =	shalt  }
0x78: {  	_ =	shalt  }
0x79: {  	_ =	shalt  }
0x7a: {  	_ =	shalt  }
0x7b: {  	_ =	shalt  }
0x7c: {  	_ =	shalt  }
0x7d: {  	_ =	shalt  }
0x7e: {  	_ =	shalt  }
0x7f: {  	_ =	shalt  }
0x80: {  	_ =	shalt  }
0x81: {  	_ =	shalt  }
0x82: {  	_ =	shalt  }
0x83: {  	_ =	shalt  }
0x84: {  	_ =	shalt  }
0x85: {  	_ =	shalt  }
0x86: {  	_ =	shalt  }
0x87: {  	_ =	shalt  }
.Lfunc_end0:
.L_simem_size_0:
called_computation_lowered:
.L_overlay_start_0:
0x88: {  	s2 =	sld [smem:$0x3FD9]  }
0x89: {  	s3 =	sld [smem:$0x3FFE];
	_ =	sdelay $0x1  }
0x8a: {  	s1 =	srdreg.scid  }
0x8b: {  	s0 =	sand.u32 $0x1, s1  }
0x8c: {  	s17 =	sshll.u32 s0, $0xA;
	s2 =	sadd.s32 s3, s2  }
0x8d: {  	s2 =	sadd.s32 s2, s17  }
0x8e: {  	[smem:$0x3FC4] =	sst s2  }
0x8f: {  	_ = 	snop  }
0x90: {  	s2 =	sld [smem:$0x3FD0];
	(tm) =	ssettm $0x1  }
0x91: {  	s18 =	sld [smem:$0x3FFB];
	_ =	sdelay $0x3  }
0x92: {  	_ =	strace s18  }
0x93: {  	s3 =	sld [smem:$0x3FFC];
	_ =	sdelay $0x3  }
0x94: {  	_ =	strace s3  }
0x95: {  	s3 =	sld [smem:$0x3FFD];
	_ =	sdelay $0x3  }
0x96: {  	_ =	strace s3  }
0x97: {  	_ =	strace $0x8FFFFFFF  }
0x98: {  	s19 =	sld [smem:$0x3FDB];
	_ =	sdelay $0x1  }
0x99: {  	s4 =	simm.s32 $_scs_section_size  }
0x9a: {  	s5 =	simm.s32 $_size__tile_overlayer_lowered;
	s6 =	simm.s32 $_tile_overlayer_lowered  }
0x9b: {  	s22 =	simm.s32 $0x1BFF;
	s21 =	sshll.u32 s6, $0x1;
	s3 =	sadd.s32 s4, s19  }
0x9c: {  	s7 =	simm.s32 $0x0;
	s20 =	sshll.u32 s5, $0x1;
	s5 =	sadd.s32 s21, s3  }
0x9d: {  	[timem:s7], [sflag:s22] =	dma.local [hbm:s5], s20  }
0x9e: {  	_ =	swait.ge [sflag:s22], s20  }
0x9f: {  	s4 =	ssub.s32 $0x0, s20;
	[sflag:s22] =	ssyncset.done $0x0  }
0xa0: {  	[sflag:s22] =	ssyncadd.s32 s4;
	_ =	sdelay $0x1  }
0xa1: {  	s23 =	simm.s32 $0x1B8B  }
0xa2: {  	_ =	swait.ge [sflag:s23], $0x1  }
0xa3: {  	[sflag:s23] =	ssyncset.done $0x0  }
0xa4: {  	s25 =	simm.s32 $0x1B8E;
	s24 =	sld [smem:$0x3FFE];
	[sflag:s23] =	ssyncadd.s32 $0xFFFFFFFF  }
0xa5: {  	s26 =	simm.s32 $execute0_lowered;
	[smem:$0x3FD2] =	sst s25  }
0xa6: {  	s5 =	sshll.u32 s26, $0x1;
	_ =	strace $0x80000046;
	[dreg:$0x1] =	wrdreg $0xFFFFFFFF  }
0xa7: {  	s28 =	simm.s32 $_size_execute0_lowered;
	s3 =	sadd.s32 s3, s5;
	[dreg:$0x0] =	wrdreg $0x0  }
0xa8: {  	s5 =	sshll.u32 s28, $0x1;
	[dreg:$0x2] =	wrdreg s3  }
0xa9: {  	[dreg:$0x3] =	wrdreg s5  }
0xaa: {  	[dreg:$0x4] =	wrdreg $0xC0  }
0xab: {  	_ =	task [dreg:s7], $0x5FFFF  }
0xac: {  	[dreg:$0x1] =	wrdreg $0xFFFFFFFF  }
0xad: {  	[dreg:$0x0] =	wrdreg $0x60  }
0xae: {  	[dreg:$0x2] =	wrdreg s2  }
0xaf: {  	[dreg:$0x3] =	wrdreg s24  }
0xb0: {  	[dreg:$0x4] =	wrdreg $0x179400  }
0xb1: {  	[dreg:$0x5] =	wrdreg $0x9  }
0xb2: {  	_ =	task.clear_ibuf [dreg:s7], $0x6FFFF;
	_ =	strace $0x90000046  }
0xb3: {  	s29 =	simm.s32 $0x9;
	_ =	strace $0x80000048  }
0xb4: {  	_ =	swait.ge [sflag:s29], $0x1  }
0xb5: {  	[sflag:s29] =	ssyncadd.s32 $0xFFFFFFFF  }
0xb6: {  	_ =	strace $0x90000048  }
0xb7: {  	_ =	sfence  }
0xb8: {  	s30 =	sld [smem:$0x0];
	_ =	sdelay $0x2  }
0xb9: {  	s31 =	sshll.u32 s1, $0xD;
	s1 =	sshrl.u32 s1, $0x2  }
0xba: {  	s3 =	sand.u32 $0x4000, s31;
	s1 =	sadd.s32 s1, s30  }
0xbb: {  	s0 =	sor.u32 s3, s0;
	s1 =	sshll.u32 s1, $0x11  }
0xbc: {  	s0 =	sor.u32 s1, s0  }
0xbd: {  	s0 =	sadd.s32 $0x8F2B, s0  }
0xbe: {  	[sflag:s0] =	ssyncadd.remote.s32 $0x1  }
0xbf: {  	_ =	sfence.sel $0xFFFF  }
0xc0: {  	[dreg:$0x0] =	wrdreg $0xFFFFFFFF;
	(pc) =	sbr.abs _section_cstart, $3  }
0xc1: {  	[dreg:$0x1] =	wrdreg $0xFFFFFFFF  }
0xc2: {  	_ =	task.clear_ibuf [dreg:s7], $0x2FFFF;
	_ =	strace $0x9FFFFFFF  }
0xc3: {  	(tm) =	ssettm $0x7FFFFFFF  }
tec
execute0_lowered:
.L_overlay_start_1:
0x0: {  	(tag) =	ssettag $0x1  }
0x1: {  	s1 =	rddreg [dreg:$0x0]  }
0x2: {  	s0 =	rddreg [dreg:$0x1]  }
0x3: {  	s2 =	rddreg [dreg:$0x2];
	s4 =	simm.s32 $0x0;
	s3 =	srdreg.scid  }
0x4: {  	s13 =	stileid.u32;
	s28 =	simm.s32 $0x5900;
	s29 =	simm.s32 $0x15900  }
0x5: {  	s14 =	simm.s32 $0x0;
	[smem:$0x7FF] =	sst s4;
	s3 =	sand.u32 $0x1, s3  }
0x6: {  	s5 =	sshll.u32 s13, $0xC;
	s7 =	sadd.s32 $0x1000, s0;
	s8 =	sadd.s32 $0x141000, s0  }
0x7: {  	s10 =	sadd.s32 $0x41000, s0;
	s11 =	sshll.u32 s13, $0xF;
	s22 =	sshll.u32 s13, $0x6  }
0x8: {  	s23 =	sshll.u32 s13, $0xE;
	s13 =	simm.s32 $0x17538;
	_ =	strace $0x80000047  }
0x9: {  	s6 =	sshll.u32 s3, $0x13;
	[dreg:$0x4] =	wrdreg s10;
	s10 =	sor.u32 $0x1C03, s22  }
0xa: {  	v0 =	vlaneseq.u32;
	s3 =	ssub.s32 $0x2, s3;
	s24 =	sadd.s32 s7, s23;
	[dreg:$0x6] =	wrdreg s10  }
0xb: {  	v1 =	vand.u32 $0x7, v0;
	v3 =	vshrl.u32 v0, $0x3;
	v5 =	vor.u32 $0x10, v0;
	s11 =	sadd.s32 s11, s2;
	s9 =	sor.u32 s5, s6;
	[dreg:$0x7] =	wrdreg s24  }
0xc: {  	v7 =	vor.u32 $0x20, v0;
	v9 =	vor.u32 $0x30, v0;
	v11 =	vor.u32 $0x40, v0;
	s21 =	sshrl.u32 s3, $0x1;
	[dreg:$0x5] =	wrdreg s11;
	s26 =	sshrl.u32 s11, $0x3  }
0xd: {  	v13 =	vor.u32 $0x50, v0;
	v15 =	vor.u32 $0x60, v0;
	v17 =	vor.u32 $0x70, v0;
	s9 =	sshrl.u32 s9, $0x3;
	s3 =	ssub.s32 s3, s21;
	[dreg:$0xa] =	wrdreg s26  }
0xe: {  	v18 =	vor.u32 $0x80, v0;
	v19 =	vor.u32 $0x90, v0;
	v20 =	vor.u32 $0xA0, v0;
	s21 =	simm.s32 $0x3;
	s26 =	simm.s32 $0x2;
	s0 =	sadd.s32 s9, s0  }
0xf: {  	v21 =	vor.u32 $0xB0, v0;
	v22 =	vor.u32 $0xC0, v0;
	v23 =	vor.u32 $0xD0, v0;
	s12 =	sadd.s32 s1, s9;
	s9 =	sadd.s32 s8, s23;
	s25 =	smax.u32 s3, $0x1  }
0x10: {  	v24 =	vor.u32 $0xE0, v0;
	v25 =	vor.u32 $0xF0, v0;
	v2 =	vmul.u32 $0x90, v1;
	s23 =	simm.s32 $0x1;
	[dreg:$0x8] =	wrdreg s9;
	s15 =	sadd.s32 $0x42000, s0  }
0x11: {  	v4 =	vor.u32 $0x2, v3;
	v6 =	vor.u32 $0x4, v3;
	v8 =	vor.u32 $0x6, v3;
	s16 =	sadd.s32 $0x42080, s0;
	[dreg:$0x9] =	wrdreg s25;
	s30 =	sadd.s32 $0x2000, s12  }
0x12: {  	v10 =	vor.u32 $0x8, v3;
	v12 =	vor.u32 $0xA, v3;
	v14 =	vor.u32 $0xC, v3;
	s17 =	sadd.s32 $0x42100, s0;
	s31 =	sadd.s32 $0x4000, s12;
	[dreg:$0xb] =	wrdreg s30  }
0x13: {  	v16 =	vor.u32 $0xE, v3;
	v26 =	vmul.u32 $0x8, v3;
	v27 =	vmul.u32 $0x408, v1;
	s18 =	sadd.s32 $0x42180, s0;
	s25 =	simm.s32 $0x80;
	[dreg:$0xc] =	wrdreg s31  }
.LBB2_1:
0x14: {  	s0 =	rddreg [dreg:$0x4]  }
0x15: {  	s3 =	rddreg [dreg:$0x6]  }
0x16: {  	s9 =	rddreg [dreg:$0xa]  }
0x17: {  	[spmem:s9], [sflag:s3] =	dma.local [hbm:s0], $0x1000  }
0x18: {  	_ =	swait.ge [sflag:s21], $0x1000  }
0x19: {  	[sflag:s21] =	ssyncset.done $0x0  }
0x1a: {  	[sflag:s21] =	ssyncadd.s32 $0xFFFFF000  }
0x1b: {  	[bflag:$0x0] =	sbarrier.arrive $0xFFFF  }
0x1c: {  	[tilespmem:s4], [sflag:$0x1] =	stream.linear.gather [hbm4b:s12+s4], $0x80, $0x38;
	[tilespmem:$0x1F940] =	vst v63  }
0x1d: {  	s11 =	simm.s32 $0x90;
	s10 =	rddreg [dreg:$0xb]  }
0x1e: {  	[tilespmem:s11], [sflag:$0x1] =	stream.linear.gather [hbm4b:s10+s4], $0x80, $0x38;
	[tilespmem:$0x1F940] =	vst v63  }
0x1f: {  	s20 =	simm.s32 $0x120;
	s19 =	rddreg [dreg:$0xc]  }
0x20: {  	[tilespmem:s20], [sflag:$0x1] =	stream.linear.gather [hbm4b:s19+s4], $0x80, $0x38;
	[tilespmem:$0x1F940] =	vst v63  }
0x21: {  	s22 =	sadd.s32 $0x6000, s12;
	s24 =	simm.s32 $0x1B0  }
0x22: {  	[tilespmem:s24], [sflag:$0x1] =	stream.linear.gather [hbm4b:s22+s4], $0x80, $0x38;
	[tilespmem:$0x1F940] =	vst v63  }
0x23: {  	s30 =	sadd.s32 $0x8000, s12;
	s31 =	simm.s32 $0x240  }
0x24: {  	[tilespmem:s31], [sflag:$0x1] =	stream.linear.gather [hbm4b:s30+s4], $0x80, $0x38;
	[tilespmem:$0x1F940] =	vst v63  }
0x25: {  	s3 =	sadd.s32 $0xA000, s12;
	s9 =	simm.s32 $0x2D0  }
0x26: {  	[tilespmem:s9], [sflag:$0x1] =	stream.linear.gather [hbm4b:s3+s4], $0x80, $0x38;
	[tilespmem:$0x1F940] =	vst v63  }
0x27: {  	s10 =	sadd.s32 $0xC000, s12;
	s11 =	simm.s32 $0x360  }
0x28: {  	[tilespmem:s11], [sflag:$0x1] =	stream.linear.gather [hbm4b:s10+s4], $0x80, $0x38;
	[tilespmem:$0x1F940] =	vst v63  }
0x29: {  	s19 =	sadd.s32 $0xE000, s12;
	s20 =	simm.s32 $0x3F0  }
0x2a: {  	[tilespmem:s20], [sflag:$0x1] =	stream.linear.gather [hbm4b:s19+s4], $0x80, $0x38;
	[tilespmem:$0x1F940] =	vst v63  }
0x2b: {  	s22 =	rddreg [dreg:$0x7];
	s24 =	simm.s32 $0x900  }
0x2c: {  	[tilespmem:s24], [sflag:$0x1] =	stream.linear.gather [hbm4b:s22+s4], $0x1000, $0x38;
	[tilespmem:$0x1F940] =	vst v63  }
0x2d: {  	s30 =	rddreg [dreg:$0x8];
	s31 =	simm.s32 $0x2900;
	s10 =	simm.s32 $0x0  }
0x2e: {  	[tilespmem:s31], [sflag:$0x1] =	stream.linear.gather [hbm4b:s30+s4], $0x1000, $0x38;
	[tilespmem:$0x1F940] =	vst v63  }
.LBB2_2:
0x2f: {  	_ =	swait.ge [sflag:s23], $0x400  }
0x30: {  	[sflag:s23] =	ssyncset.done $0x0  }
0x31: {  	[sflag:s23] =	ssyncadd.s32 $0xFFFFFC00  }
0x32: {  	_ =	swait.ge [sflag:s23], $0x1000  }
0x33: {  	[sflag:s23] =	ssyncset.done $0x0  }
0x34: {  	[sflag:s23] =	ssyncadd.s32 $0xFFFFF000  }
0x35: {  	_ =	swait.ge [sflag:s23], $0x1000  }
0x36: {  	p0 =	slt.u32 s10, $0x2;
	[sflag:s23] =	ssyncset.done $0x0  }
0x37: {  	s0 =	simm.s32 @!p0 $0x2;
	[sflag:s23] =	ssyncadd.s32 $0xFFFFF000  }
0x38: {  	_ =	swait.ge @!p0 [sflag:s0], $0x400  }
0x39: {  	[sflag:s0] =	ssyncset.done @!p0 $0x0  }
0x3a: {  	[sflag:s0] =	ssyncadd.s32 @!p0 $0xFFFFFC00  }
0x3b: {  	_ =	swait.ge @!p0 [sflag:s0], $0x400  }
0x3c: {  	[sflag:s0] =	ssyncset.done @!p0 $0x0  }
0x3d: {  	[sflag:s0] =	ssyncadd.s32 @!p0 $0xFFFFFC00  }
0x3e: {  	_ =	swait.ge @!p0 [sflag:s0], $0x400  }
0x3f: {  	[sflag:s0] =	ssyncset.done @!p0 $0x0  }
0x40: {  	[sflag:s0] =	ssyncadd.s32 @!p0 $0xFFFFFC00  }
0x41: {  	_ =	swait.ge @!p0 [sflag:s0], $0x400  }
0x42: {  	[sflag:s0] =	ssyncset.done @!p0 $0x0  }
0x43: {  	[sflag:s0] =	ssyncadd.s32 @!p0 $0xFFFFFC00  }
0x44: {  	_ =	swait.ge @!p0 [sflag:s0], $0x400  }
0x45: {  	[sflag:s0] =	ssyncset.done @!p0 $0x0  }
0x46: {  	[sflag:s0] =	ssyncadd.s32 @!p0 $0xFFFFFC00  }
0x47: {  	_ =	swait.ge @!p0 [sflag:s0], $0x400  }
0x48: {  	[sflag:s0] =	ssyncset.done @!p0 $0x0  }
0x49: {  	[sflag:s0] =	ssyncadd.s32 @!p0 $0xFFFFFC00  }
0x4a: {  	_ =	swait.ge @!p0 [sflag:s0], $0x400  }
0x4b: {  	[sflag:s0] =	ssyncset.done @!p0 $0x0  }
0x4c: {  	[sflag:s0] =	ssyncadd.s32 @!p0 $0xFFFFFC00  }
0x4d: {  	_ =	swait.ge @!p0 [sflag:s0], $0x400  }
0x4e: {  	[sflag:s0] =	ssyncset.done @!p0 $0x0  }
0x4f: {  	[sflag:s0] =	ssyncadd.s32 @!p0 $0xFFFFFC00  }
0x50: {  	_ =	swait.ge @!p0 [sflag:s0], $0x400  }
0x51: {  	[sflag:s0] =	ssyncset.done @!p0 $0x0  }
0x52: {  	[sflag:s0] =	ssyncadd.s32 @!p0 $0xFFFFFC00  }
0x53: {  	_ =	swait.ge @!p0 [sflag:s0], $0x400  }
0x54: {  	[sflag:s0] =	ssyncset.done @!p0 $0x0  }
0x55: {  	[sflag:s0] =	ssyncadd.s32 @!p0 $0xFFFFFC00  }
0x56: {  	_ =	swait.ge @!p0 [sflag:s0], $0x400  }
0x57: {  	[sflag:s0] =	ssyncset.done @!p0 $0x0  }
0x58: {  	[sflag:s0] =	ssyncadd.s32 @!p0 $0xFFFFFC00  }
0x59: {  	_ =	swait.ge @!p0 [sflag:s0], $0x400  }
0x5a: {  	[sflag:s0] =	ssyncset.done @!p0 $0x0  }
0x5b: {  	[sflag:s0] =	ssyncadd.s32 @!p0 $0xFFFFFC00  }
0x5c: {  	_ =	swait.ge @!p0 [sflag:s0], $0x400  }
0x5d: {  	[sflag:s0] =	ssyncset.done @!p0 $0x0  }
0x5e: {  	[sflag:s0] =	ssyncadd.s32 @!p0 $0xFFFFFC00  }
0x5f: {  	_ =	swait.ge @!p0 [sflag:s0], $0x400  }
0x60: {  	[sflag:s0] =	ssyncset.done @!p0 $0x0  }
0x61: {  	[sflag:s0] =	ssyncadd.s32 @!p0 $0xFFFFFC00  }
0x62: {  	_ =	swait.ge @!p0 [sflag:s0], $0x400  }
0x63: {  	[sflag:s0] =	ssyncset.done @!p0 $0x0  }
0x64: {  	[sflag:s0] =	ssyncadd.s32 @!p0 $0xFFFFFC00  }
0x65: {  	_ =	swait.ge @!p0 [sflag:s0], $0x400  }
0x66: {  	[sflag:s0] =	ssyncset.done @!p0 $0x0  }
0x67: {  	[sflag:s0] =	ssyncadd.s32 @!p0 $0xFFFFFC00  }
0x68: {  	_ =	swait.ge @!p0 [sflag:s0], $0x400  }
0x69: {  	[sflag:s0] =	ssyncset.done @!p0 $0x0  }
0x6a: {  	[sflag:s0] =	ssyncadd.s32 @!p0 $0xFFFFFC00  }
0x6b: {  	_ =	swait.ge @!p0 [sflag:s0], $0x400  }
0x6c: {  	[sflag:s0] =	ssyncset.done @!p0 $0x0  }
0x6d: {  	[sflag:s0] =	ssyncadd.s32 @!p0 $0xFFFFFC00  }
0x6e: {  	_ =	swait.ge @!p0 [sflag:s0], $0x400  }
0x6f: {  	[sflag:s0] =	ssyncset.done @!p0 $0x0  }
0x70: {  	[sflag:s0] =	ssyncadd.s32 @!p0 $0xFFFFFC00  }
0x71: {  	_ =	swait.ge @!p0 [sflag:s0], $0x400  }
0x72: {  	[sflag:s0] =	ssyncset.done @!p0 $0x0  }
0x73: {  	[sflag:s0] =	ssyncadd.s32 @!p0 $0xFFFFFC00  }
0x74: {  	_ =	swait.ge @!p0 [sflag:s0], $0x400  }
0x75: {  	[sflag:s0] =	ssyncset.done @!p0 $0x0  }
0x76: {  	[sflag:s0] =	ssyncadd.s32 @!p0 $0xFFFFFC00  }
0x77: {  	_ =	swait.ge @!p0 [sflag:s0], $0x400  }
0x78: {  	[sflag:s0] =	ssyncset.done @!p0 $0x0  }
0x79: {  	[sflag:s0] =	ssyncadd.s32 @!p0 $0xFFFFFC00  }
0x7a: {  	_ =	swait.ge @!p0 [sflag:s0], $0x400  }
0x7b: {  	[sflag:s0] =	ssyncset.done @!p0 $0x0  }
0x7c: {  	[sflag:s0] =	ssyncadd.s32 @!p0 $0xFFFFFC00  }
0x7d: {  	_ =	swait.ge @!p0 [sflag:s0], $0x400  }
0x7e: {  	[sflag:s0] =	ssyncset.done @!p0 $0x0  }
0x7f: {  	[sflag:s0] =	ssyncadd.s32 @!p0 $0xFFFFFC00  }
0x80: {  	_ =	swait.ge @!p0 [sflag:s0], $0x400  }
0x81: {  	[sflag:s0] =	ssyncset.done @!p0 $0x0  }
0x82: {  	[sflag:s0] =	ssyncadd.s32 @!p0 $0xFFFFFC00  }
0x83: {  	_ =	swait.ge @!p0 [sflag:s0], $0x400  }
0x84: {  	[sflag:s0] =	ssyncset.done @!p0 $0x0  }
0x85: {  	[sflag:s0] =	ssyncadd.s32 @!p0 $0xFFFFFC00  }
0x86: {  	_ =	swait.ge @!p0 [sflag:s0], $0x400  }
0x87: {  	[sflag:s0] =	ssyncset.done @!p0 $0x0  }
0x88: {  	[sflag:s0] =	ssyncadd.s32 @!p0 $0xFFFFFC00  }
0x89: {  	_ =	swait.ge @!p0 [sflag:s0], $0x400  }
0x8a: {  	[sflag:s0] =	ssyncset.done @!p0 $0x0  }
0x8b: {  	[sflag:s0] =	ssyncadd.s32 @!p0 $0xFFFFFC00  }
0x8c: {  	_ =	swait.ge @!p0 [sflag:s0], $0x400  }
0x8d: {  	[sflag:s0] =	ssyncset.done @!p0 $0x0  }
0x8e: {  	[sflag:s0] =	ssyncadd.s32 @!p0 $0xFFFFFC00  }
0x8f: {  	_ =	swait.ge @!p0 [sflag:s0], $0x400  }
0x90: {  	[sflag:s0] =	ssyncset.done @!p0 $0x0  }
0x91: {  	p1 =	seq.s32 @!p0 s10, $0x1F;
	[sflag:s0] =	ssyncadd.s32 @!p0 $0xFFFFFC00  }
0x92: {  	p1 =	por p0, !p1;
	_ =	swait.ge @!p0 [sflag:s0], $0x400  }
.Ltmp0:
0x93: {  	[sflag:s0] =	ssyncset.done @!p0 $0x0;
	(pc) =	sbr.rel @!p1 .LBB2_4-.Ltmp0, $4  }
0x94: {  	[sflag:s0] =	ssyncadd.s32 @!p0 $0xFFFFFC00  }
0x95: {  	_ =	swait.ge @!p0 [sflag:s0], $0x400  }
0x96: {  	[sflag:s0] =	ssyncset.done @!p0 $0x0  }
0x97: {  	s19 =	simm.s32 @!p0 $0x20;
	[sflag:s0] =	ssyncadd.s32 @!p0 $0xFFFFFC00  }
0x98: {  	s19 =	sadd.s32 $0x1, s10  }
0x99: {  	s0 =	sshll.u32 s19, $0x7  }
0x9a: {  	s3 =	sand.u32 $0x1, s19;
	s0 =	sadd.s32 s5, s0  }
0x9b: {  	s9 =	smul.u32 $0x1200, s3;
	s11 =	sor.u32 s6, s0  }
0x9c: {  	s11 =	sshrl.u32 s11, $0x3  }
0x9d: {  	s9 =	sshrl.u32 s9, $0x2;
	s11 =	sadd.s32 s1, s11  }
0x9e: {  	[tilespmem:s9], [sflag:$0x1] =	stream.linear.gather [hbm4b:s11+s4], $0x80, $0x38;
	[tilespmem:$0x1F940] =	vst v63  }
0x9f: {  	s22 =	sadd.s32 $0x90, s9;
	s20 =	sadd.s32 $0x2000, s11  }
0xa0: {  	[tilespmem:s22], [sflag:$0x1] =	stream.linear.gather [hbm4b:s20+s4], $0x80, $0x38;
	[tilespmem:$0x1F940] =	vst v63  }
0xa1: {  	s31 =	sadd.s32 $0x120, s9;
	s30 =	sadd.s32 $0x4000, s11  }
0xa2: {  	[tilespmem:s31], [sflag:$0x1] =	stream.linear.gather [hbm4b:s30+s4], $0x80, $0x38;
	[tilespmem:$0x1F940] =	vst v63  }
0xa3: {  	s24 =	sadd.s32 $0x1B0, s9;
	s22 =	sadd.s32 $0x6000, s11  }
0xa4: {  	[tilespmem:s24], [sflag:$0x1] =	stream.linear.gather [hbm4b:s22+s4], $0x80, $0x38;
	[tilespmem:$0x1F940] =	vst v63  }
0xa5: {  	s30 =	sadd.s32 $0x8000, s11;
	s31 =	sadd.s32 $0x240, s9  }
0xa6: {  	[tilespmem:s31], [sflag:$0x1] =	stream.linear.gather [hbm4b:s30+s4], $0x80, $0x38;
	[tilespmem:$0x1F940] =	vst v63  }
0xa7: {  	s22 =	sadd.s32 $0xA000, s11;
	s24 =	sadd.s32 $0x2D0, s9  }
0xa8: {  	[tilespmem:s24], [sflag:$0x1] =	stream.linear.gather [hbm4b:s22+s4], $0x80, $0x38;
	[tilespmem:$0x1F940] =	vst v63  }
0xa9: {  	s30 =	sadd.s32 $0xC000, s11;
	s31 =	sadd.s32 $0x360, s9;
	s24 =	smul.u32 $0xAB, s19  }
0xaa: {  	[tilespmem:s31], [sflag:$0x1] =	stream.linear.gather [hbm4b:s30+s4], $0x80, $0x38;
	[tilespmem:$0x1F940] =	vst v63  }
0xab: {  	s22 =	sshrl.u32 s24, $0x9  }
0xac: {  	s3 =	sshll.u32 s3, $0xC;
	s0 =	sshll.u32 s0, $0x2;
	s20 =	sand.u32 $0x7F, s22  }
0xad: {  	s11 =	sadd.s32 $0xE000, s11;
	s9 =	sadd.s32 $0x3F0, s9;
	s20 =	smul.u32 $0x3, s20  }
0xae: {  	[tilespmem:s9], [sflag:$0x1] =	stream.linear.gather [hbm4b:s11+s4], $0x80, $0x38;
	[tilespmem:$0x1F940] =	vst v63  }
0xaf: {  	s3 =	sor.u32 $0x900, s3;
	s30 =	sadd.s32 s7, s0;
	s24 =	ssub.s32 s19, s20  }
0xb0: {  	[tilespmem:s3], [sflag:$0x1] =	stream.linear.gather [hbm4b:s30+s4], $0x1000, $0x38;
	[tilespmem:$0x1F940] =	vst v63  }
0xb1: {  	s9 =	sand.u32 $0xFF, s24  }
0xb2: {  	s31 =	sshll.u32 s9, $0xC  }
0xb3: {  	s0 =	sadd.s32 s8, s0;
	s3 =	sadd.s32 $0x2900, s31  }
0xb4: {  	[tilespmem:s3], [sflag:$0x1] =	stream.linear.gather [hbm4b:s0+s4], $0x1000, $0x38;
	[tilespmem:$0x1F940] =	vst v63  }
.LBB2_4:
0xb5: {  	s0 =	simm.s32 $0x0  }
0xb6: {  	v28 =	vmov s0  }
0xb7: {  	s3 =	sand.u32 $0x1, s10;
	v28 =	vand.u32 $0x7C, v28  }
0xb8: {  	s22 =	sshll.u32 s3, $0xE;
	v28 =	vadd.s32 v2, v28  }
0xb9: {  	s0 =	sshrl.u32 s22, $0x2  }
0xba: {  	s9 =	smul.u32 $0x1200, s3;
	s0 =	sadd.s32 $0x940, s0  }
0xbb: {  	v29 =	vld [tilespmem:s0+$0xFFFFFFC0]  }
0xbc: {  	s20 =	sshrl.u32 s9, $0x2  }
0xbd: {  	v28 =	vld.idx.msk [tilespmem:v28+s20+$0x0], $0xffff;
	_ =	sdelay $0x2  }
0xbe: {  	v30 =	vperm.xlane v29, v3  }
0xbf: {  	v31 =	vperm.xlane v29, v4  }
0xc0: {  	s3 =	sshll.u32 s3, $0xF;
	v32 =	vperm.xlane v29, v6;
	v30 =	vmul.f32 v30, v28  }
0xc1: {  	s31 =	sor.u32 $0x5C00, s3;
	v33 =	vld [tilespmem:s0+$0xFFFFFFD0];
	v34 =	vperm.xlane v29, v8;
	v31 =	vmul.f32 v31, v28  }
0xc2: {  	v35 =	vperm.xlane v29, v10;
	v32 =	vmul.f32 v32, v28;
	[tilespmem:v0+s31+$0xFFFFFD00] =	vst.idx.msk $0xffff, v30  }
0xc3: {  	v30 =	vmul.f32 v34, v28;
	[tilespmem:v5+s31+$0xFFFFFD00] =	vst.idx.msk $0xffff, v31;
	v31 =	vperm.xlane v29, v12  }
0xc4: {  	v53 =	vperm.xlane v29, v14;
	v52 =	vmul.f32 v35, v28;
	[tilespmem:v7+s31+$0xFFFFFD00] =	vst.idx.msk $0xffff, v32  }
0xc5: {  	v29 =	vperm.xlane v29, v16;
	[tilespmem:v9+s31+$0xFFFFFD00] =	vst.idx.msk $0xffff, v30;
	v30 =	vmul.f32 v31, v28  }
0xc6: {  	v54 =	vmul.f32 v53, v28;
	v31 =	vperm.xlane v33, v3;
	[tilespmem:v11+s31+$0xFFFFFD00] =	vst.idx.msk $0xffff, v52  }
0xc7: {  	v29 =	vmul.f32 v29, v28;
	[tilespmem:v13+s31+$0xFFFFFD00] =	vst.idx.msk $0xffff, v30;
	v30 =	vperm.xlane v33, v4  }
0xc8: {  	v55 =	vperm.xlane v33, v6;
	v31 =	vmul.f32 v31, v28;
	[tilespmem:v15+s31+$0xFFFFFD00] =	vst.idx.msk $0xffff, v54  }
0xc9: {  	v56 =	vperm.xlane v33, v8;
	[tilespmem:v17+s31+$0xFFFFFD00] =	vst.idx.msk $0xffff, v29;
	v29 =	vmul.f32 v30, v28  }
0xca: {  	v34 =	vmul.f32 v55, v28;
	v30 =	vperm.xlane v33, v10;
	[tilespmem:v18+s31+$0xFFFFFD00] =	vst.idx.msk $0xffff, v31  }
0xcb: {  	v31 =	vmul.f32 v56, v28;
	[tilespmem:v19+s31+$0xFFFFFD00] =	vst.idx.msk $0xffff, v29;
	v29 =	vperm.xlane v33, v12  }
0xcc: {  	s24 =	simm.s32 $0x1;
	v57 =	vperm.xlane v33, v14;
	v30 =	vmul.f32 v30, v28;
	[tilespmem:v20+s31+$0xFFFFFD00] =	vst.idx.msk $0xffff, v34  }
0xcd: {  	v58 =	vmov s24;
	v33 =	vperm.xlane v33, v16;
	[tilespmem:v21+s31+$0xFFFFFD00] =	vst.idx.msk $0xffff, v31;
	v29 =	vmul.f32 v29, v28  }
0xce: {  	v59 =	vand.u32 $0x7D, v58;
	v31 =	vmul.f32 v57, v28;
	[tilespmem:v22+s31+$0xFFFFFD00] =	vst.idx.msk $0xffff, v30  }
0xcf: {  	v28 =	vmul.f32 v33, v28;
	v30 =	vadd.s32 v2, v59;
	[tilespmem:v23+s31+$0xFFFFFD00] =	vst.idx.msk $0xffff, v29  }
0xd0: {  	[tilespmem:v24+s31+$0xFFFFFD00] =	vst.idx.msk $0xffff, v31  }
0xd1: {  	[tilespmem:v25+s31+$0xFFFFFD00] =	vst.idx.msk $0xffff, v28  }
0xd2: {  	v28 =	vld [tilespmem:s0+$0xFFFFFFE0];
	_ =	sdelay $0x1  }
0xd3: {  	v29 =	vld.idx.msk [tilespmem:v30+s20+$0x0], $0xffff;
	_ =	sdelay $0x2  }
0xd4: {  	v30 =	vperm.xlane v28, v3  }
0xd5: {  	v31 =	vperm.xlane v28, v4  }
0xd6: {  	v60 =	vperm.xlane v28, v6;
	v30 =	vmul.f32 v30, v29  }
0xd7: {  	v62 =	vld [tilespmem:s0+$0xFFFFFFF0];
	v61 =	vperm.xlane v28, v8;
	v31 =	vmul.f32 v31, v29  }
0xd8: {  	v32 =	vmul.f32 v60, v29;
	[tilespmem:v0+s31+$0xFFFFFE00] =	vst.idx.msk $0xffff, v30;
	v30 =	vperm.xlane v28, v10  }
0xd9: {  	v63 =	vperm.xlane v28, v12;
	v33 =	vmul.f32 v61, v29;
	[tilespmem:v5+s31+$0xFFFFFE00] =	vst.idx.msk $0xffff, v31  }
0xda: {  	v31 =	vperm.xlane v28, v14;
	[tilespmem:v7+s31+$0xFFFFFE00] =	vst.idx.msk $0xffff, v32;
	v30 =	vmul.f32 v30, v29  }
0xdb: {  	v36 =	vmul.f32 v63, v29;
	v28 =	vperm.xlane v28, v16;
	[tilespmem:v9+s31+$0xFFFFFE00] =	vst.idx.msk $0xffff, v33  }
0xdc: {  	v31 =	vmul.f32 v31, v29;
	[tilespmem:v11+s31+$0xFFFFFE00] =	vst.idx.msk $0xffff, v30;
	v30 =	vperm.xlane v62, v3  }
0xdd: {  	v37 =	vperm.xlane v62, v4;
	v28 =	vmul.f32 v28, v29;
	[tilespmem:v13+s31+$0xFFFFFE00] =	vst.idx.msk $0xffff, v36  }
0xde: {  	[tilespmem:v15+s31+$0xFFFFFE00] =	vst.idx.msk $0xffff, v31;
	v30 =	vmul.f32 v30, v29;
	v31 =	vperm.xlane v62, v6  }
0xdf: {  	v38 =	vperm.xlane v62, v8;
	[tilespmem:v17+s31+$0xFFFFFE00] =	vst.idx.msk $0xffff, v28;
	v28 =	vmul.f32 v37, v29  }
0xe0: {  	[tilespmem:v18+s31+$0xFFFFFE00] =	vst.idx.msk $0xffff, v30;
	v30 =	vmul.f32 v31, v29;
	v31 =	vperm.xlane v62, v10  }
0xe1: {  	v32 =	vmul.f32 v38, v29;
	[tilespmem:v19+s31+$0xFFFFFE00] =	vst.idx.msk $0xffff, v28;
	v28 =	vperm.xlane v62, v12  }
0xe2: {  	s9 =	simm.s32 $0x2;
	v39 =	vperm.xlane v62, v14;
	[tilespmem:v20+s31+$0xFFFFFE00] =	vst.idx.msk $0xffff, v30;
	v30 =	vmul.f32 v31, v29  }
0xe3: {  	v40 =	vmov s9;
	v31 =	vperm.xlane v62, v16;
	[tilespmem:v21+s31+$0xFFFFFE00] =	vst.idx.msk $0xffff, v32;
	v28 =	vmul.f32 v28, v29  }
0xe4: {  	v42 =	vand.u32 $0x7E, v40;
	v41 =	vmul.f32 v39, v29;
	[tilespmem:v22+s31+$0xFFFFFE00] =	vst.idx.msk $0xffff, v30  }
0xe5: {  	v29 =	vmul.f32 v31, v29;
	v30 =	vadd.s32 v2, v42;
	[tilespmem:v23+s31+$0xFFFFFE00] =	vst.idx.msk $0xffff, v28  }
0xe6: {  	[tilespmem:v24+s31+$0xFFFFFE00] =	vst.idx.msk $0xffff, v41  }
0xe7: {  	[tilespmem:v25+s31+$0xFFFFFE00] =	vst.idx.msk $0xffff, v29  }
0xe8: {  	v28 =	vld [tilespmem:s0+$0x0];
	_ =	sdelay $0x1  }
0xe9: {  	v29 =	vld.idx.msk [tilespmem:v30+s20+$0x0], $0xffff;
	_ =	sdelay $0x2  }
0xea: {  	v30 =	vperm.xlane v28, v3  }
0xeb: {  	v31 =	vperm.xlane v28, v4  }
0xec: {  	v43 =	vperm.xlane v28, v6;
	v30 =	vmul.f32 v30, v29  }
0xed: {  	v45 =	vld [tilespmem:s0+$0x10];
	v44 =	vperm.xlane v28, v8;
	v31 =	vmul.f32 v31, v29  }
0xee: {  	v32 =	vmul.f32 v43, v29;
	[tilespmem:v0+s31+$0xFFFFFF00] =	vst.idx.msk $0xffff, v30;
	v30 =	vperm.xlane v28, v10  }
0xef: {  	v46 =	vperm.xlane v28, v12;
	v33 =	vmul.f32 v44, v29;
	[tilespmem:v5+s31+$0xFFFFFF00] =	vst.idx.msk $0xffff, v31  }
0xf0: {  	v31 =	vperm.xlane v28, v14;
	[tilespmem:v7+s31+$0xFFFFFF00] =	vst.idx.msk $0xffff, v32;
	v30 =	vmul.f32 v30, v29  }
0xf1: {  	v47 =	vmul.f32 v46, v29;
	v28 =	vperm.xlane v28, v16;
	[tilespmem:v9+s31+$0xFFFFFF00] =	vst.idx.msk $0xffff, v33  }
0xf2: {  	v31 =	vmul.f32 v31, v29;
	[tilespmem:v11+s31+$0xFFFFFF00] =	vst.idx.msk $0xffff, v30;
	v30 =	vperm.xlane v45, v3  }
0xf3: {  	v48 =	vperm.xlane v45, v4;
	v28 =	vmul.f32 v28, v29;
	[tilespmem:v13+s31+$0xFFFFFF00] =	vst.idx.msk $0xffff, v47  }
0xf4: {  	v49 =	vperm.xlane v45, v6;
	[tilespmem:v15+s31+$0xFFFFFF00] =	vst.idx.msk $0xffff, v31;
	v30 =	vmul.f32 v30, v29  }
0xf5: {  	v33 =	vmul.f32 v48, v29;
	v31 =	vperm.xlane v45, v8;
	[tilespmem:v17+s31+$0xFFFFFF00] =	vst.idx.msk $0xffff, v28  }
0xf6: {  	v28 =	vmul.f32 v49, v29;
	[tilespmem:v18+s31+$0xFFFFFF00] =	vst.idx.msk $0xffff, v30;
	v30 =	vperm.xlane v45, v10  }
0xf7: {  	v50 =	vperm.xlane v45, v12;
	v31 =	vmul.f32 v31, v29;
	[tilespmem:v19+s31+$0xFFFFFF00] =	vst.idx.msk $0xffff, v33  }
0xf8: {  	s11 =	simm.s32 $0x3;
	v51 =	vperm.xlane v45, v14;
	[tilespmem:v20+s31+$0xFFFFFF00] =	vst.idx.msk $0xffff, v28;
	v28 =	vmul.f32 v30, v29  }
0xf9: {  	v52 =	vperm.xlane v45, v16;
	v30 =	vmov s11;
	[tilespmem:v21+s31+$0xFFFFFF00] =	vst.idx.msk $0xffff, v31;
	v31 =	vmul.f32 v50, v29  }
0xfa: {  	v33 =	vmul.f32 v51, v29;
	v30 =	vand.u32 $0x7F, v30;
	[tilespmem:v22+s31+$0xFFFFFF00] =	vst.idx.msk $0xffff, v28  }
0xfb: {  	v29 =	vmul.f32 v52, v29;
	v28 =	vadd.s32 v2, v30;
	[tilespmem:v23+s31+$0xFFFFFF00] =	vst.idx.msk $0xffff, v31  }
0xfc: {  	[tilespmem:v24+s31+$0xFFFFFF00] =	vst.idx.msk $0xffff, v33  }
0xfd: {  	[tilespmem:v25+s31+$0xFFFFFF00] =	vst.idx.msk $0xffff, v29  }
0xfe: {  	v30 =	vld [tilespmem:s0+$0x20];
	_ =	sdelay $0x1  }
0xff: {  	v28 =	vld.idx.msk [tilespmem:v28+s20+$0x0], $0xffff;
	_ =	sdelay $0x2  }
0x100: {  	v29 =	vperm.xlane v30, v3;
	v31 =	vperm.xlane v30, v4  }
0x101: {  	v53 =	vperm.xlane v30, v6;
	v54 =	vperm.xlane v30, v8  }
0x102: {  	v56 =	vperm.xlane v30, v10;
	v55 =	vmul.f32 v29, v28  }
0x103: {  	s22 =	sand.u32 $0xFF, s10;
	v57 =	vperm.xlane v30, v12;
	v31 =	vmul.f32 v31, v28;
	v29 =	vld [tilespmem:s0+$0x30]  }
0x104: {  	s3 =	smul.u32 $0xAB, s22;
	v32 =	vmul.f32 v53, v28;
	v33 =	vmul.f32 v54, v28;
	[tilespmem:v0+s31+$0x0] =	vst.idx.msk $0xffff, v55  }
0x105: {  	[tilespmem:v5+s31+$0x0] =	vst.idx.msk $0xffff, v31;
	v31 =	vperm.xlane v30, v14;
	v30 =	vperm.xlane v30, v16  }
0x106: {  	s3 =	sshrl.u32 s3, $0x9;
	v58 =	vmul.f32 v56, v28;
	v59 =	vmul.f32 v57, v28;
	[tilespmem:v7+s31+$0x0] =	vst.idx.msk $0xffff, v32  }
0x107: {  	s3 =	smul.u32 $0x3, s3;
	[tilespmem:v9+s31+$0x0] =	vst.idx.msk $0xffff, v33;
	v31 =	vmul.f32 v31, v28;
	v60 =	vmul.f32 v30, v28  }
0x108: {  	v30 =	vperm.xlane v29, v3;
	v61 =	vperm.xlane v29, v4;
	[tilespmem:v11+s31+$0x0] =	vst.idx.msk $0xffff, v58  }
0x109: {  	s24 =	simm.s32 $0x4;
	s3 =	ssub.s32 s10, s3;
	v63 =	vperm.xlane v29, v6;
	v36 =	vperm.xlane v29, v8;
	[tilespmem:v13+s31+$0x0] =	vst.idx.msk $0xffff, v59  }
0x10a: {  	s3 =	sand.u32 $0xFF, s3;
	v62 =	vmov s24;
	v33 =	vperm.xlane v29, v14;
	[tilespmem:v15+s31+$0x0] =	vst.idx.msk $0xffff, v31;
	v31 =	vmul.f32 v30, v28  }
0x10b: {  	s3 =	sshll.u32 s3, $0xC;
	v35 =	vand.u32 $0x7C, v62;
	v37 =	vmul.f32 v61, v28;
	v32 =	vmul.f32 v63, v28;
	[tilespmem:v17+s31+$0x0] =	vst.idx.msk $0xffff, v60  }
0x10c: {  	s30 =	simm.s32 $0x7;
	s10 =	sadd.s32 $0x80, s0;
	s22 =	sadd.s32 $0x2900, s3;
	v34 =	vmul.f32 v36, v28;
	v30 =	vadd.s32 v2, v35;
	[tilespmem:v18+s31+$0x0] =	vst.idx.msk $0xffff, v31  }
0x10d: {  	s3 =	simm.s32 $0xB;
	s24 =	smov.u32 s31;
	s0 =	smov.u32 s22;
	v35 =	vperm.xlane v29, v10;
	v31 =	vperm.xlane v29, v12;
	[tilespmem:v19+s31+$0x0] =	vst.idx.msk $0xffff, v37  }
.LBB2_5:
0x10e: {  	s22 =	sadd.s32 $0x80, s22  }
0x10f: {  	[tilespmem:v20+s31+$0x0] =	vst.idx.msk $0xffff, v32;
	v32 =	vmul.f32 v35, v28;
	v29 =	vperm.xlane v29, v16;
	s24 =	sadd.s32 $0x400, s24;
	s9 =	smov.u32 s3;
	s11 =	sadd.s32 $0x4, s3  }
0x110: {  	p0 =	seq.s32 s3, $0x7F;
	v31 =	vmul.f32 v31, v28;
	[tilespmem:v21+s31+$0x0] =	vst.idx.msk $0xffff, v34;
	v33 =	vmul.f32 v33, v28  }
0x111: {  	[tilespmem:v22+s31+$0x0] =	vst.idx.msk $0xffff, v32;
	v28 =	vmul.f32 v29, v28  }
0x112: {  	[tilespmem:v23+s31+$0x0] =	vst.idx.msk $0xffff, v31  }
0x113: {  	[tilespmem:v24+s31+$0x0] =	vst.idx.msk $0xffff, v33  }
0x114: {  	s3 =	sadd.s32 $0xFFFFFD00, s31;
	[tilespmem:v25+s31+$0x0] =	vst.idx.msk $0xffff, v28;
	s31 =	smov.u32 s24  }
0x115: {  	[spmem:s2] =	stream.indirect.scatter.add.f32 [tilespmem:s3], [sflag:$0x2], $0x8, s0, s25, $0xb8;
	[tilespmem:$0x1F940] =	vst v63  }
0x116: {  	s0 =	smov.u32 s22;
	v28 =	vld [tilespmem:s10+$0xFFFFFFC0]  }
0x117: {  	v29 =	vld.idx.msk [tilespmem:v30+s20+$0x0], $0xffff  }
0x118: {  	v30 =	vld [tilespmem:s10+$0xFFFFFFD0];
	_ =	sdelay $0x2  }
0x119: {  	v31 =	vperm.xlane v28, v3;
	v32 =	vperm.xlane v28, v10  }
0x11a: {  	v33 =	vperm.xlane v28, v4;
	v34 =	vperm.xlane v28, v6  }
0x11b: {  	v35 =	vperm.xlane v28, v8;
	v31 =	vmul.f32 v31, v29  }
0x11c: {  	v33 =	vmul.f32 v33, v29;
	v34 =	vmul.f32 v34, v29  }
0x11d: {  	v32 =	vmul.f32 v32, v29;
	[tilespmem:v0+s24+$0xFFFFFD00] =	vst.idx.msk $0xffff, v31;
	v31 =	vmul.f32 v35, v29  }
0x11e: {  	v35 =	vperm.xlane v28, v14;
	[tilespmem:v5+s24+$0xFFFFFD00] =	vst.idx.msk $0xffff, v33;
	v33 =	vperm.xlane v28, v12  }
0x11f: {  	v28 =	vperm.xlane v28, v16;
	[tilespmem:v7+s24+$0xFFFFFD00] =	vst.idx.msk $0xffff, v34;
	v34 =	vperm.xlane v30, v3  }
0x120: {  	[tilespmem:v9+s24+$0xFFFFFD00] =	vst.idx.msk $0xffff, v31;
	v31 =	vmul.f32 v33, v29;
	v33 =	vmul.f32 v35, v29  }
0x121: {  	v28 =	vmul.f32 v28, v29;
	[tilespmem:v11+s24+$0xFFFFFD00] =	vst.idx.msk $0xffff, v32;
	v32 =	vmul.f32 v34, v29  }
0x122: {  	v34 =	vperm.xlane v30, v6;
	[tilespmem:v13+s24+$0xFFFFFD00] =	vst.idx.msk $0xffff, v31;
	v31 =	vperm.xlane v30, v4  }
0x123: {  	v35 =	vperm.xlane v30, v10;
	[tilespmem:v15+s24+$0xFFFFFD00] =	vst.idx.msk $0xffff, v33;
	v33 =	vperm.xlane v30, v8  }
0x124: {  	[tilespmem:v17+s24+$0xFFFFFD00] =	vst.idx.msk $0xffff, v28;
	v28 =	vmul.f32 v31, v29;
	v31 =	vmul.f32 v34, v29  }
0x125: {  	[tilespmem:v18+s24+$0xFFFFFD00] =	vst.idx.msk $0xffff, v32;
	v32 =	vmul.f32 v33, v29;
	v33 =	vmul.f32 v35, v29  }
0x126: {  	s3 =	sadd.s32 $0xFFFFFFFE, s30;
	v34 =	vperm.xlane v30, v14;
	[tilespmem:v19+s24+$0xFFFFFD00] =	vst.idx.msk $0xffff, v28;
	v28 =	vperm.xlane v30, v12  }
0x127: {  	v30 =	vperm.xlane v30, v16;
	[tilespmem:v20+s24+$0xFFFFFD00] =	vst.idx.msk $0xffff, v31;
	v31 =	vmov s3  }
0x128: {  	[tilespmem:v21+s24+$0xFFFFFD00] =	vst.idx.msk $0xffff, v32;
	v28 =	vmul.f32 v28, v29;
	v32 =	vmul.f32 v34, v29;
	v31 =	vand.u32 $0x7D, v31  }
0x129: {  	v29 =	vmul.f32 v30, v29;
	[tilespmem:v22+s24+$0xFFFFFD00] =	vst.idx.msk $0xffff, v33;
	v30 =	vadd.s32 v2, v31  }
0x12a: {  	[tilespmem:v23+s24+$0xFFFFFD00] =	vst.idx.msk $0xffff, v28  }
0x12b: {  	[tilespmem:v24+s24+$0xFFFFFD00] =	vst.idx.msk $0xffff, v32  }
0x12c: {  	[tilespmem:v25+s24+$0xFFFFFD00] =	vst.idx.msk $0xffff, v29  }
0x12d: {  	v28 =	vld [tilespmem:s10+$0xFFFFFFE0]  }
0x12e: {  	v29 =	vld.idx.msk [tilespmem:v30+s20+$0x0], $0xffff;
	_ =	sdelay $0x3  }
0x12f: {  	v30 =	vperm.xlane v28, v3;
	v31 =	vperm.xlane v28, v4  }
0x130: {  	v32 =	vperm.xlane v28, v6;
	v33 =	vperm.xlane v28, v8  }
0x131: {  	v30 =	vmul.f32 v30, v29;
	v31 =	vmul.f32 v31, v29  }
0x132: {  	v32 =	vmul.f32 v32, v29;
	v33 =	vmul.f32 v33, v29;
	v34 =	vld [tilespmem:s10+$0xFFFFFFF0]  }
0x133: {  	v35 =	vperm.xlane v28, v12;
	[tilespmem:v0+s24+$0xFFFFFE00] =	vst.idx.msk $0xffff, v30;
	v30 =	vperm.xlane v28, v10  }
0x134: {  	[tilespmem:v5+s24+$0xFFFFFE00] =	vst.idx.msk $0xffff, v31;
	v31 =	vperm.xlane v28, v14;
	v28 =	vperm.xlane v28, v16  }
0x135: {  	[tilespmem:v7+s24+$0xFFFFFE00] =	vst.idx.msk $0xffff, v32;
	v30 =	vmul.f32 v30, v29;
	v32 =	vmul.f32 v35, v29  }
0x136: {  	[tilespmem:v9+s24+$0xFFFFFE00] =	vst.idx.msk $0xffff, v33;
	v31 =	vmul.f32 v31, v29;
	v28 =	vmul.f32 v28, v29  }
0x137: {  	[tilespmem:v11+s24+$0xFFFFFE00] =	vst.idx.msk $0xffff, v30;
	v30 =	vperm.xlane v34, v3;
	v33 =	vperm.xlane v34, v4  }
0x138: {  	v35 =	vperm.xlane v34, v14;
	[tilespmem:v13+s24+$0xFFFFFE00] =	vst.idx.msk $0xffff, v32;
	v32 =	vperm.xlane v34, v8  }
0x139: {  	[tilespmem:v15+s24+$0xFFFFFE00] =	vst.idx.msk $0xffff, v31;
	v30 =	vmul.f32 v30, v29;
	v31 =	vperm.xlane v34, v6  }
0x13a: {  	[tilespmem:v17+s24+$0xFFFFFE00] =	vst.idx.msk $0xffff, v28;
	v28 =	vmul.f32 v33, v29;
	v32 =	vmul.f32 v32, v29  }
0x13b: {  	[tilespmem:v18+s24+$0xFFFFFE00] =	vst.idx.msk $0xffff, v30;
	v30 =	vmul.f32 v31, v29;
	v31 =	vperm.xlane v34, v10  }
0x13c: {  	s3 =	sadd.s32 $0xFFFFFFFF, s30;
	v33 =	vmul.f32 v35, v29;
	[tilespmem:v19+s24+$0xFFFFFE00] =	vst.idx.msk $0xffff, v28;
	v28 =	vperm.xlane v34, v12  }
0x13d: {  	[tilespmem:v20+s24+$0xFFFFFE00] =	vst.idx.msk $0xffff, v30;
	v30 =	vmul.f32 v31, v29;
	v31 =	vperm.xlane v34, v16;
	v34 =	vmov s3  }
0x13e: {  	[tilespmem:v21+s24+$0xFFFFFE00] =	vst.idx.msk $0xffff, v32;
	v28 =	vmul.f32 v28, v29;
	v32 =	vand.u32 $0x7E, v34  }
0x13f: {  	[tilespmem:v22+s24+$0xFFFFFE00] =	vst.idx.msk $0xffff, v30;
	v29 =	vmul.f32 v31, v29;
	v30 =	vadd.s32 v2, v32  }
0x140: {  	[tilespmem:v23+s24+$0xFFFFFE00] =	vst.idx.msk $0xffff, v28  }
0x141: {  	[tilespmem:v24+s24+$0xFFFFFE00] =	vst.idx.msk $0xffff, v33  }
0x142: {  	[tilespmem:v25+s24+$0xFFFFFE00] =	vst.idx.msk $0xffff, v29  }
0x143: {  	v28 =	vld [tilespmem:s10+$0x0]  }
0x144: {  	v29 =	vld.idx.msk [tilespmem:v30+s20+$0x0], $0xffff;
	_ =	sdelay $0x3  }
0x145: {  	v30 =	vperm.xlane v28, v3;
	v31 =	vperm.xlane v28, v4  }
0x146: {  	v32 =	vperm.xlane v28, v6;
	v33 =	vperm.xlane v28, v8  }
0x147: {  	v30 =	vmul.f32 v30, v29;
	v31 =	vmul.f32 v31, v29  }
0x148: {  	v32 =	vmul.f32 v32, v29;
	v33 =	vmul.f32 v33, v29;
	v34 =	vld [tilespmem:s10+$0x10]  }
0x149: {  	v35 =	vperm.xlane v28, v12;
	[tilespmem:v0+s24+$0xFFFFFF00] =	vst.idx.msk $0xffff, v30;
	v30 =	vperm.xlane v28, v10  }
0x14a: {  	[tilespmem:v5+s24+$0xFFFFFF00] =	vst.idx.msk $0xffff, v31;
	v31 =	vperm.xlane v28, v14;
	v28 =	vperm.xlane v28, v16  }
0x14b: {  	[tilespmem:v7+s24+$0xFFFFFF00] =	vst.idx.msk $0xffff, v32;
	v30 =	vmul.f32 v30, v29;
	v32 =	vmul.f32 v35, v29  }
0x14c: {  	[tilespmem:v9+s24+$0xFFFFFF00] =	vst.idx.msk $0xffff, v33;
	v31 =	vmul.f32 v31, v29;
	v28 =	vmul.f32 v28, v29  }
0x14d: {  	[tilespmem:v11+s24+$0xFFFFFF00] =	vst.idx.msk $0xffff, v30;
	v30 =	vperm.xlane v34, v3;
	v33 =	vperm.xlane v34, v4  }
0x14e: {  	v35 =	vperm.xlane v34, v8;
	[tilespmem:v13+s24+$0xFFFFFF00] =	vst.idx.msk $0xffff, v32;
	v32 =	vperm.xlane v34, v6  }
0x14f: {  	[tilespmem:v15+s24+$0xFFFFFF00] =	vst.idx.msk $0xffff, v31;
	v30 =	vmul.f32 v30, v29;
	v31 =	vmul.f32 v33, v29  }
0x150: {  	v33 =	vperm.xlane v34, v14;
	[tilespmem:v17+s24+$0xFFFFFF00] =	vst.idx.msk $0xffff, v28;
	v28 =	vmul.f32 v35, v29  }
0x151: {  	[tilespmem:v18+s24+$0xFFFFFF00] =	vst.idx.msk $0xffff, v30;
	v30 =	vmul.f32 v32, v29;
	v32 =	vperm.xlane v34, v10  }
0x152: {  	v33 =	vmul.f32 v33, v29;
	[tilespmem:v19+s24+$0xFFFFFF00] =	vst.idx.msk $0xffff, v31;
	v31 =	vperm.xlane v34, v12  }
0x153: {  	[tilespmem:v20+s24+$0xFFFFFF00] =	vst.idx.msk $0xffff, v30;
	v30 =	vmul.f32 v32, v29;
	v32 =	vmov s30;
	s30 =	smov.u32 s9  }
0x154: {  	[tilespmem:v21+s24+$0xFFFFFF00] =	vst.idx.msk $0xffff, v28;
	v28 =	vmul.f32 v31, v29;
	v31 =	vperm.xlane v34, v16;
	v32 =	vand.u32 $0x7F, v32  }
0x155: {  	[tilespmem:v22+s24+$0xFFFFFF00] =	vst.idx.msk $0xffff, v30;
	v30 =	vadd.s32 v2, v32  }
0x156: {  	[tilespmem:v23+s24+$0xFFFFFF00] =	vst.idx.msk $0xffff, v28;
	v28 =	vmul.f32 v31, v29  }
0x157: {  	[tilespmem:v24+s24+$0xFFFFFF00] =	vst.idx.msk $0xffff, v33  }
0x158: {  	[tilespmem:v25+s24+$0xFFFFFF00] =	vst.idx.msk $0xffff, v28  }
0x159: {  	v31 =	vld [tilespmem:s10+$0x20]  }
0x15a: {  	v28 =	vld.idx.msk [tilespmem:v30+s20+$0x0], $0xffff  }
0x15b: {  	v29 =	vld [tilespmem:s10+$0x30];
	_ =	sdelay $0x2  }
0x15c: {  	v30 =	vperm.xlane v31, v3;
	v32 =	vperm.xlane v31, v4  }
0x15d: {  	v33 =	vperm.xlane v31, v6;
	v34 =	vperm.xlane v31, v8  }
0x15e: {  	v30 =	vmul.f32 v30, v28;
	v32 =	vmul.f32 v32, v28  }
0x15f: {  	v33 =	vmul.f32 v33, v28;
	v34 =	vmul.f32 v34, v28  }
0x160: {  	v35 =	vperm.xlane v31, v12;
	[tilespmem:v0+s24+$0x0] =	vst.idx.msk $0xffff, v30;
	v30 =	vperm.xlane v31, v10  }
0x161: {  	[tilespmem:v5+s24+$0x0] =	vst.idx.msk $0xffff, v32;
	v32 =	vperm.xlane v31, v14;
	v31 =	vperm.xlane v31, v16  }
0x162: {  	[tilespmem:v7+s24+$0x0] =	vst.idx.msk $0xffff, v33;
	v30 =	vmul.f32 v30, v28;
	v33 =	vmul.f32 v35, v28  }
0x163: {  	[tilespmem:v9+s24+$0x0] =	vst.idx.msk $0xffff, v34;
	v32 =	vmul.f32 v32, v28;
	v31 =	vmul.f32 v31, v28  }
0x164: {  	s3 =	sadd.s32 $0xFFFFFFFD, s30;
	v34 =	vperm.xlane v29, v4;
	[tilespmem:v11+s24+$0x0] =	vst.idx.msk $0xffff, v30;
	v30 =	vperm.xlane v29, v3  }
.Ltmp1:
0x165: {  	v36 =	vperm.xlane v29, v8;
	v35 =	vmov s3;
	[tilespmem:v13+s24+$0x0] =	vst.idx.msk $0xffff, v33;
	v33 =	vperm.xlane v29, v6;
	(pc) =	sbr.rel @!p0 .LBB2_5-.Ltmp1, $4  }
0x166: {  	v35 =	vand.u32 $0x7C, v35;
	v34 =	vmul.f32 v34, v28;
	[tilespmem:v15+s24+$0x0] =	vst.idx.msk $0xffff, v32;
	v37 =	vmul.f32 v30, v28  }
0x167: {  	v30 =	vadd.s32 v2, v35;
	[tilespmem:v17+s24+$0x0] =	vst.idx.msk $0xffff, v31;
	v32 =	vmul.f32 v33, v28  }
0x168: {  	v35 =	vperm.xlane v29, v10;
	v31 =	vperm.xlane v29, v12;
	[tilespmem:v18+s24+$0x0] =	vst.idx.msk $0xffff, v37  }
0x169: {  	s10 =	sadd.s32 $0x80, s10;
	s3 =	smov.u32 s11;
	v33 =	vperm.xlane v29, v14;
	[tilespmem:v19+s24+$0x0] =	vst.idx.msk $0xffff, v34;
	v34 =	vmul.f32 v36, v28  }
0x16a: {  	_ =	sdelay $0x3  }
0x16b: {  	[tilespmem:v20+s31+$0x0] =	vst.idx.msk $0xffff, v32;
	v38 =	vmul.f32 v35, v28  }
0x16c: {  	v29 =	vperm.xlane v29, v16;
	v31 =	vmul.f32 v31, v28;
	[tilespmem:v21+s31+$0x0] =	vst.idx.msk $0xffff, v34  }
0x16d: {  	v33 =	vmul.f32 v33, v28;
	[tilespmem:v22+s31+$0x0] =	vst.idx.msk $0xffff, v38  }
0x16e: {  	v28 =	vmul.f32 v29, v28;
	[tilespmem:v23+s31+$0x0] =	vst.idx.msk $0xffff, v31  }
0x16f: {  	[tilespmem:v24+s31+$0x0] =	vst.idx.msk $0xffff, v33  }
0x170: {  	s3 =	sadd.s32 $0xFFFFFD00, s31;
	[tilespmem:v25+s31+$0x0] =	vst.idx.msk $0xffff, v28  }
0x171: {  	[spmem:s2] =	stream.indirect.scatter.add.f32 [tilespmem:s3], [sflag:$0x2], $0x8, s0, s25, $0xb8;
	[tilespmem:$0x1F940] =	vst v63  }
0x172: {  	v28 =	vld [tilespmem:s10+$0xFFFFFFC0];
	_ =	sdelay $0x1  }
0x173: {  	v29 =	vld.idx.msk [tilespmem:v30+s20+$0x0], $0xffff;
	_ =	sdelay $0x2  }
0x174: {  	v39 =	vperm.xlane v28, v3  }
0x175: {  	v40 =	vperm.xlane v28, v4  }
0x176: {  	v41 =	vperm.xlane v28, v6;
	v30 =	vmul.f32 v39, v29  }
0x177: {  	s0 =	sadd.s32 $0x400, s24;
	v33 =	vld [tilespmem:s10+$0xFFFFFFD0];
	v42 =	vperm.xlane v28, v8;
	v31 =	vmul.f32 v40, v29  }
0x178: {  	v43 =	vperm.xlane v28, v10;
	v32 =	vmul.f32 v41, v29;
	[tilespmem:v0+s0+$0xFFFFFD00] =	vst.idx.msk $0xffff, v30  }
0x179: {  	v45 =	vperm.xlane v28, v12;
	v44 =	vmul.f32 v42, v29;
	[tilespmem:v5+s0+$0xFFFFFD00] =	vst.idx.msk $0xffff, v31  }
0x17a: {  	v47 =	vperm.xlane v28, v14;
	v46 =	vmul.f32 v43, v29;
	[tilespmem:v7+s0+$0xFFFFFD00] =	vst.idx.msk $0xffff, v32  }
0x17b: {  	v28 =	vperm.xlane v28, v16;
	v48 =	vmul.f32 v45, v29;
	[tilespmem:v9+s0+$0xFFFFFD00] =	vst.idx.msk $0xffff, v44  }
0x17c: {  	v49 =	vperm.xlane v33, v3;
	v50 =	vmul.f32 v47, v29;
	[tilespmem:v11+s0+$0xFFFFFD00] =	vst.idx.msk $0xffff, v46  }
0x17d: {  	v51 =	vperm.xlane v33, v4;
	v28 =	vmul.f32 v28, v29;
	[tilespmem:v13+s0+$0xFFFFFD00] =	vst.idx.msk $0xffff, v48  }
0x17e: {  	v52 =	vperm.xlane v33, v6;
	v31 =	vmul.f32 v49, v29;
	[tilespmem:v15+s0+$0xFFFFFD00] =	vst.idx.msk $0xffff, v50  }
0x17f: {  	v53 =	vperm.xlane v33, v8;
	[tilespmem:v17+s0+$0xFFFFFD00] =	vst.idx.msk $0xffff, v28;
	v28 =	vmul.f32 v51, v29  }
0x180: {  	v54 =	vperm.xlane v33, v10;
	v34 =	vmul.f32 v52, v29;
	[tilespmem:v18+s0+$0xFFFFFD00] =	vst.idx.msk $0xffff, v31  }
0x181: {  	v55 =	vmul.f32 v53, v29;
	[tilespmem:v19+s0+$0xFFFFFD00] =	vst.idx.msk $0xffff, v28;
	v28 =	vperm.xlane v33, v12  }
0x182: {  	s11 =	sadd.s32 $0xFFFFFFFE, s30;
	v56 =	vperm.xlane v33, v14;
	v30 =	vmul.f32 v54, v29;
	[tilespmem:v20+s0+$0xFFFFFD00] =	vst.idx.msk $0xffff, v34  }
0x183: {  	v57 =	vmov s11;
	v33 =	vperm.xlane v33, v16;
	[tilespmem:v21+s0+$0xFFFFFD00] =	vst.idx.msk $0xffff, v55;
	v28 =	vmul.f32 v28, v29  }
0x184: {  	v59 =	vand.u32 $0x7D, v57;
	v58 =	vmul.f32 v56, v29;
	[tilespmem:v22+s0+$0xFFFFFD00] =	vst.idx.msk $0xffff, v30  }
0x185: {  	v60 =	vadd.s32 v2, v59;
	v29 =	vmul.f32 v33, v29;
	[tilespmem:v23+s0+$0xFFFFFD00] =	vst.idx.msk $0xffff, v28  }
0x186: {  	[tilespmem:v24+s0+$0xFFFFFD00] =	vst.idx.msk $0xffff, v58  }
0x187: {  	[tilespmem:v25+s0+$0xFFFFFD00] =	vst.idx.msk $0xffff, v29  }
0x188: {  	v28 =	vld [tilespmem:s10+$0xFFFFFFE0];
	_ =	sdelay $0x1  }
0x189: {  	v29 =	vld.idx.msk [tilespmem:v60+s20+$0x0], $0xffff;
	_ =	sdelay $0x2  }
0x18a: {  	v61 =	vperm.xlane v28, v3  }
0x18b: {  	v62 =	vperm.xlane v28, v4  }
0x18c: {  	v63 =	vperm.xlane v28, v6;
	v30 =	vmul.f32 v61, v29  }
0x18d: {  	v37 =	vld [tilespmem:s10+$0xFFFFFFF0];
	v36 =	vperm.xlane v28, v8;
	v31 =	vmul.f32 v62, v29  }
0x18e: {  	v38 =	vperm.xlane v28, v10;
	v32 =	vmul.f32 v63, v29;
	[tilespmem:v0+s0+$0xFFFFFE00] =	vst.idx.msk $0xffff, v30  }
0x18f: {  	v39 =	vperm.xlane v28, v12;
	v33 =	vmul.f32 v36, v29;
	[tilespmem:v5+s0+$0xFFFFFE00] =	vst.idx.msk $0xffff, v31  }
0x190: {  	v40 =	vperm.xlane v28, v14;
	v30 =	vmul.f32 v38, v29;
	[tilespmem:v7+s0+$0xFFFFFE00] =	vst.idx.msk $0xffff, v32  }
0x191: {  	v28 =	vperm.xlane v28, v16;
	v41 =	vmul.f32 v39, v29;
	[tilespmem:v9+s0+$0xFFFFFE00] =	vst.idx.msk $0xffff, v33  }
0x192: {  	v42 =	vperm.xlane v37, v3;
	v31 =	vmul.f32 v40, v29;
	[tilespmem:v11+s0+$0xFFFFFE00] =	vst.idx.msk $0xffff, v30  }
0x193: {  	v43 =	vperm.xlane v37, v4;
	v28 =	vmul.f32 v28, v29;
	[tilespmem:v13+s0+$0xFFFFFE00] =	vst.idx.msk $0xffff, v41  }
0x194: {  	v44 =	vperm.xlane v37, v6;
	v30 =	vmul.f32 v42, v29;
	[tilespmem:v15+s0+$0xFFFFFE00] =	vst.idx.msk $0xffff, v31  }
0x195: {  	v45 =	vperm.xlane v37, v8;
	[tilespmem:v17+s0+$0xFFFFFE00] =	vst.idx.msk $0xffff, v28;
	v28 =	vmul.f32 v43, v29  }
0x196: {  	v47 =	vperm.xlane v37, v10;
	v46 =	vmul.f32 v44, v29;
	[tilespmem:v18+s0+$0xFFFFFE00] =	vst.idx.msk $0xffff, v30  }
0x197: {  	v32 =	vmul.f32 v45, v29;
	[tilespmem:v19+s0+$0xFFFFFE00] =	vst.idx.msk $0xffff, v28;
	v28 =	vperm.xlane v37, v12  }
0x198: {  	s24 =	sadd.s32 $0xFFFFFFFF, s30;
	v48 =	vperm.xlane v37, v14;
	v49 =	vmul.f32 v47, v29;
	[tilespmem:v20+s0+$0xFFFFFE00] =	vst.idx.msk $0xffff, v46  }
0x199: {  	v51 =	vmov s24;
	v50 =	vperm.xlane v37, v16;
	[tilespmem:v21+s0+$0xFFFFFE00] =	vst.idx.msk $0xffff, v32;
	v28 =	vmul.f32 v28, v29  }
0x19a: {  	v53 =	vand.u32 $0x7E, v51;
	v52 =	vmul.f32 v48, v29;
	[tilespmem:v22+s0+$0xFFFFFE00] =	vst.idx.msk $0xffff, v49  }
0x19b: {  	v54 =	vadd.s32 v2, v53;
	v29 =	vmul.f32 v50, v29;
	[tilespmem:v23+s0+$0xFFFFFE00] =	vst.idx.msk $0xffff, v28  }
0x19c: {  	[tilespmem:v24+s0+$0xFFFFFE00] =	vst.idx.msk $0xffff, v52  }
0x19d: {  	[tilespmem:v25+s0+$0xFFFFFE00] =	vst.idx.msk $0xffff, v29  }
0x19e: {  	v28 =	vld [tilespmem:s10+$0x0];
	_ =	sdelay $0x1  }
0x19f: {  	v29 =	vld.idx.msk [tilespmem:v54+s20+$0x0], $0xffff;
	_ =	sdelay $0x2  }
0x1a0: {  	v55 =	vperm.xlane v28, v3  }
0x1a1: {  	v56 =	vperm.xlane v28, v4  }
0x1a2: {  	v57 =	vperm.xlane v28, v6;
	v30 =	vmul.f32 v55, v29  }
0x1a3: {  	v59 =	vld [tilespmem:s10+$0x10];
	v58 =	vperm.xlane v28, v8;
	v31 =	vmul.f32 v56, v29  }
0x1a4: {  	v60 =	vperm.xlane v28, v10;
	v32 =	vmul.f32 v57, v29;
	[tilespmem:v0+s0+$0xFFFFFF00] =	vst.idx.msk $0xffff, v30  }
0x1a5: {  	v61 =	vperm.xlane v28, v12;
	v33 =	vmul.f32 v58, v29;
	[tilespmem:v5+s0+$0xFFFFFF00] =	vst.idx.msk $0xffff, v31  }
0x1a6: {  	v62 =	vperm.xlane v28, v14;
	v30 =	vmul.f32 v60, v29;
	[tilespmem:v7+s0+$0xFFFFFF00] =	vst.idx.msk $0xffff, v32  }
0x1a7: {  	v28 =	vperm.xlane v28, v16;
	v63 =	vmul.f32 v61, v29;
	[tilespmem:v9+s0+$0xFFFFFF00] =	vst.idx.msk $0xffff, v33  }
0x1a8: {  	v36 =	vperm.xlane v59, v3;
	v31 =	vmul.f32 v62, v29;
	[tilespmem:v11+s0+$0xFFFFFF00] =	vst.idx.msk $0xffff, v30  }
0x1a9: {  	v37 =	vperm.xlane v59, v4;
	v28 =	vmul.f32 v28, v29;
	[tilespmem:v13+s0+$0xFFFFFF00] =	vst.idx.msk $0xffff, v63  }
0x1aa: {  	v38 =	vperm.xlane v59, v6;
	v30 =	vmul.f32 v36, v29;
	[tilespmem:v15+s0+$0xFFFFFF00] =	vst.idx.msk $0xffff, v31  }
0x1ab: {  	v39 =	vperm.xlane v59, v8;
	v33 =	vmul.f32 v37, v29;
	[tilespmem:v17+s0+$0xFFFFFF00] =	vst.idx.msk $0xffff, v28  }
0x1ac: {  	v40 =	vperm.xlane v59, v10;
	v28 =	vmul.f32 v38, v29;
	[tilespmem:v18+s0+$0xFFFFFF00] =	vst.idx.msk $0xffff, v30  }
0x1ad: {  	v41 =	vperm.xlane v59, v12;
	v31 =	vmul.f32 v39, v29;
	[tilespmem:v19+s0+$0xFFFFFF00] =	vst.idx.msk $0xffff, v33  }
0x1ae: {  	v42 =	vperm.xlane v59, v14;
	[tilespmem:v20+s0+$0xFFFFFF00] =	vst.idx.msk $0xffff, v28;
	v28 =	vmul.f32 v40, v29  }
0x1af: {  	v43 =	vmov s30;
	v45 =	vperm.xlane v59, v16;
	v44 =	vmul.f32 v41, v29;
	[tilespmem:v21+s0+$0xFFFFFF00] =	vst.idx.msk $0xffff, v31  }
0x1b0: {  	v30 =	vand.u32 $0x7F, v43;
	v33 =	vmul.f32 v42, v29;
	[tilespmem:v22+s0+$0xFFFFFF00] =	vst.idx.msk $0xffff, v28  }
0x1b1: {  	v29 =	vmul.f32 v45, v29;
	v28 =	vadd.s32 v2, v30;
	[tilespmem:v23+s0+$0xFFFFFF00] =	vst.idx.msk $0xffff, v44  }
0x1b2: {  	[tilespmem:v24+s0+$0xFFFFFF00] =	vst.idx.msk $0xffff, v33  }
0x1b3: {  	[tilespmem:v25+s0+$0xFFFFFF00] =	vst.idx.msk $0xffff, v29  }
0x1b4: {  	v29 =	vld [tilespmem:s10+$0x20];
	_ =	sdelay $0x1  }
0x1b5: {  	v28 =	vld.idx.msk [tilespmem:v28+s20+$0x0], $0xffff;
	_ =	sdelay $0x2  }
0x1b6: {  	v46 =	vperm.xlane v29, v3  }
0x1b7: {  	v47 =	vperm.xlane v29, v4  }
0x1b8: {  	v48 =	vperm.xlane v29, v6;
	v30 =	vmul.f32 v46, v28  }
0x1b9: {  	v33 =	vld [tilespmem:s10+$0x30];
	v49 =	vperm.xlane v29, v8;
	v31 =	vmul.f32 v47, v28  }
0x1ba: {  	v50 =	vperm.xlane v29, v10;
	v32 =	vmul.f32 v48, v28;
	[tilespmem:v0+s0+$0x0] =	vst.idx.msk $0xffff, v30  }
0x1bb: {  	v51 =	vperm.xlane v29, v12;
	v34 =	vmul.f32 v49, v28;
	[tilespmem:v5+s0+$0x0] =	vst.idx.msk $0xffff, v31  }
0x1bc: {  	v52 =	vperm.xlane v29, v14;
	v30 =	vmul.f32 v50, v28;
	[tilespmem:v7+s0+$0x0] =	vst.idx.msk $0xffff, v32  }
0x1bd: {  	v29 =	vperm.xlane v29, v16;
	v53 =	vmul.f32 v51, v28;
	[tilespmem:v9+s0+$0x0] =	vst.idx.msk $0xffff, v34  }
0x1be: {  	v54 =	vperm.xlane v33, v3;
	v31 =	vmul.f32 v52, v28;
	[tilespmem:v11+s0+$0x0] =	vst.idx.msk $0xffff, v30  }
0x1bf: {  	v55 =	vperm.xlane v33, v4;
	v29 =	vmul.f32 v29, v28;
	[tilespmem:v13+s0+$0x0] =	vst.idx.msk $0xffff, v53  }
0x1c0: {  	v56 =	vperm.xlane v33, v6;
	v30 =	vmul.f32 v54, v28;
	[tilespmem:v15+s0+$0x0] =	vst.idx.msk $0xffff, v31  }
0x1c1: {  	v57 =	vperm.xlane v33, v8;
	v34 =	vmul.f32 v55, v28;
	[tilespmem:v17+s0+$0x0] =	vst.idx.msk $0xffff, v29  }
0x1c2: {  	v58 =	vperm.xlane v33, v10;
	v29 =	vmul.f32 v56, v28;
	[tilespmem:v18+s0+$0x0] =	vst.idx.msk $0xffff, v30  }
0x1c3: {  	v59 =	vperm.xlane v33, v12;
	v31 =	vmul.f32 v57, v28;
	[tilespmem:v19+s0+$0x0] =	vst.idx.msk $0xffff, v34  }
0x1c4: {  	v60 =	vperm.xlane v33, v14;
	[tilespmem:v20+s0+$0x0] =	vst.idx.msk $0xffff, v29;
	v29 =	vmul.f32 v58, v28  }
0x1c5: {  	p0 =	slt.u32 s19, $0x20;
	v61 =	vperm.xlane v33, v16;
	v62 =	vmul.f32 v59, v28;
	[tilespmem:v21+s0+$0x0] =	vst.idx.msk $0xffff, v31  }
.Ltmp2:
0x1c6: {  	v63 =	vmul.f32 v60, v28;
	[tilespmem:v22+s0+$0x0] =	vst.idx.msk $0xffff, v29;
	(pc) =	sbr.rel @p0 .LBB2_2-.Ltmp2, $4  }
0x1c7: {  	v28 =	vmul.f32 v61, v28;
	[tilespmem:v23+s0+$0x0] =	vst.idx.msk $0xffff, v62  }
0x1c8: {  	[tilespmem:v24+s0+$0x0] =	vst.idx.msk $0xffff, v63  }
0x1c9: {  	s31 =	sadd.s32 $0x80, s22;
	s9 =	sadd.s32 $0xFFFFFD00, s0;
	s10 =	smov.u32 s19;
	[tilespmem:v25+s0+$0x0] =	vst.idx.msk $0xffff, v28  }
0x1ca: {  	[spmem:s2] =	stream.indirect.scatter.add.f32 [tilespmem:s9], [sflag:$0x2], $0x8, s31, s25, $0xb8;
	[tilespmem:$0x1F940] =	vst v63  }
0x1cb: {  	_ =	swait.ge [sflag:s26], $0x400  }
0x1cc: {  	[sflag:s26] =	ssyncset.done $0x0  }
0x1cd: {  	[sflag:s26] =	ssyncadd.s32 $0xFFFFFC00  }
0x1ce: {  	_ =	swait.ge [sflag:s26], $0x400  }
0x1cf: {  	[sflag:s26] =	ssyncset.done $0x0  }
0x1d0: {  	[sflag:s26] =	ssyncadd.s32 $0xFFFFFC00  }
0x1d1: {  	_ =	swait.ge [sflag:s26], $0x400  }
0x1d2: {  	[sflag:s26] =	ssyncset.done $0x0  }
0x1d3: {  	[sflag:s26] =	ssyncadd.s32 $0xFFFFFC00  }
0x1d4: {  	_ =	swait.ge [sflag:s26], $0x400  }
0x1d5: {  	[sflag:s26] =	ssyncset.done $0x0  }
0x1d6: {  	[sflag:s26] =	ssyncadd.s32 $0xFFFFFC00  }
0x1d7: {  	_ =	swait.ge [sflag:s26], $0x400  }
0x1d8: {  	[sflag:s26] =	ssyncset.done $0x0  }
0x1d9: {  	[sflag:s26] =	ssyncadd.s32 $0xFFFFFC00  }
0x1da: {  	_ =	swait.ge [sflag:s26], $0x400  }
0x1db: {  	[sflag:s26] =	ssyncset.done $0x0  }
0x1dc: {  	[sflag:s26] =	ssyncadd.s32 $0xFFFFFC00  }
0x1dd: {  	_ =	swait.ge [sflag:s26], $0x400  }
0x1de: {  	[sflag:s26] =	ssyncset.done $0x0  }
0x1df: {  	[sflag:s26] =	ssyncadd.s32 $0xFFFFFC00  }
0x1e0: {  	_ =	swait.ge [sflag:s26], $0x400  }
0x1e1: {  	[sflag:s26] =	ssyncset.done $0x0  }
0x1e2: {  	[sflag:s26] =	ssyncadd.s32 $0xFFFFFC00  }
0x1e3: {  	_ =	swait.ge [sflag:s26], $0x400  }
0x1e4: {  	[sflag:s26] =	ssyncset.done $0x0  }
0x1e5: {  	[sflag:s26] =	ssyncadd.s32 $0xFFFFFC00  }
0x1e6: {  	_ =	swait.ge [sflag:s26], $0x400  }
0x1e7: {  	[sflag:s26] =	ssyncset.done $0x0  }
0x1e8: {  	[sflag:s26] =	ssyncadd.s32 $0xFFFFFC00  }
0x1e9: {  	_ =	swait.ge [sflag:s26], $0x400  }
0x1ea: {  	[sflag:s26] =	ssyncset.done $0x0  }
0x1eb: {  	[sflag:s26] =	ssyncadd.s32 $0xFFFFFC00  }
0x1ec: {  	_ =	swait.ge [sflag:s26], $0x400  }
0x1ed: {  	[sflag:s26] =	ssyncset.done $0x0  }
0x1ee: {  	[sflag:s26] =	ssyncadd.s32 $0xFFFFFC00  }
0x1ef: {  	_ =	swait.ge [sflag:s26], $0x400  }
0x1f0: {  	[sflag:s26] =	ssyncset.done $0x0  }
0x1f1: {  	[sflag:s26] =	ssyncadd.s32 $0xFFFFFC00  }
0x1f2: {  	_ =	swait.ge [sflag:s26], $0x400  }
0x1f3: {  	[sflag:s26] =	ssyncset.done $0x0  }
0x1f4: {  	[sflag:s26] =	ssyncadd.s32 $0xFFFFFC00  }
0x1f5: {  	_ =	swait.ge [sflag:s26], $0x400  }
0x1f6: {  	[sflag:s26] =	ssyncset.done $0x0  }
0x1f7: {  	[sflag:s26] =	ssyncadd.s32 $0xFFFFFC00  }
0x1f8: {  	_ =	swait.ge [sflag:s26], $0x400  }
0x1f9: {  	[sflag:s26] =	ssyncset.done $0x0  }
0x1fa: {  	[sflag:s26] =	ssyncadd.s32 $0xFFFFFC00  }
0x1fb: {  	_ =	swait.ge [sflag:s26], $0x400  }
0x1fc: {  	[sflag:s26] =	ssyncset.done $0x0  }
0x1fd: {  	[sflag:s26] =	ssyncadd.s32 $0xFFFFFC00  }
0x1fe: {  	_ =	swait.ge [sflag:s26], $0x400  }
0x1ff: {  	[sflag:s26] =	ssyncset.done $0x0  }
0x200: {  	[sflag:s26] =	ssyncadd.s32 $0xFFFFFC00  }
0x201: {  	_ =	swait.ge [sflag:s26], $0x400  }
0x202: {  	[sflag:s26] =	ssyncset.done $0x0  }
0x203: {  	[sflag:s26] =	ssyncadd.s32 $0xFFFFFC00  }
0x204: {  	_ =	swait.ge [sflag:s26], $0x400  }
0x205: {  	[sflag:s26] =	ssyncset.done $0x0  }
0x206: {  	[sflag:s26] =	ssyncadd.s32 $0xFFFFFC00  }
0x207: {  	_ =	swait.ge [sflag:s26], $0x400  }
0x208: {  	[sflag:s26] =	ssyncset.done $0x0  }
0x209: {  	[sflag:s26] =	ssyncadd.s32 $0xFFFFFC00  }
0x20a: {  	_ =	swait.ge [sflag:s26], $0x400  }
0x20b: {  	[sflag:s26] =	ssyncset.done $0x0  }
0x20c: {  	[sflag:s26] =	ssyncadd.s32 $0xFFFFFC00  }
0x20d: {  	_ =	swait.ge [sflag:s26], $0x400  }
0x20e: {  	[sflag:s26] =	ssyncset.done $0x0  }
0x20f: {  	[sflag:s26] =	ssyncadd.s32 $0xFFFFFC00  }
0x210: {  	_ =	swait.ge [sflag:s26], $0x400  }
0x211: {  	[sflag:s26] =	ssyncset.done $0x0  }
0x212: {  	[sflag:s26] =	ssyncadd.s32 $0xFFFFFC00  }
0x213: {  	_ =	swait.ge [sflag:s26], $0x400  }
0x214: {  	[sflag:s26] =	ssyncset.done $0x0  }
0x215: {  	[sflag:s26] =	ssyncadd.s32 $0xFFFFFC00  }
0x216: {  	_ =	swait.ge [sflag:s26], $0x400  }
0x217: {  	[sflag:s26] =	ssyncset.done $0x0  }
0x218: {  	[sflag:s26] =	ssyncadd.s32 $0xFFFFFC00  }
0x219: {  	_ =	swait.ge [sflag:s26], $0x400  }
0x21a: {  	[sflag:s26] =	ssyncset.done $0x0  }
0x21b: {  	[sflag:s26] =	ssyncadd.s32 $0xFFFFFC00  }
0x21c: {  	_ =	swait.ge [sflag:s26], $0x400  }
0x21d: {  	[sflag:s26] =	ssyncset.done $0x0  }
0x21e: {  	[sflag:s26] =	ssyncadd.s32 $0xFFFFFC00  }
0x21f: {  	_ =	swait.ge [sflag:s26], $0x400  }
0x220: {  	[sflag:s26] =	ssyncset.done $0x0  }
0x221: {  	[sflag:s26] =	ssyncadd.s32 $0xFFFFFC00  }
0x222: {  	_ =	swait.ge [sflag:s26], $0x400  }
0x223: {  	[sflag:s26] =	ssyncset.done $0x0  }
0x224: {  	[sflag:s26] =	ssyncadd.s32 $0xFFFFFC00  }
0x225: {  	_ =	swait.ge [sflag:s26], $0x400  }
0x226: {  	[sflag:s26] =	ssyncset.done $0x0  }
0x227: {  	[sflag:s26] =	ssyncadd.s32 $0xFFFFFC00  }
0x228: {  	_ =	swait.ge [sflag:s26], $0x400  }
0x229: {  	[sflag:s26] =	ssyncset.done $0x0  }
0x22a: {  	[sflag:s26] =	ssyncadd.s32 $0xFFFFFC00  }
0x22b: {  	_ =	swait.ge [sflag:s26], $0x400  }
0x22c: {  	[sflag:s26] =	ssyncset.done $0x0  }
0x22d: {  	[sflag:s26] =	ssyncadd.s32 $0xFFFFFC00  }
0x22e: {  	_ =	swait.ge [sflag:s26], $0x400  }
0x22f: {  	[sflag:s26] =	ssyncset.done $0x0  }
0x230: {  	[sflag:s26] =	ssyncadd.s32 $0xFFFFFC00  }
0x231: {  	_ =	swait.ge [sflag:s26], $0x400  }
0x232: {  	[sflag:s26] =	ssyncset.done $0x0  }
0x233: {  	[sflag:s26] =	ssyncadd.s32 $0xFFFFFC00  }
0x234: {  	_ =	swait.ge [sflag:s26], $0x400  }
0x235: {  	[sflag:s26] =	ssyncset.done $0x0  }
0x236: {  	[sflag:s26] =	ssyncadd.s32 $0xFFFFFC00  }
0x237: {  	_ =	swait.ge [sflag:s26], $0x400  }
0x238: {  	[sflag:s26] =	ssyncset.done $0x0  }
0x239: {  	[sflag:s26] =	ssyncadd.s32 $0xFFFFFC00  }
0x23a: {  	_ =	swait.ge [sflag:s26], $0x400  }
0x23b: {  	[sflag:s26] =	ssyncset.done $0x0  }
0x23c: {  	[sflag:s26] =	ssyncadd.s32 $0xFFFFFC00  }
0x23d: {  	_ =	swait.ge [sflag:s26], $0x400  }
0x23e: {  	[sflag:s26] =	ssyncset.done $0x0  }
0x23f: {  	[sflag:s26] =	ssyncadd.s32 $0xFFFFFC00  }
0x240: {  	_ =	swait.ge [sflag:s26], $0x400  }
0x241: {  	[sflag:s26] =	ssyncset.done $0x0  }
0x242: {  	[sflag:s26] =	ssyncadd.s32 $0xFFFFFC00  }
0x243: {  	_ =	swait.ge [sflag:s26], $0x400  }
0x244: {  	[sflag:s26] =	ssyncset.done $0x0  }
0x245: {  	[sflag:s26] =	ssyncadd.s32 $0xFFFFFC00  }
0x246: {  	_ =	swait.ge [sflag:s26], $0x400  }
0x247: {  	[sflag:s26] =	ssyncset.done $0x0  }
0x248: {  	[sflag:s26] =	ssyncadd.s32 $0xFFFFFC00  }
0x249: {  	_ =	swait.ge [sflag:s26], $0x400  }
0x24a: {  	[sflag:s26] =	ssyncset.done $0x0  }
0x24b: {  	[sflag:s26] =	ssyncadd.s32 $0xFFFFFC00  }
0x24c: {  	_ =	swait.ge [sflag:s26], $0x400  }
0x24d: {  	[sflag:s26] =	ssyncset.done $0x0  }
0x24e: {  	[sflag:s26] =	ssyncadd.s32 $0xFFFFFC00  }
0x24f: {  	_ =	swait.ge [sflag:s26], $0x400  }
0x250: {  	[sflag:s26] =	ssyncset.done $0x0  }
0x251: {  	[sflag:s26] =	ssyncadd.s32 $0xFFFFFC00  }
0x252: {  	_ =	swait.ge [sflag:s26], $0x400  }
0x253: {  	[sflag:s26] =	ssyncset.done $0x0  }
0x254: {  	[sflag:s26] =	ssyncadd.s32 $0xFFFFFC00  }
0x255: {  	_ =	swait.ge [sflag:s26], $0x400  }
0x256: {  	[sflag:s26] =	ssyncset.done $0x0  }
0x257: {  	[sflag:s26] =	ssyncadd.s32 $0xFFFFFC00  }
0x258: {  	_ =	swait.ge [sflag:s26], $0x400  }
0x259: {  	[sflag:s26] =	ssyncset.done $0x0  }
0x25a: {  	[sflag:s26] =	ssyncadd.s32 $0xFFFFFC00  }
0x25b: {  	_ =	swait.ge [sflag:s26], $0x400  }
0x25c: {  	[sflag:s26] =	ssyncset.done $0x0  }
0x25d: {  	[sflag:s26] =	ssyncadd.s32 $0xFFFFFC00  }
0x25e: {  	_ =	swait.ge [sflag:s26], $0x400  }
0x25f: {  	[sflag:s26] =	ssyncset.done $0x0  }
0x260: {  	[sflag:s26] =	ssyncadd.s32 $0xFFFFFC00  }
0x261: {  	_ =	swait.ge [sflag:s26], $0x400  }
0x262: {  	[sflag:s26] =	ssyncset.done $0x0  }
0x263: {  	[sflag:s26] =	ssyncadd.s32 $0xFFFFFC00  }
0x264: {  	_ =	swait.ge [sflag:s26], $0x400  }
0x265: {  	[sflag:s26] =	ssyncset.done $0x0  }
0x266: {  	[sflag:s26] =	ssyncadd.s32 $0xFFFFFC00  }
0x267: {  	_ =	swait.ge [sflag:s26], $0x400  }
0x268: {  	[sflag:s26] =	ssyncset.done $0x0  }
0x269: {  	[sflag:s26] =	ssyncadd.s32 $0xFFFFFC00  }
0x26a: {  	_ =	swait.ge [sflag:s26], $0x400  }
0x26b: {  	[sflag:s26] =	ssyncset.done $0x0  }
0x26c: {  	[sflag:s26] =	ssyncadd.s32 $0xFFFFFC00  }
0x26d: {  	_ =	swait.ge [sflag:s26], $0x400  }
0x26e: {  	[sflag:s26] =	ssyncset.done $0x0  }
0x26f: {  	[sflag:s26] =	ssyncadd.s32 $0xFFFFFC00  }
0x270: {  	_ =	swait.ge [sflag:s26], $0x400  }
0x271: {  	[sflag:s26] =	ssyncset.done $0x0  }
0x272: {  	[sflag:s26] =	ssyncadd.s32 $0xFFFFFC00  }
0x273: {  	_ =	swait.ge [sflag:s26], $0x400  }
0x274: {  	[sflag:s26] =	ssyncset.done $0x0  }
0x275: {  	[sflag:s26] =	ssyncadd.s32 $0xFFFFFC00  }
0x276: {  	_ =	swait.ge [sflag:s26], $0x400  }
0x277: {  	[sflag:s26] =	ssyncset.done $0x0  }
0x278: {  	[sflag:s26] =	ssyncadd.s32 $0xFFFFFC00  }
0x279: {  	_ =	swait.ge [sflag:s26], $0x400  }
0x27a: {  	[sflag:s26] =	ssyncset.done $0x0  }
0x27b: {  	[sflag:s26] =	ssyncadd.s32 $0xFFFFFC00  }
0x27c: {  	_ =	swait.ge [sflag:s26], $0x400  }
0x27d: {  	[sflag:s26] =	ssyncset.done $0x0  }
0x27e: {  	[sflag:s26] =	ssyncadd.s32 $0xFFFFFC00  }
0x27f: {  	_ =	swait.ge [sflag:s26], $0x400  }
0x280: {  	[sflag:s26] =	ssyncset.done $0x0  }
0x281: {  	[sflag:s26] =	ssyncadd.s32 $0xFFFFFC00  }
0x282: {  	_ =	swait.ge [sflag:s26], $0x400  }
0x283: {  	[sflag:s26] =	ssyncset.done $0x0  }
0x284: {  	[sflag:s26] =	ssyncadd.s32 $0xFFFFFC00  }
0x285: {  	_ =	swait.ge [sflag:s26], $0x400  }
0x286: {  	[sflag:s26] =	ssyncset.done $0x0  }
0x287: {  	[sflag:s26] =	ssyncadd.s32 $0xFFFFFC00  }
0x288: {  	s30 =	simm.s32 $0x0;
	_ =	swait.ge [sflag:s26], $0x400  }
0x289: {  	v30 =	vmov s30;
	[sflag:s26] =	ssyncset.done $0x0  }
0x28a: {  	v28 =	vshll.u32 v30, $0x3;
	[sflag:s26] =	ssyncadd.s32 $0xFFFFFC00  }
0x28b: {  	v28 =	vor.u32 v26, v28;
	[bflag:$0x0] =	sbarrier.arrive $0xFFFF  }
0x28c: {  	s31 =	simm.s32 $0x2;
	v29 =	vor.u32 v1, v28;
	s0 =	rddreg [dreg:$0x5]  }
0x28d: {  	[tilespmem:s28], [sflag:$0x3] =	stream.linear.gather [spmem:s0], $0x8000, $0x38;
	[tilespmem:$0x1F940] =	vst v63  }
0x28e: {  	s11 =	simm.s32 $0x15D08;
	s19 =	simm.s32 $0x16110;
	_ =	swait.ge [sflag:s21], $0x8000  }
0x28f: {  	s20 =	simm.s32 $0x16518;
	s22 =	simm.s32 $0x16920;
	[sflag:s21] =	ssyncset.done $0x0  }
0x290: {  	s24 =	simm.s32 $0x16D28;
	v30 =	vand.u32 $0x3FF, v30;
	v28 =	vmov s31;
	s0 =	simm.s32 $0x4;
	[sflag:s21] =	ssyncadd.s32 $0xFFFF8000  }
.LBB2_8:
0x291: {  	p0 =	sne.s32 s0, $0x3FE;
	v31 =	vshll.u32 v28, $0x3;
	v32 =	vld.idx.msk [tilespmem:v29+s28+$0x0], $0xffff;
	v29 =	vor.u32 v3, v30  }
0x292: {  	v30 =	vor.u32 v26, v31;
	v31 =	vadd.s32 v27, v29  }
.Ltmp3:
0x293: {  	v29 =	vor.u32 v1, v30;
	(pc) =	sbr.rel @p0 .LBB2_8-.Ltmp3, $2  }
0x294: {  	_ =	sdelay $0x2  }
0x295: {  	v30 =	vand.u32 $0x3FF, v28;
	v28 =	vmov s0;
	s0 =	sadd.s32 $0x2, s0;
	[tilespmem:v31+s29+$0x0] =	vst.idx.msk $0xffff, v32  }
0x296: {  	_ =	sdelay $0x2  }
0x297: {  	v31 =	vshll.u32 v28, $0x3;
	v30 =	vor.u32 v3, v30  }
0x298: {  	v29 =	vld.idx.msk [tilespmem:v29+s28+$0x0], $0xffff;
	v31 =	vor.u32 v26, v31;
	v30 =	vadd.s32 v27, v30  }
0x299: {  	v31 =	vor.u32 v1, v31;
	_ =	sdelay $0x2  }
0x29a: {  	v28 =	vand.u32 $0x3FF, v28  }
0x29b: {  	v28 =	vor.u32 v3, v28;
	[tilespmem:v30+s29+$0x0] =	vst.idx.msk $0xffff, v29  }
0x29c: {  	v28 =	vadd.s32 v27, v28;
	v29 =	vld.idx.msk [tilespmem:v31+s28+$0x0], $0xffff;
	_ =	sdelay $0x4  }
0x29d: {  	s0 =	simm.s32 $0x0;
	[tilespmem:v28+s29+$0x0] =	vst.idx.msk $0xffff, v29  }
0x29e: {  	[hbm4b:s15+s0] =	stream.linear.scatter [tilespmem:s29], [sflag:$0x3], $0x400, $0x38;
	[tilespmem:$0x1F940] =	vst v63  }
0x29f: {  	s3 =	sadd.s32 $0x2000, s15  }
0x2a0: {  	[hbm4b:s3+s0] =	stream.linear.scatter [tilespmem:s11], [sflag:$0x3], $0x400, $0x38;
	[tilespmem:$0x1F940] =	vst v63  }
0x2a1: {  	s31 =	sadd.s32 $0x4000, s15  }
0x2a2: {  	[hbm4b:s31+s0] =	stream.linear.scatter [tilespmem:s19], [sflag:$0x3], $0x400, $0x38;
	[tilespmem:$0x1F940] =	vst v63  }
0x2a3: {  	s9 =	sadd.s32 $0x6000, s15  }
0x2a4: {  	[hbm4b:s9+s0] =	stream.linear.scatter [tilespmem:s20], [sflag:$0x3], $0x400, $0x38;
	[tilespmem:$0x1F940] =	vst v63  }
0x2a5: {  	s10 =	sadd.s32 $0x8000, s15  }
0x2a6: {  	[hbm4b:s10+s0] =	stream.linear.scatter [tilespmem:s22], [sflag:$0x3], $0x400, $0x38;
	[tilespmem:$0x1F940] =	vst v63  }
0x2a7: {  	s30 =	sadd.s32 $0xA000, s15;
	s31 =	simm.s32 $0x400  }
0x2a8: {  	v28 =	vmov s31;
	[hbm4b:s30+s0] =	stream.linear.scatter [tilespmem:s24], [sflag:$0x3], $0x400, $0x38;
	[tilespmem:$0x1F940] =	vst v63  }
0x2a9: {  	s9 =	sadd.s32 $0xC000, s15;
	v28 =	vshll.u32 v28, $0x3;
	s10 =	simm.s32 $0x17130  }
0x2aa: {  	v28 =	vor.u32 v26, v28;
	[hbm4b:s9+s0] =	stream.linear.scatter [tilespmem:s10], [sflag:$0x3], $0x400, $0x38;
	[tilespmem:$0x1F940] =	vst v63  }
0x2ab: {  	v28 =	vor.u32 v1, v28;
	s30 =	sadd.s32 $0xE000, s15  }
0x2ac: {  	[hbm4b:s30+s0] =	stream.linear.scatter [tilespmem:s13], [sflag:$0x3], $0x400, $0x38;
	[tilespmem:$0x1F940] =	vst v63  }
0x2ad: {  	v29 =	vmov s0;
	s31 =	simm.s32 $0x402;
	_ =	swait.ge [sflag:s21], $0x2000  }
0x2ae: {  	v29 =	vand.u32 $0x3FF, v29;
	v30 =	vmov s31;
	[sflag:s21] =	ssyncset.done $0x0  }
0x2af: {  	v29 =	vor.u32 v3, v29;
	v30 =	vshll.u32 v30, $0x3;
	[sflag:s21] =	ssyncadd.s32 $0xFFFFE000  }
0x2b0: {  	v31 =	vor.u32 v26, v30;
	v30 =	vadd.s32 v27, v29;
	v28 =	vld.idx.msk [tilespmem:v28+s28+$0x0], $0xffff  }
0x2b1: {  	v29 =	vor.u32 v1, v31;
	_ =	sdelay $0x1  }
0x2b2: {  	s10 =	simm.s32 $0x2  }
0x2b3: {  	s3 =	simm.s32 $0x6;
	s9 =	simm.s32 $0x404;
	v31 =	vmov s10;
	s0 =	simm.s32 $0x4  }
.LBB2_10:
0x2b4: {  	p0 =	sne.s32 s3, $0x3FE;
	v32 =	vmov s9;
	v31 =	vand.u32 $0x3FF, v31;
	[tilespmem:v30+s29+$0x0] =	vst.idx.msk $0xffff, v28  }
0x2b5: {  	v30 =	vshll.u32 v32, $0x3;
	v28 =	vld.idx.msk [tilespmem:v29+s28+$0x0], $0xffff;
	v29 =	vor.u32 v3, v31  }
.Ltmp4:
0x2b6: {  	v31 =	vor.u32 v26, v30;
	v30 =	vadd.s32 v27, v29;
	(pc) =	sbr.rel @p0 .LBB2_10-.Ltmp4, $2  }
0x2b7: {  	v29 =	vor.u32 v1, v31;
	_ =	sdelay $0x2  }
0x2b8: {  	s9 =	sadd.s32 $0x400, s3;
	v31 =	vmov s0;
	s0 =	smov.u32 s3;
	s3 =	sadd.s32 $0x2, s3  }
0x2b9: {  	_ =	sdelay $0x2  }
0x2ba: {  	v32 =	vmov s9;
	v31 =	vand.u32 $0x3FF, v31  }
0x2bb: {  	[tilespmem:v30+s29+$0x0] =	vst.idx.msk $0xffff, v28;
	v28 =	vshll.u32 v32, $0x3;
	v30 =	vor.u32 v3, v31  }
0x2bc: {  	v29 =	vld.idx.msk [tilespmem:v29+s28+$0x0], $0xffff;
	v28 =	vor.u32 v26, v28;
	v30 =	vadd.s32 v27, v30  }
0x2bd: {  	v28 =	vor.u32 v1, v28;
	_ =	sdelay $0x1  }
0x2be: {  	v31 =	vmov s0  }
0x2bf: {  	v31 =	vand.u32 $0x3FF, v31  }
0x2c0: {  	[tilespmem:v30+s29+$0x0] =	vst.idx.msk $0xffff, v29;
	v29 =	vor.u32 v3, v31  }
0x2c1: {  	v28 =	vld.idx.msk [tilespmem:v28+s28+$0x0], $0xffff;
	v29 =	vadd.s32 v27, v29;
	_ =	sdelay $0x4  }
0x2c2: {  	s0 =	simm.s32 $0x0;
	[tilespmem:v29+s29+$0x0] =	vst.idx.msk $0xffff, v28  }
0x2c3: {  	[hbm4b:s16+s0] =	stream.linear.scatter [tilespmem:s29], [sflag:$0x3], $0x400, $0x38;
	[tilespmem:$0x1F940] =	vst v63  }
0x2c4: {  	s3 =	sadd.s32 $0x2000, s16  }
0x2c5: {  	[hbm4b:s3+s0] =	stream.linear.scatter [tilespmem:s11], [sflag:$0x3], $0x400, $0x38;
	[tilespmem:$0x1F940] =	vst v63  }
0x2c6: {  	s30 =	sadd.s32 $0x4000, s16  }
0x2c7: {  	[hbm4b:s30+s0] =	stream.linear.scatter [tilespmem:s19], [sflag:$0x3], $0x400, $0x38;
	[tilespmem:$0x1F940] =	vst v63  }
0x2c8: {  	s31 =	sadd.s32 $0x6000, s16  }
0x2c9: {  	[hbm4b:s31+s0] =	stream.linear.scatter [tilespmem:s20], [sflag:$0x3], $0x400, $0x38;
	[tilespmem:$0x1F940] =	vst v63  }
0x2ca: {  	s9 =	sadd.s32 $0x8000, s16  }
0x2cb: {  	[hbm4b:s9+s0] =	stream.linear.scatter [tilespmem:s22], [sflag:$0x3], $0x400, $0x38;
	[tilespmem:$0x1F940] =	vst v63  }
0x2cc: {  	s10 =	sadd.s32 $0xA000, s16;
	s30 =	simm.s32 $0x800  }
0x2cd: {  	v28 =	vmov s30;
	[hbm4b:s10+s0] =	stream.linear.scatter [tilespmem:s24], [sflag:$0x3], $0x400, $0x38;
	[tilespmem:$0x1F940] =	vst v63  }
0x2ce: {  	s31 =	sadd.s32 $0xC000, s16;
	v28 =	vshll.u32 v28, $0x3;
	s10 =	simm.s32 $0x17130  }
0x2cf: {  	v28 =	vor.u32 v26, v28;
	[hbm4b:s31+s0] =	stream.linear.scatter [tilespmem:s10], [sflag:$0x3], $0x400, $0x38;
	[tilespmem:$0x1F940] =	vst v63  }
0x2d0: {  	s30 =	sadd.s32 $0xE000, s16;
	v28 =	vor.u32 v1, v28  }
0x2d1: {  	[hbm4b:s30+s0] =	stream.linear.scatter [tilespmem:s13], [sflag:$0x3], $0x400, $0x38;
	[tilespmem:$0x1F940] =	vst v63  }
0x2d2: {  	v29 =	vmov s0;
	s31 =	simm.s32 $0x802;
	_ =	swait.ge [sflag:s21], $0x2000  }
0x2d3: {  	v29 =	vand.u32 $0x3FF, v29;
	v30 =	vmov s31;
	[sflag:s21] =	ssyncset.done $0x0  }
0x2d4: {  	v29 =	vor.u32 v3, v29;
	v30 =	vshll.u32 v30, $0x3;
	[sflag:s21] =	ssyncadd.s32 $0xFFFFE000  }
0x2d5: {  	v31 =	vor.u32 v26, v30;
	v30 =	vadd.s32 v27, v29;
	v28 =	vld.idx.msk [tilespmem:v28+s28+$0x0], $0xffff  }
0x2d6: {  	v29 =	vor.u32 v1, v31;
	_ =	sdelay $0x1  }
0x2d7: {  	s10 =	simm.s32 $0x2  }
0x2d8: {  	s3 =	simm.s32 $0x6;
	s9 =	simm.s32 $0x804;
	s0 =	simm.s32 $0x4;
	v31 =	vmov s10  }
.LBB2_12:
0x2d9: {  	p0 =	sne.s32 s3, $0x3FE;
	v32 =	vmov s9;
	v31 =	vand.u32 $0x3FF, v31;
	[tilespmem:v30+s29+$0x0] =	vst.idx.msk $0xffff, v28  }
0x2da: {  	v30 =	vshll.u32 v32, $0x3;
	v28 =	vld.idx.msk [tilespmem:v29+s28+$0x0], $0xffff;
	v29 =	vor.u32 v3, v31  }
.Ltmp5:
0x2db: {  	v31 =	vor.u32 v26, v30;
	v30 =	vadd.s32 v27, v29;
	(pc) =	sbr.rel @p0 .LBB2_12-.Ltmp5, $2  }
0x2dc: {  	v29 =	vor.u32 v1, v31;
	_ =	sdelay $0x2  }
0x2dd: {  	s9 =	sadd.s32 $0x800, s3;
	v31 =	vmov s0;
	s0 =	smov.u32 s3;
	s3 =	sadd.s32 $0x2, s3  }
0x2de: {  	_ =	sdelay $0x2  }
0x2df: {  	v32 =	vmov s9;
	v31 =	vand.u32 $0x3FF, v31  }
0x2e0: {  	[tilespmem:v30+s29+$0x0] =	vst.idx.msk $0xffff, v28;
	v28 =	vshll.u32 v32, $0x3;
	v30 =	vor.u32 v3, v31  }
0x2e1: {  	v29 =	vld.idx.msk [tilespmem:v29+s28+$0x0], $0xffff;
	v28 =	vor.u32 v26, v28;
	v30 =	vadd.s32 v27, v30  }
0x2e2: {  	v28 =	vor.u32 v1, v28;
	_ =	sdelay $0x1  }
0x2e3: {  	v31 =	vmov s0  }
0x2e4: {  	v31 =	vand.u32 $0x3FF, v31  }
0x2e5: {  	[tilespmem:v30+s29+$0x0] =	vst.idx.msk $0xffff, v29;
	v29 =	vor.u32 v3, v31  }
0x2e6: {  	v28 =	vld.idx.msk [tilespmem:v28+s28+$0x0], $0xffff;
	v29 =	vadd.s32 v27, v29;
	_ =	sdelay $0x4  }
0x2e7: {  	s0 =	simm.s32 $0x0;
	[tilespmem:v29+s29+$0x0] =	vst.idx.msk $0xffff, v28  }
0x2e8: {  	[hbm4b:s17+s0] =	stream.linear.scatter [tilespmem:s29], [sflag:$0x3], $0x400, $0x38;
	[tilespmem:$0x1F940] =	vst v63  }
0x2e9: {  	s3 =	sadd.s32 $0x2000, s17  }
0x2ea: {  	[hbm4b:s3+s0] =	stream.linear.scatter [tilespmem:s11], [sflag:$0x3], $0x400, $0x38;
	[tilespmem:$0x1F940] =	vst v63  }
0x2eb: {  	s30 =	sadd.s32 $0x4000, s17  }
0x2ec: {  	[hbm4b:s30+s0] =	stream.linear.scatter [tilespmem:s19], [sflag:$0x3], $0x400, $0x38;
	[tilespmem:$0x1F940] =	vst v63  }
0x2ed: {  	s31 =	sadd.s32 $0x6000, s17  }
0x2ee: {  	[hbm4b:s31+s0] =	stream.linear.scatter [tilespmem:s20], [sflag:$0x3], $0x400, $0x38;
	[tilespmem:$0x1F940] =	vst v63  }
0x2ef: {  	s9 =	sadd.s32 $0x8000, s17  }
0x2f0: {  	[hbm4b:s9+s0] =	stream.linear.scatter [tilespmem:s22], [sflag:$0x3], $0x400, $0x38;
	[tilespmem:$0x1F940] =	vst v63  }
0x2f1: {  	s10 =	sadd.s32 $0xA000, s17;
	s30 =	simm.s32 $0xC00  }
0x2f2: {  	v28 =	vmov s30;
	[hbm4b:s10+s0] =	stream.linear.scatter [tilespmem:s24], [sflag:$0x3], $0x400, $0x38;
	[tilespmem:$0x1F940] =	vst v63  }
0x2f3: {  	s31 =	sadd.s32 $0xC000, s17;
	v28 =	vshll.u32 v28, $0x3;
	s10 =	simm.s32 $0x17130  }
0x2f4: {  	v28 =	vor.u32 v26, v28;
	[hbm4b:s31+s0] =	stream.linear.scatter [tilespmem:s10], [sflag:$0x3], $0x400, $0x38;
	[tilespmem:$0x1F940] =	vst v63  }
0x2f5: {  	s30 =	sadd.s32 $0xE000, s17;
	v28 =	vor.u32 v1, v28  }
0x2f6: {  	[hbm4b:s30+s0] =	stream.linear.scatter [tilespmem:s13], [sflag:$0x3], $0x400, $0x38;
	[tilespmem:$0x1F940] =	vst v63  }
0x2f7: {  	v29 =	vmov s0;
	s31 =	simm.s32 $0xC02;
	_ =	swait.ge [sflag:s21], $0x2000  }
0x2f8: {  	v29 =	vand.u32 $0x3FF, v29;
	v30 =	vmov s31;
	[sflag:s21] =	ssyncset.done $0x0  }
0x2f9: {  	v29 =	vor.u32 v3, v29;
	v30 =	vshll.u32 v30, $0x3;
	[sflag:s21] =	ssyncadd.s32 $0xFFFFE000  }
0x2fa: {  	v31 =	vor.u32 v26, v30;
	v30 =	vadd.s32 v27, v29;
	v28 =	vld.idx.msk [tilespmem:v28+s28+$0x0], $0xffff  }
0x2fb: {  	v29 =	vor.u32 v1, v31;
	_ =	sdelay $0x1  }
0x2fc: {  	s10 =	simm.s32 $0x2  }
0x2fd: {  	s3 =	simm.s32 $0x6;
	s9 =	simm.s32 $0xC04;
	s0 =	simm.s32 $0x4;
	v31 =	vmov s10  }
.LBB2_14:
0x2fe: {  	p0 =	sne.s32 s3, $0x3FE;
	v32 =	vmov s9;
	v31 =	vand.u32 $0x3FF, v31;
	[tilespmem:v30+s29+$0x0] =	vst.idx.msk $0xffff, v28  }
0x2ff: {  	v30 =	vshll.u32 v32, $0x3;
	v28 =	vld.idx.msk [tilespmem:v29+s28+$0x0], $0xffff;
	v29 =	vor.u32 v3, v31  }
.Ltmp6:
0x300: {  	v31 =	vor.u32 v26, v30;
	v30 =	vadd.s32 v27, v29;
	(pc) =	sbr.rel @p0 .LBB2_14-.Ltmp6, $2  }
0x301: {  	v29 =	vor.u32 v1, v31;
	_ =	sdelay $0x2  }
0x302: {  	s9 =	sadd.s32 $0xC00, s3;
	v31 =	vmov s0;
	s0 =	smov.u32 s3;
	s3 =	sadd.s32 $0x2, s3  }
0x303: {  	_ =	sdelay $0x2  }
0x304: {  	v32 =	vmov s9;
	v31 =	vand.u32 $0x3FF, v31  }
0x305: {  	[tilespmem:v30+s29+$0x0] =	vst.idx.msk $0xffff, v28;
	v28 =	vshll.u32 v32, $0x3;
	v62 =	vor.u32 v3, v31  }
0x306: {  	v29 =	vld.idx.msk [tilespmem:v29+s28+$0x0], $0xffff;
	v28 =	vor.u32 v26, v28;
	v30 =	vadd.s32 v27, v62  }
0x307: {  	v28 =	vor.u32 v1, v28;
	_ =	sdelay $0x1  }
0x308: {  	v63 =	vmov s0  }
0x309: {  	v31 =	vand.u32 $0x3FF, v63  }
0x30a: {  	[tilespmem:v30+s29+$0x0] =	vst.idx.msk $0xffff, v29;
	v29 =	vor.u32 v3, v31  }
0x30b: {  	v28 =	vld.idx.msk [tilespmem:v28+s28+$0x0], $0xffff;
	v29 =	vadd.s32 v27, v29;
	_ =	sdelay $0x4  }
0x30c: {  	[tilespmem:v29+s29+$0x0] =	vst.idx.msk $0xffff, v28  }
0x30d: {  	[hbm4b:s18+s4] =	stream.linear.scatter [tilespmem:s29], [sflag:$0x3], $0x400, $0x38;
	[tilespmem:$0x1F940] =	vst v63  }
0x30e: {  	s10 =	sadd.s32 $0x2000, s18  }
0x30f: {  	[hbm4b:s10+s4] =	stream.linear.scatter [tilespmem:s11], [sflag:$0x3], $0x400, $0x38;
	[tilespmem:$0x1F940] =	vst v63  }
0x310: {  	s11 =	sadd.s32 $0x4000, s18  }
0x311: {  	[hbm4b:s11+s4] =	stream.linear.scatter [tilespmem:s19], [sflag:$0x3], $0x400, $0x38;
	[tilespmem:$0x1F940] =	vst v63  }
0x312: {  	s19 =	sadd.s32 $0x6000, s18  }
0x313: {  	[hbm4b:s19+s4] =	stream.linear.scatter [tilespmem:s20], [sflag:$0x3], $0x400, $0x38;
	[tilespmem:$0x1F940] =	vst v63  }
0x314: {  	s20 =	sadd.s32 $0x8000, s18  }
0x315: {  	[hbm4b:s20+s4] =	stream.linear.scatter [tilespmem:s22], [sflag:$0x3], $0x400, $0x38;
	[tilespmem:$0x1F940] =	vst v63  }
0x316: {  	s22 =	sadd.s32 $0xA000, s18  }
0x317: {  	[hbm4b:s22+s4] =	stream.linear.scatter [tilespmem:s24], [sflag:$0x3], $0x400, $0x38;
	[tilespmem:$0x1F940] =	vst v63  }
0x318: {  	s3 =	simm.s32 $0x17130;
	s24 =	sadd.s32 $0xC000, s18  }
0x319: {  	[hbm4b:s24+s4] =	stream.linear.scatter [tilespmem:s3], [sflag:$0x3], $0x400, $0x38;
	[tilespmem:$0x1F940] =	vst v63  }
0x31a: {  	s30 =	sadd.s32 $0xE000, s18  }
0x31b: {  	[hbm4b:s30+s4] =	stream.linear.scatter [tilespmem:s13], [sflag:$0x3], $0x400, $0x38;
	[tilespmem:$0x1F940] =	vst v63  }
0x31c: {  	_ =	swait.ge [sflag:s21], $0x2000  }
0x31d: {  	s14 =	sadd.s32 $0x1, s14;
	s31 =	rddreg [dreg:$0x9]  }
0x31e: {  	p0 =	sne.s32 s14, s31  }
.Ltmp7:
0x31f: {  	_ = 	snop;
	(pc) =	sbr.rel @p0 .LBB2_1-.Ltmp7, $3  }
0x320: {  	_ =	sdelay $0x1  }
0x321: {  	[sflag:s21] =	ssyncset.done $0x0  }
0x322: {  	[sflag:s21] =	ssyncadd.s32 $0xFFFFE000  }
0x323: {  	_ =	sfence.sel $0x180000  }
0x324: {  	[bflag:$0x0] =	sbarrier.arrive $0xFFFF  }
0x325: {  	_ =	strace $0x90000047  }
0x326: {  	s0 =	stileid.u32;
	[bflag:$0x2] =	sbarrier.arrive $0xFFFF  }
0x327: {  	p0 =	sne.s32 s0, $0x0;
	s0 =	rddreg [dreg:$0x3]  }
0x328: {  	s0 =	sadd.s32 @!p0 $0x100000, s0  }
0x329: {  	[sflag:s0] =	ssyncadd.tile.s32 @!p0 $0x1;
	_ =	shalt  }
.Lfunc_end2:
_tile_overlayer_lowered:
.L_overlay_start_2:
0x32a: {  	(tag) =	ssettag $0x2  }
0x32b: {  	s0 =	rddreg [dreg:$0x0];
	s2 =	stileid.u32  }
0x32c: {  	s1 =	rddreg [dreg:$0x1];
	p0 =	sne.s32 s2, $0x0  }
0x32d: {  	s3 =	rddreg [dreg:$0x2];
	[bflag:$0x3] =	sbarrier.arrive $0xFFFF;
	s2 =	simm.s32 @!p0 $0x1C03  }
0x32e: {  	[timem:s3], [sflag:s2] =	dma.local @!p0 [hbm:s0], s1  }
0x32f: {  	s0 =	simm.s32 @!p0 $0x3  }
0x330: {  	_ =	swait.ge @!p0 [sflag:s0], s1  }
0x331: {  	s1 =	ssub.s32 @!p0 $0x0, s1;
	[sflag:s0] =	ssyncset.done @!p0 $0x0  }
0x332: {  	[sflag:s0] =	ssyncadd.s32 @!p0 s1  }
0x333: {  	[bflag:$0x3] =	sbarrier.arrive $0xFFFF  }
0x334: {  	_ =	shalt  }

</sc_bundles>
